<compile_context>
chip_gen: v7x
topology: tpu7x:2x2x1
jax: 0.10.2.dev20260603
libtpu: 0.0.44.dev20260713+nightly
codegen_flags: <defaults>
</compile_context>

<pallas_src>
import functools

import jax
import jax.numpy as jnp
from jax import lax
from jax.experimental import pallas as pl
from jax.experimental.pallas import tpu as pltpu
from jax.experimental.pallas import tpu_sc as plsc

B = 256
C, H, W = 3, 224, 224
D = C * H * W
NCLS = 1000
ALPHA = 0.2

NC, NS, L = 2, 16, 16
NW = NC * NS

NCH = 49
CH = D // NCH
ROWS = B * NCH
RPW = ROWS // NW
K = 4
NB = RPW // K

YC = 1024
YPW = B // NW

_mesh = plsc.VectorSubcoreMesh(core_axis_name="c", subcore_axis_name="s")


@functools.partial(
    pl.kernel,
    mesh=_mesh,
    out_type=(
        jax.ShapeDtypeStruct((ROWS, CH), jnp.float32),
        jax.ShapeDtypeStruct((B, YC), jnp.float32),
    ),
    scratch_types=[
        pltpu.VMEM((NB, K), jnp.int32),
        pltpu.VMEM((NB, K), jnp.int32),
        pltpu.VMEM((K, CH), jnp.float32),
        pltpu.VMEM((K, CH), jnp.float32),
        pltpu.VMEM((K, CH), jnp.float32),
        pltpu.VMEM((RPW * L,), jnp.float32),
        pltpu.VMEM((YPW,), jnp.int32),
        pltpu.VMEM((YPW,), jnp.int32),
        pltpu.VMEM((YPW, YC), jnp.float32),
        pltpu.VMEM((YPW, YC), jnp.float32),
        pltpu.VMEM((YPW, YC), jnp.float32),
        pltpu.VMEM((YPW * L,), jnp.float32),
        pltpu.SemaphoreType.DMA,
        pltpu.SemaphoreType.DMA,
    ],
)
def _mix_kernel(xr, src1, src2, lamc, yp, ysrc1, ysrc2, ylam,
                out_x, out_y,
                i1_v, i2_v, a_v, b_v, o_v, lam_v,
                yi1_v, yi2_v, ya_v, yb_v, yo_v, ylam_v,
                sem_a, sem_b):
    wid = lax.axis_index("s") * NC + lax.axis_index("c")
    base = wid * RPW

    pltpu.sync_copy(src1.at[wid], i1_v)
    pltpu.sync_copy(src2.at[wid], i2_v)
    pltpu.sync_copy(lamc.at[wid], lam_v)

    def x_iter(t, carry):
        off = t * K
        cp_a = pltpu.make_async_copy(xr.at[i1_v.at[t]], a_v, sem_a)
        cp_b = pltpu.make_async_copy(xr.at[i2_v.at[t]], b_v, sem_b)
        cp_a.start()
        cp_b.start()
        cp_a.wait()
        cp_b.wait()
        for r in range(K):
            lam = lam_v[pl.ds(pl.multiple_of((off + r) * L, L), L)]

            def col(j, _, r=r, lam=lam):
                a = a_v[r, pl.ds(j * L, L)]
                b = b_v[r, pl.ds(j * L, L)]
                o_v[r, pl.ds(j * L, L)] = b + lam * (a - b)
                return _

            lax.fori_loop(0, CH // L, col, 0, unroll=4)
        pltpu.sync_copy(o_v, out_x.at[pl.ds(base + off, K)])
        return carry

    lax.fori_loop(0, NB, x_iter, 0)

    ybase = wid * YPW
    pltpu.sync_copy(ysrc1.at[pl.ds(ybase, YPW)], yi1_v)
    pltpu.sync_copy(ysrc2.at[pl.ds(ybase, YPW)], yi2_v)
    pltpu.sync_copy(ylam.at[wid], ylam_v)
    ycp_a = pltpu.make_async_copy(yp.at[yi1_v], ya_v, sem_a)
    ycp_b = pltpu.make_async_copy(yp.at[yi2_v], yb_v, sem_b)
    ycp_a.start()
    ycp_b.start()
    ycp_a.wait()
    ycp_b.wait()
    for r in range(YPW):
        lam = ylam_v[pl.ds(r * L, L)]

        def ycol(j, _, r=r, lam=lam):
            a = ya_v[r, pl.ds(j * L, L)]
            b = yb_v[r, pl.ds(j * L, L)]
            yo_v[r, pl.ds(j * L, L)] = b + lam * (a - b)
            return _

        lax.fori_loop(0, YC // L, ycol, 0, unroll=4)
    pltpu.sync_copy(yo_v, out_y.at[pl.ds(ybase, YPW)])


def kernel(x, y):
    key = jax.random.key(42)
    k1, k2, k3 = jax.random.split(key, 3)
    idx_1 = jax.random.permutation(k1, B)
    idx_2 = jax.random.permutation(k2, B)
    lam = jax.random.beta(k3, ALPHA, ALPHA, (B,)).astype(jnp.float32)

    carange = jnp.arange(NCH, dtype=jnp.int32)
    src1 = (idx_1.astype(jnp.int32)[:, None] * NCH + carange).reshape(NW, NB, K)
    src2 = (idx_2.astype(jnp.int32)[:, None] * NCH + carange).reshape(NW, NB, K)
    lamc = jnp.broadcast_to(lam[:, None, None], (B, NCH, L)).reshape(NW, RPW * L)
    ylamr = jnp.broadcast_to(lam[:, None], (B, L)).reshape(NW, YPW * L)

    xr = x.reshape(ROWS, CH)
    yp = jnp.pad(y.reshape(B, NCLS), ((0, 0), (0, YC - NCLS)))

    out_x, out_y = _mix_kernel(
        xr, src1, src2, lamc,
        yp, idx_1.astype(jnp.int32), idx_2.astype(jnp.int32), ylamr,
    )
    return (out_x.reshape(B, C, H, W), out_y[:, :NCLS].reshape(B, NCLS, 1, 1))

# --- scband reference (transcript-rebuilt; emitter-appended) ---
"""Pipeline reference for scband-mix-up-84988812853337 (READ-ONLY COPY).

The authoritative reference and input builder live on the scoring server;
editing this copy changes nothing except your own understanding.
"""

import jax, jax.numpy as jnp
import numpy as np

B, C, H, W = 256, 3, 224, 224
NCLS = 1000
ALPHA = 0.2

def setup_inputs(seed: int = 0):
    key = jax.random.key(seed)
    k1, k2 = jax.random.split(key)
    x = jax.random.normal(k1, (B, C, H, W), dtype=jnp.float32)
    y = jax.random.uniform(k2, (B, NCLS, 1, 1), dtype=jnp.float32)
    return {"x": x, "y": y}

def reference(x, y):
    b = x.shape[0]
    key = jax.random.key(42)
    k1, k2, k3 = jax.random.split(key, 3)
    # torch.randperm -> jax.random.permutation (indices are random but fixed by key)
    idx_1 = jax.random.permutation(k1, b)
    idx_2 = jax.random.permutation(k2, b)
    # Beta(alpha, alpha).sample_n(B) -> jax.random.beta
    lam = jax.random.beta(k3, ALPHA, ALPHA, (b,)).astype(jnp.float32)
    lam_x = lam[:, None, None, None]  # unsqueeze(1,1,1), broadcast == expand_as
    lam_y = lam[:, None, None, None]
    x_out = lam_x * jnp.take(x, idx_1, axis=0) + (1.0 - lam_x) * jnp.take(x, idx_2, axis=0)
    y_out = lam_y * jnp.take(y, idx_1, axis=0) + (1.0 - lam_y) * jnp.take(y, idx_2, axis=0)
    return (x_out, y_out)

if __name__ == "__main__":
    import jax
    _d = setup_inputs()
    print(jax.jit(kernel)(*tuple(_d.values())))

</pallas_src>

<mosaic_0001>
#map = affine_map<(d0, d1) -> (0, 0)>
#map1 = affine_map<(d0, d1) -> (0, 0, 0)>
#map2 = affine_map<(d0, d1) -> (0)>
module attributes {stable_mosaic.version = 14 : i64} {
  func.func @_mix_kernel(%arg0: i32, %arg1: i32, %arg2: memref<12544x3072xf32, #tpu.memory_space<hbm>>, %arg3: memref<32x98x4xi32, #tpu.memory_space<hbm>>, %arg4: memref<32x98x4xi32, #tpu.memory_space<hbm>>, %arg5: memref<32x6272xf32, #tpu.memory_space<hbm>>, %arg6: memref<256x1024xf32, #tpu.memory_space<hbm>>, %arg7: memref<256xi32, #tpu.memory_space<hbm>>, %arg8: memref<256xi32, #tpu.memory_space<hbm>>, %arg9: memref<32x128xf32, #tpu.memory_space<hbm>>, %arg10: memref<12544x3072xf32, #tpu.memory_space<hbm>>, %arg11: memref<256x1024xf32, #tpu.memory_space<hbm>>, %arg12: memref<98x4xi32, #tpu.memory_space<vmem>>, %arg13: memref<98x4xi32, #tpu.memory_space<vmem>>, %arg14: memref<4x3072xf32, #tpu.memory_space<vmem>>, %arg15: memref<4x3072xf32, #tpu.memory_space<vmem>>, %arg16: memref<4x3072xf32, #tpu.memory_space<vmem>>, %arg17: memref<6272xf32, #tpu.memory_space<vmem>>, %arg18: memref<8xi32, #tpu.memory_space<vmem>>, %arg19: memref<8xi32, #tpu.memory_space<vmem>>, %arg20: memref<8x1024xf32, #tpu.memory_space<vmem>>, %arg21: memref<8x1024xf32, #tpu.memory_space<vmem>>, %arg22: memref<8x1024xf32, #tpu.memory_space<vmem>>, %arg23: memref<128xf32, #tpu.memory_space<vmem>>, %arg24: memref<!tpu.dma_semaphore, #tpu.memory_space<semaphore_mem>>, %arg25: memref<!tpu.dma_semaphore, #tpu.memory_space<semaphore_mem>>) attributes {dimension_semantics = [#tpu.dimension_semantics<core_parallel>, #tpu.dimension_semantics<subcore_parallel>], iteration_bounds = array<i64: 2, 16>, scalar_prefetch = 0 : i64, scratch_operands = 14 : i64, tpu.core_type = #tpu.core_type<sc_vector_subcore>, window_params = [{transform_indices = #map}, {transform_indices = #map1}, {transform_indices = #map1}, {transform_indices = #map}, {transform_indices = #map}, {transform_indices = #map2}, {transform_indices = #map2}, {transform_indices = #map}, {transform_indices = #map}, {transform_indices = #map}]} {
    %mul3A = arith.constant 2 : i32
    %mul3A_0 = arith.muli %arg1, %mul3A : i32
    %add3A = arith.addi %mul3A_0, %arg0 : i32
    %mul3A_1 = arith.constant 392 : i32
    %mul3A_2 = arith.muli %add3A, %mul3A_1 : i32
    "tpu.region"() ({
      %run_scoped3A = tpu.sem_alloc : memref<!tpu.dma_semaphore, #tpu.memory_space<semaphore_mem>>
      %dma_start3A_91 = arith.constant 0 : i32
      %dma_start3A_92 = arith.constant 0 : i32
      %dma_start3A_93 = tpu.memref_slice %arg3[%add3A, %dma_start3A_91, %dma_start3A_92] : memref<32x98x4xi32, #tpu.memory_space<hbm>> -> memref<1x98x4xi32, #tpu.memory_space<hbm>>
      %dma_start3A_94 = tpu.memref_squeeze %dma_start3A_93 : memref<1x98x4xi32, #tpu.memory_space<hbm>> -> memref<98x4xi32, #tpu.memory_space<hbm>>
      %dma_start3A_95 = arith.constant 0 : i32
      %dma_start3A_96 = arith.constant 0 : i32
      %dma_start3A_97 = tpu.memref_slice %arg3[%add3A, %dma_start3A_95, %dma_start3A_96] : memref<32x98x4xi32, #tpu.memory_space<hbm>> -> memref<1x98x4xi32, #tpu.memory_space<hbm>>
      %dma_start3A_98 = tpu.memref_squeeze %dma_start3A_97 : memref<1x98x4xi32, #tpu.memory_space<hbm>> -> memref<98x4xi32, #tpu.memory_space<hbm>>
      tpu.enqueue_dma source(%dma_start3A_98 : memref<98x4xi32, #tpu.memory_space<hbm>>) target(%arg12 : memref<98x4xi32, #tpu.memory_space<vmem>>) target_semaphore(%run_scoped3A : memref<!tpu.dma_semaphore, #tpu.memory_space<semaphore_mem>>)
      %dma_wait3A_99 = arith.constant 0 : i32
      %dma_wait3A_100 = arith.constant 0 : i32
      %dma_wait3A_101 = tpu.memref_slice %arg3[%add3A, %dma_wait3A_99, %dma_wait3A_100] : memref<32x98x4xi32, #tpu.memory_space<hbm>> -> memref<1x98x4xi32, #tpu.memory_space<hbm>>
      %dma_wait3A_102 = tpu.memref_squeeze %dma_wait3A_101 : memref<1x98x4xi32, #tpu.memory_space<hbm>> -> memref<98x4xi32, #tpu.memory_space<hbm>>
      %dma_wait3A_103 = arith.constant 0 : i32
      %dma_wait3A_104 = arith.constant 0 : i32
      %dma_wait3A_105 = tpu.memref_slice %arg3[%add3A, %dma_wait3A_103, %dma_wait3A_104] : memref<32x98x4xi32, #tpu.memory_space<hbm>> -> memref<1x98x4xi32, #tpu.memory_space<hbm>>
      %dma_wait3A_106 = tpu.memref_squeeze %dma_wait3A_105 : memref<1x98x4xi32, #tpu.memory_space<hbm>> -> memref<98x4xi32, #tpu.memory_space<hbm>>
      tpu.wait_dma2 semaphore(%run_scoped3A : memref<!tpu.dma_semaphore, #tpu.memory_space<semaphore_mem>>) src(%dma_wait3A_106 : memref<98x4xi32, #tpu.memory_space<hbm>>) dst(%arg12 : memref<98x4xi32, #tpu.memory_space<vmem>>)
      tpu.yield
    }) : () -> ()
    "tpu.region"() ({
      %run_scoped3A = tpu.sem_alloc : memref<!tpu.dma_semaphore, #tpu.memory_space<semaphore_mem>>
      %dma_start3A_91 = arith.constant 0 : i32
      %dma_start3A_92 = arith.constant 0 : i32
      %dma_start3A_93 = tpu.memref_slice %arg4[%add3A, %dma_start3A_91, %dma_start3A_92] : memref<32x98x4xi32, #tpu.memory_space<hbm>> -> memref<1x98x4xi32, #tpu.memory_space<hbm>>
      %dma_start3A_94 = tpu.memref_squeeze %dma_start3A_93 : memref<1x98x4xi32, #tpu.memory_space<hbm>> -> memref<98x4xi32, #tpu.memory_space<hbm>>
      %dma_start3A_95 = arith.constant 0 : i32
      %dma_start3A_96 = arith.constant 0 : i32
      %dma_start3A_97 = tpu.memref_slice %arg4[%add3A, %dma_start3A_95, %dma_start3A_96] : memref<32x98x4xi32, #tpu.memory_space<hbm>> -> memref<1x98x4xi32, #tpu.memory_space<hbm>>
      %dma_start3A_98 = tpu.memref_squeeze %dma_start3A_97 : memref<1x98x4xi32, #tpu.memory_space<hbm>> -> memref<98x4xi32, #tpu.memory_space<hbm>>
      tpu.enqueue_dma source(%dma_start3A_98 : memref<98x4xi32, #tpu.memory_space<hbm>>) target(%arg13 : memref<98x4xi32, #tpu.memory_space<vmem>>) target_semaphore(%run_scoped3A : memref<!tpu.dma_semaphore, #tpu.memory_space<semaphore_mem>>)
      %dma_wait3A_99 = arith.constant 0 : i32
      %dma_wait3A_100 = arith.constant 0 : i32
      %dma_wait3A_101 = tpu.memref_slice %arg4[%add3A, %dma_wait3A_99, %dma_wait3A_100] : memref<32x98x4xi32, #tpu.memory_space<hbm>> -> memref<1x98x4xi32, #tpu.memory_space<hbm>>
      %dma_wait3A_102 = tpu.memref_squeeze %dma_wait3A_101 : memref<1x98x4xi32, #tpu.memory_space<hbm>> -> memref<98x4xi32, #tpu.memory_space<hbm>>
      %dma_wait3A_103 = arith.constant 0 : i32
      %dma_wait3A_104 = arith.constant 0 : i32
      %dma_wait3A_105 = tpu.memref_slice %arg4[%add3A, %dma_wait3A_103, %dma_wait3A_104] : memref<32x98x4xi32, #tpu.memory_space<hbm>> -> memref<1x98x4xi32, #tpu.memory_space<hbm>>
      %dma_wait3A_106 = tpu.memref_squeeze %dma_wait3A_105 : memref<1x98x4xi32, #tpu.memory_space<hbm>> -> memref<98x4xi32, #tpu.memory_space<hbm>>
      tpu.wait_dma2 semaphore(%run_scoped3A : memref<!tpu.dma_semaphore, #tpu.memory_space<semaphore_mem>>) src(%dma_wait3A_106 : memref<98x4xi32, #tpu.memory_space<hbm>>) dst(%arg13 : memref<98x4xi32, #tpu.memory_space<vmem>>)
      tpu.yield
    }) : () -> ()
    "tpu.region"() ({
      %run_scoped3A = tpu.sem_alloc : memref<!tpu.dma_semaphore, #tpu.memory_space<semaphore_mem>>
      %dma_start3A_91 = arith.constant 0 : i32
      %dma_start3A_92 = tpu.memref_slice %arg5[%add3A, %dma_start3A_91] : memref<32x6272xf32, #tpu.memory_space<hbm>> -> memref<1x6272xf32, #tpu.memory_space<hbm>>
      %dma_start3A_93 = tpu.memref_squeeze %dma_start3A_92 : memref<1x6272xf32, #tpu.memory_space<hbm>> -> memref<6272xf32, #tpu.memory_space<hbm>>
      %dma_start3A_94 = arith.constant 0 : i32
      %dma_start3A_95 = tpu.memref_slice %arg5[%add3A, %dma_start3A_94] : memref<32x6272xf32, #tpu.memory_space<hbm>> -> memref<1x6272xf32, #tpu.memory_space<hbm>>
      %dma_start3A_96 = tpu.memref_squeeze %dma_start3A_95 : memref<1x6272xf32, #tpu.memory_space<hbm>> -> memref<6272xf32, #tpu.memory_space<hbm>>
      tpu.enqueue_dma source(%dma_start3A_96 : memref<6272xf32, #tpu.memory_space<hbm>>) target(%arg17 : memref<6272xf32, #tpu.memory_space<vmem>>) target_semaphore(%run_scoped3A : memref<!tpu.dma_semaphore, #tpu.memory_space<semaphore_mem>>)
      %dma_wait3A_97 = arith.constant 0 : i32
      %dma_wait3A_98 = tpu.memref_slice %arg5[%add3A, %dma_wait3A_97] : memref<32x6272xf32, #tpu.memory_space<hbm>> -> memref<1x6272xf32, #tpu.memory_space<hbm>>
      %dma_wait3A_99 = tpu.memref_squeeze %dma_wait3A_98 : memref<1x6272xf32, #tpu.memory_space<hbm>> -> memref<6272xf32, #tpu.memory_space<hbm>>
      %dma_wait3A_100 = arith.constant 0 : i32
      %dma_wait3A_101 = tpu.memref_slice %arg5[%add3A, %dma_wait3A_100] : memref<32x6272xf32, #tpu.memory_space<hbm>> -> memref<1x6272xf32, #tpu.memory_space<hbm>>
      %dma_wait3A_102 = tpu.memref_squeeze %dma_wait3A_101 : memref<1x6272xf32, #tpu.memory_space<hbm>> -> memref<6272xf32, #tpu.memory_space<hbm>>
      tpu.wait_dma2 semaphore(%run_scoped3A : memref<!tpu.dma_semaphore, #tpu.memory_space<semaphore_mem>>) src(%dma_wait3A_102 : memref<6272xf32, #tpu.memory_space<hbm>>) dst(%arg17 : memref<6272xf32, #tpu.memory_space<vmem>>)
      tpu.yield
    }) : () -> ()
    %scan3A = arith.constant 0 : i32
    %scan3A_3 = arith.constant 0 : i32
    %scan3A_4 = arith.constant 98 : i32
    %scan3A_5 = arith.addi %scan3A_3, %scan3A_4 : i32
    %scan3A_6 = arith.constant 1 : i32
    scf.for %scan3A_91 = %scan3A_3 to %scan3A_5 step %scan3A_6  : i32 {
      %mul3A_92 = arith.constant 4 : i32
      %mul3A_93 = arith.muli %scan3A_91, %mul3A_92 : i32
      %dma_start3A_94 = arith.constant 0 : i32
      %dma_start3A_95 = tpu.memref_slice %arg12[%scan3A_91, %dma_start3A_94] : memref<98x4xi32, #tpu.memory_space<vmem>> -> memref<1x4xi32, #tpu.memory_space<vmem>>
      %dma_start3A_96 = tpu.memref_squeeze %dma_start3A_95 : memref<1x4xi32, #tpu.memory_space<vmem>> -> memref<4xi32, #tpu.memory_space<vmem>>
      %dma_start3A_97 = arith.constant 0 : i32
      %dma_start3A_98 = arith.constant 0 : i32
      %dma_start3A_99 = tpu.memref_slice %arg2[%dma_start3A_97, %dma_start3A_98] : memref<12544x3072xf32, #tpu.memory_space<hbm>> -> memref<12544x3072xf32, #tpu.memory_space<hbm>>
      tpu.enqueue_indirect_dma source(%dma_start3A_99 : memref<12544x3072xf32, #tpu.memory_space<hbm>>) target(%arg14 : memref<4x3072xf32, #tpu.memory_space<vmem>>) offsets(%dma_start3A_96 : memref<4xi32, #tpu.memory_space<vmem>>) semaphore(%arg24 : memref<!tpu.dma_semaphore, #tpu.memory_space<semaphore_mem>>)
      %dma_start3A_100 = arith.constant 0 : i32
      %dma_start3A_101 = tpu.memref_slice %arg13[%scan3A_91, %dma_start3A_100] : memref<98x4xi32, #tpu.memory_space<vmem>> -> memref<1x4xi32, #tpu.memory_space<vmem>>
      %dma_start3A_102 = tpu.memref_squeeze %dma_start3A_101 : memref<1x4xi32, #tpu.memory_space<vmem>> -> memref<4xi32, #tpu.memory_space<vmem>>
      %dma_start3A_103 = arith.constant 0 : i32
      %dma_start3A_104 = arith.constant 0 : i32
      %dma_start3A_105 = tpu.memref_slice %arg2[%dma_start3A_103, %dma_start3A_104] : memref<12544x3072xf32, #tpu.memory_space<hbm>> -> memref<12544x3072xf32, #tpu.memory_space<hbm>>
      tpu.enqueue_indirect_dma source(%dma_start3A_105 : memref<12544x3072xf32, #tpu.memory_space<hbm>>) target(%arg15 : memref<4x3072xf32, #tpu.memory_space<vmem>>) offsets(%dma_start3A_102 : memref<4xi32, #tpu.memory_space<vmem>>) semaphore(%arg25 : memref<!tpu.dma_semaphore, #tpu.memory_space<semaphore_mem>>)
      %dma_wait3A_106 = arith.constant 0 : i32
      %dma_wait3A_107 = tpu.memref_slice %arg12[%scan3A_91, %dma_wait3A_106] : memref<98x4xi32, #tpu.memory_space<vmem>> -> memref<1x4xi32, #tpu.memory_space<vmem>>
      %dma_wait3A_108 = tpu.memref_squeeze %dma_wait3A_107 : memref<1x4xi32, #tpu.memory_space<vmem>> -> memref<4xi32, #tpu.memory_space<vmem>>
      %dma_wait3A_109 = arith.constant 0 : i32
      %dma_wait3A_110 = arith.constant 0 : i32
      %dma_wait3A_111 = tpu.memref_slice %arg2[%dma_wait3A_109, %dma_wait3A_110] : memref<12544x3072xf32, #tpu.memory_space<hbm>> -> memref<12544x3072xf32, #tpu.memory_space<hbm>>
      tpu.wait_indirect_dma semaphore(%arg24 : memref<!tpu.dma_semaphore, #tpu.memory_space<semaphore_mem>>) src(%dma_wait3A_111 : memref<12544x3072xf32, #tpu.memory_space<hbm>>) dst(%arg14 : memref<4x3072xf32, #tpu.memory_space<vmem>>)
      %dma_wait3A_112 = arith.constant 0 : i32
      %dma_wait3A_113 = tpu.memref_slice %arg13[%scan3A_91, %dma_wait3A_112] : memref<98x4xi32, #tpu.memory_space<vmem>> -> memref<1x4xi32, #tpu.memory_space<vmem>>
      %dma_wait3A_114 = tpu.memref_squeeze %dma_wait3A_113 : memref<1x4xi32, #tpu.memory_space<vmem>> -> memref<4xi32, #tpu.memory_space<vmem>>
      %dma_wait3A_115 = arith.constant 0 : i32
      %dma_wait3A_116 = arith.constant 0 : i32
      %dma_wait3A_117 = tpu.memref_slice %arg2[%dma_wait3A_115, %dma_wait3A_116] : memref<12544x3072xf32, #tpu.memory_space<hbm>> -> memref<12544x3072xf32, #tpu.memory_space<hbm>>
      tpu.wait_indirect_dma semaphore(%arg25 : memref<!tpu.dma_semaphore, #tpu.memory_space<semaphore_mem>>) src(%dma_wait3A_117 : memref<12544x3072xf32, #tpu.memory_space<hbm>>) dst(%arg15 : memref<4x3072xf32, #tpu.memory_space<vmem>>)
      %add3A_118 = arith.constant 0 : i32
      %add3A_119 = arith.addi %mul3A_93, %add3A_118 : i32
      %mul3A_120 = arith.constant 16 : i32
      %mul3A_121 = arith.muli %add3A_119, %mul3A_120 : i32
      %multiple_of3A = tpu.assume_multiple %mul3A_121, 16 : i32
      %get3A_122 = arith.index_cast %multiple_of3A : i32 to index
      %get3A_123 = tpu.vector_load %arg17[%get3A_122] {strides = array<i32>} : memref<6272xf32, #tpu.memory_space<vmem>>, vector<16xf32>,
      %get3A_124 = vector.shape_cast %get3A_123 : vector<16xf32> to vector<16xf32>
      %scan3A_125 = arith.constant 0 : i32
      %scan3A_126 = arith.constant 0 : i32
      %scan3A_127 = arith.constant 192 : i32
      %scan3A_128 = arith.addi %scan3A_126, %scan3A_127 : i32
      %scan3A_129 = arith.constant 4 : i32
      scf.for %scan3A_174 = %scan3A_126 to %scan3A_128 step %scan3A_129  : i32 {
        %mul3A_175 = arith.constant 16 : i32
        %mul3A_176 = arith.muli %scan3A_174, %mul3A_175 : i32
        %get3A_177 = arith.constant 0 : i32
        %get3A_178 = arith.index_cast %get3A_177 : i32 to index
        %get3A_179 = arith.index_cast %mul3A_176 : i32 to index
        %get3A_180 = tpu.vector_load %arg14[%get3A_178, %get3A_179] {strides = array<i32>} : memref<4x3072xf32, #tpu.memory_space<vmem>>, vector<1x16xf32>,
        %get3A_181 = vector.shape_cast %get3A_180 : vector<1x16xf32> to vector<16xf32>
        %mul3A_182 = arith.constant 16 : i32
        %mul3A_183 = arith.muli %scan3A_174, %mul3A_182 : i32
        %get3A_184 = arith.constant 0 : i32
        %get3A_185 = arith.index_cast %get3A_184 : i32 to index
        %get3A_186 = arith.index_cast %mul3A_183 : i32 to index
        %get3A_187 = tpu.vector_load %arg15[%get3A_185, %get3A_186] {strides = array<i32>} : memref<4x3072xf32, #tpu.memory_space<vmem>>, vector<1x16xf32>,
        %get3A_188 = vector.shape_cast %get3A_187 : vector<1x16xf32> to vector<16xf32>
        %sub3A = arith.subf %get3A_181, %get3A_188 : vector<16xf32>
        %mul3A_189 = arith.mulf %get3A_124, %sub3A : vector<16xf32>
        %add3A_190 = arith.addf %get3A_188, %mul3A_189 : vector<16xf32>
        %mul3A_191 = arith.constant 16 : i32
        %mul3A_192 = arith.muli %scan3A_174, %mul3A_191 : i32
        %swap3A = arith.constant 0 : i32
        %swap3A_193 = arith.index_cast %swap3A : i32 to index
        %swap3A_194 = arith.index_cast %mul3A_192 : i32 to index
        %swap3A_195 = tpu.vector_load %arg16[%swap3A_193, %swap3A_194] {strides = array<i32>} : memref<4x3072xf32, #tpu.memory_space<vmem>>, vector<1x16xf32>,
        %swap3A_196 = vector.shape_cast %swap3A_195 : vector<1x16xf32> to vector<16xf32>
        %swap3A_197 = vector.shape_cast %add3A_190 : vector<16xf32> to vector<1x16xf32>
        tpu.vector_store %arg16[%swap3A_193, %swap3A_194], %swap3A_197 {strides = array<i32>} : memref<4x3072xf32, #tpu.memory_space<vmem>>, vector<1x16xf32>,
        %scan3A_198 = arith.constant 1 : i32
        %scan3A_199 = arith.addi %scan3A_174, %scan3A_198 : i32
        %mul3A_200 = arith.constant 16 : i32
        %mul3A_201 = arith.muli %scan3A_199, %mul3A_200 : i32
        %get3A_202 = arith.constant 0 : i32
        %get3A_203 = arith.index_cast %get3A_202 : i32 to index
        %get3A_204 = arith.index_cast %mul3A_201 : i32 to index
        %get3A_205 = tpu.vector_load %arg14[%get3A_203, %get3A_204] {strides = array<i32>} : memref<4x3072xf32, #tpu.memory_space<vmem>>, vector<1x16xf32>,
        %get3A_206 = vector.shape_cast %get3A_205 : vector<1x16xf32> to vector<16xf32>
        %mul3A_207 = arith.constant 16 : i32
        %mul3A_208 = arith.muli %scan3A_199, %mul3A_207 : i32
        %get3A_209 = arith.constant 0 : i32
        %get3A_210 = arith.index_cast %get3A_209 : i32 to index
        %get3A_211 = arith.index_cast %mul3A_208 : i32 to index
        %get3A_212 = tpu.vector_load %arg15[%get3A_210, %get3A_211] {strides = array<i32>} : memref<4x3072xf32, #tpu.memory_space<vmem>>, vector<1x16xf32>,
        %get3A_213 = vector.shape_cast %get3A_212 : vector<1x16xf32> to vector<16xf32>
        %sub3A_214 = arith.subf %get3A_206, %get3A_213 : vector<16xf32>
        %mul3A_215 = arith.mulf %get3A_124, %sub3A_214 : vector<16xf32>
        %add3A_216 = arith.addf %get3A_213, %mul3A_215 : vector<16xf32>
        %mul3A_217 = arith.constant 16 : i32
        %mul3A_218 = arith.muli %scan3A_199, %mul3A_217 : i32
        %swap3A_219 = arith.constant 0 : i32
        %swap3A_220 = arith.index_cast %swap3A_219 : i32 to index
        %swap3A_221 = arith.index_cast %mul3A_218 : i32 to index
        %swap3A_222 = tpu.vector_load %arg16[%swap3A_220, %swap3A_221] {strides = array<i32>} : memref<4x3072xf32, #tpu.memory_space<vmem>>, vector<1x16xf32>,
        %swap3A_223 = vector.shape_cast %swap3A_222 : vector<1x16xf32> to vector<16xf32>
        %swap3A_224 = vector.shape_cast %add3A_216 : vector<16xf32> to vector<1x16xf32>
        tpu.vector_store %arg16[%swap3A_220, %swap3A_221], %swap3A_224 {strides = array<i32>} : memref<4x3072xf32, #tpu.memory_space<vmem>>, vector<1x16xf32>,
        %scan3A_225 = arith.constant 2 : i32
        %scan3A_226 = arith.addi %scan3A_174, %scan3A_225 : i32
        %mul3A_227 = arith.constant 16 : i32
        %mul3A_228 = arith.muli %scan3A_226, %mul3A_227 : i32
        %get3A_229 = arith.constant 0 : i32
        %get3A_230 = arith.index_cast %get3A_229 : i32 to index
        %get3A_231 = arith.index_cast %mul3A_228 : i32 to index
        %get3A_232 = tpu.vector_load %arg14[%get3A_230, %get3A_231] {strides = array<i32>} : memref<4x3072xf32, #tpu.memory_space<vmem>>, vector<1x16xf32>,
        %get3A_233 = vector.shape_cast %get3A_232 : vector<1x16xf32> to vector<16xf32>
        %mul3A_234 = arith.constant 16 : i32
        %mul3A_235 = arith.muli %scan3A_226, %mul3A_234 : i32
        %get3A_236 = arith.constant 0 : i32
        %get3A_237 = arith.index_cast %get3A_236 : i32 to index
        %get3A_238 = arith.index_cast %mul3A_235 : i32 to index
        %get3A_239 = tpu.vector_load %arg15[%get3A_237, %get3A_238] {strides = array<i32>} : memref<4x3072xf32, #tpu.memory_space<vmem>>, vector<1x16xf32>,
        %get3A_240 = vector.shape_cast %get3A_239 : vector<1x16xf32> to vector<16xf32>
        %sub3A_241 = arith.subf %get3A_233, %get3A_240 : vector<16xf32>
        %mul3A_242 = arith.mulf %get3A_124, %sub3A_241 : vector<16xf32>
        %add3A_243 = arith.addf %get3A_240, %mul3A_242 : vector<16xf32>
        %mul3A_244 = arith.constant 16 : i32
        %mul3A_245 = arith.muli %scan3A_226, %mul3A_244 : i32
        %swap3A_246 = arith.constant 0 : i32
        %swap3A_247 = arith.index_cast %swap3A_246 : i32 to index
        %swap3A_248 = arith.index_cast %mul3A_245 : i32 to index
        %swap3A_249 = tpu.vector_load %arg16[%swap3A_247, %swap3A_248] {strides = array<i32>} : memref<4x3072xf32, #tpu.memory_space<vmem>>, vector<1x16xf32>,
        %swap3A_250 = vector.shape_cast %swap3A_249 : vector<1x16xf32> to vector<16xf32>
        %swap3A_251 = vector.shape_cast %add3A_243 : vector<16xf32> to vector<1x16xf32>
        tpu.vector_store %arg16[%swap3A_247, %swap3A_248], %swap3A_251 {strides = array<i32>} : memref<4x3072xf32, #tpu.memory_space<vmem>>, vector<1x16xf32>,
        %scan3A_252 = arith.constant 3 : i32
        %scan3A_253 = arith.addi %scan3A_174, %scan3A_252 : i32
        %mul3A_254 = arith.constant 16 : i32
        %mul3A_255 = arith.muli %scan3A_253, %mul3A_254 : i32
        %get3A_256 = arith.constant 0 : i32
        %get3A_257 = arith.index_cast %get3A_256 : i32 to index
        %get3A_258 = arith.index_cast %mul3A_255 : i32 to index
        %get3A_259 = tpu.vector_load %arg14[%get3A_257, %get3A_258] {strides = array<i32>} : memref<4x3072xf32, #tpu.memory_space<vmem>>, vector<1x16xf32>,
        %get3A_260 = vector.shape_cast %get3A_259 : vector<1x16xf32> to vector<16xf32>
        %mul3A_261 = arith.constant 16 : i32
        %mul3A_262 = arith.muli %scan3A_253, %mul3A_261 : i32
        %get3A_263 = arith.constant 0 : i32
        %get3A_264 = arith.index_cast %get3A_263 : i32 to index
        %get3A_265 = arith.index_cast %mul3A_262 : i32 to index
        %get3A_266 = tpu.vector_load %arg15[%get3A_264, %get3A_265] {strides = array<i32>} : memref<4x3072xf32, #tpu.memory_space<vmem>>, vector<1x16xf32>,
        %get3A_267 = vector.shape_cast %get3A_266 : vector<1x16xf32> to vector<16xf32>
        %sub3A_268 = arith.subf %get3A_260, %get3A_267 : vector<16xf32>
        %mul3A_269 = arith.mulf %get3A_124, %sub3A_268 : vector<16xf32>
        %add3A_270 = arith.addf %get3A_267, %mul3A_269 : vector<16xf32>
        %mul3A_271 = arith.constant 16 : i32
        %mul3A_272 = arith.muli %scan3A_253, %mul3A_271 : i32
        %swap3A_273 = arith.constant 0 : i32
        %swap3A_274 = arith.index_cast %swap3A_273 : i32 to index
        %swap3A_275 = arith.index_cast %mul3A_272 : i32 to index
        %swap3A_276 = tpu.vector_load %arg16[%swap3A_274, %swap3A_275] {strides = array<i32>} : memref<4x3072xf32, #tpu.memory_space<vmem>>, vector<1x16xf32>,
        %swap3A_277 = vector.shape_cast %swap3A_276 : vector<1x16xf32> to vector<16xf32>
        %swap3A_278 = vector.shape_cast %add3A_270 : vector<16xf32> to vector<1x16xf32>
        tpu.vector_store %arg16[%swap3A_274, %swap3A_275], %swap3A_278 {strides = array<i32>} : memref<4x3072xf32, #tpu.memory_space<vmem>>, vector<1x16xf32>,
      }
      %scan3A_130 = arith.constant 192 : i32
      %add3A_131 = arith.constant 1 : i32
      %add3A_132 = arith.addi %mul3A_93, %add3A_131 : i32
      %mul3A_133 = arith.constant 16 : i32
      %mul3A_134 = arith.muli %add3A_132, %mul3A_133 : i32
      %multiple_of3A_135 = tpu.assume_multiple %mul3A_134, 16 : i32
      %get3A_136 = arith.index_cast %multiple_of3A_135 : i32 to index
      %get3A_137 = tpu.vector_load %arg17[%get3A_136] {strides = array<i32>} : memref<6272xf32, #tpu.memory_space<vmem>>, vector<16xf32>,
      %get3A_138 = vector.shape_cast %get3A_137 : vector<16xf32> to vector<16xf32>
      %scan3A_139 = arith.constant 0 : i32
      %scan3A_140 = arith.constant 0 : i32
      %scan3A_141 = arith.constant 192 : i32
      %scan3A_142 = arith.addi %scan3A_140, %scan3A_141 : i32
      %scan3A_143 = arith.constant 4 : i32
      scf.for %scan3A_174 = %scan3A_140 to %scan3A_142 step %scan3A_143  : i32 {
        %mul3A_175 = arith.constant 16 : i32
        %mul3A_176 = arith.muli %scan3A_174, %mul3A_175 : i32
        %get3A_177 = arith.constant 1 : i32
        %get3A_178 = arith.index_cast %get3A_177 : i32 to index
        %get3A_179 = arith.index_cast %mul3A_176 : i32 to index
        %get3A_180 = tpu.vector_load %arg14[%get3A_178, %get3A_179] {strides = array<i32>} : memref<4x3072xf32, #tpu.memory_space<vmem>>, vector<1x16xf32>,
        %get3A_181 = vector.shape_cast %get3A_180 : vector<1x16xf32> to vector<16xf32>
        %mul3A_182 = arith.constant 16 : i32
        %mul3A_183 = arith.muli %scan3A_174, %mul3A_182 : i32
        %get3A_184 = arith.constant 1 : i32
        %get3A_185 = arith.index_cast %get3A_184 : i32 to index
        %get3A_186 = arith.index_cast %mul3A_183 : i32 to index
        %get3A_187 = tpu.vector_load %arg15[%get3A_185, %get3A_186] {strides = array<i32>} : memref<4x3072xf32, #tpu.memory_space<vmem>>, vector<1x16xf32>,
        %get3A_188 = vector.shape_cast %get3A_187 : vector<1x16xf32> to vector<16xf32>
        %sub3A = arith.subf %get3A_181, %get3A_188 : vector<16xf32>
        %mul3A_189 = arith.mulf %get3A_138, %sub3A : vector<16xf32>
        %add3A_190 = arith.addf %get3A_188, %mul3A_189 : vector<16xf32>
        %mul3A_191 = arith.constant 16 : i32
        %mul3A_192 = arith.muli %scan3A_174, %mul3A_191 : i32
        %swap3A = arith.constant 1 : i32
        %swap3A_193 = arith.index_cast %swap3A : i32 to index
        %swap3A_194 = arith.index_cast %mul3A_192 : i32 to index
        %swap3A_195 = tpu.vector_load %arg16[%swap3A_193, %swap3A_194] {strides = array<i32>} : memref<4x3072xf32, #tpu.memory_space<vmem>>, vector<1x16xf32>,
        %swap3A_196 = vector.shape_cast %swap3A_195 : vector<1x16xf32> to vector<16xf32>
        %swap3A_197 = vector.shape_cast %add3A_190 : vector<16xf32> to vector<1x16xf32>
        tpu.vector_store %arg16[%swap3A_193, %swap3A_194], %swap3A_197 {strides = array<i32>} : memref<4x3072xf32, #tpu.memory_space<vmem>>, vector<1x16xf32>,
        %scan3A_198 = arith.constant 1 : i32
        %scan3A_199 = arith.addi %scan3A_174, %scan3A_198 : i32
        %mul3A_200 = arith.constant 16 : i32
        %mul3A_201 = arith.muli %scan3A_199, %mul3A_200 : i32
        %get3A_202 = arith.constant 1 : i32
        %get3A_203 = arith.index_cast %get3A_202 : i32 to index
        %get3A_204 = arith.index_cast %mul3A_201 : i32 to index
        %get3A_205 = tpu.vector_load %arg14[%get3A_203, %get3A_204] {strides = array<i32>} : memref<4x3072xf32, #tpu.memory_space<vmem>>, vector<1x16xf32>,
        %get3A_206 = vector.shape_cast %get3A_205 : vector<1x16xf32> to vector<16xf32>
        %mul3A_207 = arith.constant 16 : i32
        %mul3A_208 = arith.muli %scan3A_199, %mul3A_207 : i32
        %get3A_209 = arith.constant 1 : i32
        %get3A_210 = arith.index_cast %get3A_209 : i32 to index
        %get3A_211 = arith.index_cast %mul3A_208 : i32 to index
        %get3A_212 = tpu.vector_load %arg15[%get3A_210, %get3A_211] {strides = array<i32>} : memref<4x3072xf32, #tpu.memory_space<vmem>>, vector<1x16xf32>,
        %get3A_213 = vector.shape_cast %get3A_212 : vector<1x16xf32> to vector<16xf32>
        %sub3A_214 = arith.subf %get3A_206, %get3A_213 : vector<16xf32>
        %mul3A_215 = arith.mulf %get3A_138, %sub3A_214 : vector<16xf32>
        %add3A_216 = arith.addf %get3A_213, %mul3A_215 : vector<16xf32>
        %mul3A_217 = arith.constant 16 : i32
        %mul3A_218 = arith.muli %scan3A_199, %mul3A_217 : i32
        %swap3A_219 = arith.constant 1 : i32
        %swap3A_220 = arith.index_cast %swap3A_219 : i32 to index
        %swap3A_221 = arith.index_cast %mul3A_218 : i32 to index
        %swap3A_222 = tpu.vector_load %arg16[%swap3A_220, %swap3A_221] {strides = array<i32>} : memref<4x3072xf32, #tpu.memory_space<vmem>>, vector<1x16xf32>,
        %swap3A_223 = vector.shape_cast %swap3A_222 : vector<1x16xf32> to vector<16xf32>
        %swap3A_224 = vector.shape_cast %add3A_216 : vector<16xf32> to vector<1x16xf32>
        tpu.vector_store %arg16[%swap3A_220, %swap3A_221], %swap3A_224 {strides = array<i32>} : memref<4x3072xf32, #tpu.memory_space<vmem>>, vector<1x16xf32>,
        %scan3A_225 = arith.constant 2 : i32
        %scan3A_226 = arith.addi %scan3A_174, %scan3A_225 : i32
        %mul3A_227 = arith.constant 16 : i32
        %mul3A_228 = arith.muli %scan3A_226, %mul3A_227 : i32
        %get3A_229 = arith.constant 1 : i32
        %get3A_230 = arith.index_cast %get3A_229 : i32 to index
        %get3A_231 = arith.index_cast %mul3A_228 : i32 to index
        %get3A_232 = tpu.vector_load %arg14[%get3A_230, %get3A_231] {strides = array<i32>} : memref<4x3072xf32, #tpu.memory_space<vmem>>, vector<1x16xf32>,
        %get3A_233 = vector.shape_cast %get3A_232 : vector<1x16xf32> to vector<16xf32>
        %mul3A_234 = arith.constant 16 : i32
        %mul3A_235 = arith.muli %scan3A_226, %mul3A_234 : i32
        %get3A_236 = arith.constant 1 : i32
        %get3A_237 = arith.index_cast %get3A_236 : i32 to index
        %get3A_238 = arith.index_cast %mul3A_235 : i32 to index
        %get3A_239 = tpu.vector_load %arg15[%get3A_237, %get3A_238] {strides = array<i32>} : memref<4x3072xf32, #tpu.memory_space<vmem>>, vector<1x16xf32>,
        %get3A_240 = vector.shape_cast %get3A_239 : vector<1x16xf32> to vector<16xf32>
        %sub3A_241 = arith.subf %get3A_233, %get3A_240 : vector<16xf32>
        %mul3A_242 = arith.mulf %get3A_138, %sub3A_241 : vector<16xf32>
        %add3A_243 = arith.addf %get3A_240, %mul3A_242 : vector<16xf32>
        %mul3A_244 = arith.constant 16 : i32
        %mul3A_245 = arith.muli %scan3A_226, %mul3A_244 : i32
        %swap3A_246 = arith.constant 1 : i32
        %swap3A_247 = arith.index_cast %swap3A_246 : i32 to index
        %swap3A_248 = arith.index_cast %mul3A_245 : i32 to index
        %swap3A_249 = tpu.vector_load %arg16[%swap3A_247, %swap3A_248] {strides = array<i32>} : memref<4x3072xf32, #tpu.memory_space<vmem>>, vector<1x16xf32>,
        %swap3A_250 = vector.shape_cast %swap3A_249 : vector<1x16xf32> to vector<16xf32>
        %swap3A_251 = vector.shape_cast %add3A_243 : vector<16xf32> to vector<1x16xf32>
        tpu.vector_store %arg16[%swap3A_247, %swap3A_248], %swap3A_251 {strides = array<i32>} : memref<4x3072xf32, #tpu.memory_space<vmem>>, vector<1x16xf32>,
        %scan3A_252 = arith.constant 3 : i32
        %scan3A_253 = arith.addi %scan3A_174, %scan3A_252 : i32
        %mul3A_254 = arith.constant 16 : i32
        %mul3A_255 = arith.muli %scan3A_253, %mul3A_254 : i32
        %get3A_256 = arith.constant 1 : i32
        %get3A_257 = arith.index_cast %get3A_256 : i32 to index
        %get3A_258 = arith.index_cast %mul3A_255 : i32 to index
        %get3A_259 = tpu.vector_load %arg14[%get3A_257, %get3A_258] {strides = array<i32>} : memref<4x3072xf32, #tpu.memory_space<vmem>>, vector<1x16xf32>,
        %get3A_260 = vector.shape_cast %get3A_259 : vector<1x16xf32> to vector<16xf32>
        %mul3A_261 = arith.constant 16 : i32
        %mul3A_262 = arith.muli %scan3A_253, %mul3A_261 : i32
        %get3A_263 = arith.constant 1 : i32
        %get3A_264 = arith.index_cast %get3A_263 : i32 to index
        %get3A_265 = arith.index_cast %mul3A_262 : i32 to index
        %get3A_266 = tpu.vector_load %arg15[%get3A_264, %get3A_265] {strides = array<i32>} : memref<4x3072xf32, #tpu.memory_space<vmem>>, vector<1x16xf32>,
        %get3A_267 = vector.shape_cast %get3A_266 : vector<1x16xf32> to vector<16xf32>
        %sub3A_268 = arith.subf %get3A_260, %get3A_267 : vector<16xf32>
        %mul3A_269 = arith.mulf %get3A_138, %sub3A_268 : vector<16xf32>
        %add3A_270 = arith.addf %get3A_267, %mul3A_269 : vector<16xf32>
        %mul3A_271 = arith.constant 16 : i32
        %mul3A_272 = arith.muli %scan3A_253, %mul3A_271 : i32
        %swap3A_273 = arith.constant 1 : i32
        %swap3A_274 = arith.index_cast %swap3A_273 : i32 to index
        %swap3A_275 = arith.index_cast %mul3A_272 : i32 to index
        %swap3A_276 = tpu.vector_load %arg16[%swap3A_274, %swap3A_275] {strides = array<i32>} : memref<4x3072xf32, #tpu.memory_space<vmem>>, vector<1x16xf32>,
        %swap3A_277 = vector.shape_cast %swap3A_276 : vector<1x16xf32> to vector<16xf32>
        %swap3A_278 = vector.shape_cast %add3A_270 : vector<16xf32> to vector<1x16xf32>
        tpu.vector_store %arg16[%swap3A_274, %swap3A_275], %swap3A_278 {strides = array<i32>} : memref<4x3072xf32, #tpu.memory_space<vmem>>, vector<1x16xf32>,
      }
      %scan3A_144 = arith.constant 192 : i32
      %add3A_145 = arith.constant 2 : i32
      %add3A_146 = arith.addi %mul3A_93, %add3A_145 : i32
      %mul3A_147 = arith.constant 16 : i32
      %mul3A_148 = arith.muli %add3A_146, %mul3A_147 : i32
      %multiple_of3A_149 = tpu.assume_multiple %mul3A_148, 16 : i32
      %get3A_150 = arith.index_cast %multiple_of3A_149 : i32 to index
      %get3A_151 = tpu.vector_load %arg17[%get3A_150] {strides = array<i32>} : memref<6272xf32, #tpu.memory_space<vmem>>, vector<16xf32>,
      %get3A_152 = vector.shape_cast %get3A_151 : vector<16xf32> to vector<16xf32>
      %scan3A_153 = arith.constant 0 : i32
      %scan3A_154 = arith.constant 0 : i32
      %scan3A_155 = arith.constant 192 : i32
      %scan3A_156 = arith.addi %scan3A_154, %scan3A_155 : i32
      %scan3A_157 = arith.constant 4 : i32
      scf.for %scan3A_174 = %scan3A_154 to %scan3A_156 step %scan3A_157  : i32 {
        %mul3A_175 = arith.constant 16 : i32
        %mul3A_176 = arith.muli %scan3A_174, %mul3A_175 : i32
        %get3A_177 = arith.constant 2 : i32
        %get3A_178 = arith.index_cast %get3A_177 : i32 to index
        %get3A_179 = arith.index_cast %mul3A_176 : i32 to index
        %get3A_180 = tpu.vector_load %arg14[%get3A_178, %get3A_179] {strides = array<i32>} : memref<4x3072xf32, #tpu.memory_space<vmem>>, vector<1x16xf32>,
        %get3A_181 = vector.shape_cast %get3A_180 : vector<1x16xf32> to vector<16xf32>
        %mul3A_182 = arith.constant 16 : i32
        %mul3A_183 = arith.muli %scan3A_174, %mul3A_182 : i32
        %get3A_184 = arith.constant 2 : i32
        %get3A_185 = arith.index_cast %get3A_184 : i32 to index
        %get3A_186 = arith.index_cast %mul3A_183 : i32 to index
        %get3A_187 = tpu.vector_load %arg15[%get3A_185, %get3A_186] {strides = array<i32>} : memref<4x3072xf32, #tpu.memory_space<vmem>>, vector<1x16xf32>,
        %get3A_188 = vector.shape_cast %get3A_187 : vector<1x16xf32> to vector<16xf32>
        %sub3A = arith.subf %get3A_181, %get3A_188 : vector<16xf32>
        %mul3A_189 = arith.mulf %get3A_152, %sub3A : vector<16xf32>
        %add3A_190 = arith.addf %get3A_188, %mul3A_189 : vector<16xf32>
        %mul3A_191 = arith.constant 16 : i32
        %mul3A_192 = arith.muli %scan3A_174, %mul3A_191 : i32
        %swap3A = arith.constant 2 : i32
        %swap3A_193 = arith.index_cast %swap3A : i32 to index
        %swap3A_194 = arith.index_cast %mul3A_192 : i32 to index
        %swap3A_195 = tpu.vector_load %arg16[%swap3A_193, %swap3A_194] {strides = array<i32>} : memref<4x3072xf32, #tpu.memory_space<vmem>>, vector<1x16xf32>,
        %swap3A_196 = vector.shape_cast %swap3A_195 : vector<1x16xf32> to vector<16xf32>
        %swap3A_197 = vector.shape_cast %add3A_190 : vector<16xf32> to vector<1x16xf32>
        tpu.vector_store %arg16[%swap3A_193, %swap3A_194], %swap3A_197 {strides = array<i32>} : memref<4x3072xf32, #tpu.memory_space<vmem>>, vector<1x16xf32>,
        %scan3A_198 = arith.constant 1 : i32
        %scan3A_199 = arith.addi %scan3A_174, %scan3A_198 : i32
        %mul3A_200 = arith.constant 16 : i32
        %mul3A_201 = arith.muli %scan3A_199, %mul3A_200 : i32
        %get3A_202 = arith.constant 2 : i32
        %get3A_203 = arith.index_cast %get3A_202 : i32 to index
        %get3A_204 = arith.index_cast %mul3A_201 : i32 to index
        %get3A_205 = tpu.vector_load %arg14[%get3A_203, %get3A_204] {strides = array<i32>} : memref<4x3072xf32, #tpu.memory_space<vmem>>, vector<1x16xf32>,
        %get3A_206 = vector.shape_cast %get3A_205 : vector<1x16xf32> to vector<16xf32>
        %mul3A_207 = arith.constant 16 : i32
        %mul3A_208 = arith.muli %scan3A_199, %mul3A_207 : i32
        %get3A_209 = arith.constant 2 : i32
        %get3A_210 = arith.index_cast %get3A_209 : i32 to index
        %get3A_211 = arith.index_cast %mul3A_208 : i32 to index
        %get3A_212 = tpu.vector_load %arg15[%get3A_210, %get3A_211] {strides = array<i32>} : memref<4x3072xf32, #tpu.memory_space<vmem>>, vector<1x16xf32>,
        %get3A_213 = vector.shape_cast %get3A_212 : vector<1x16xf32> to vector<16xf32>
        %sub3A_214 = arith.subf %get3A_206, %get3A_213 : vector<16xf32>
        %mul3A_215 = arith.mulf %get3A_152, %sub3A_214 : vector<16xf32>
        %add3A_216 = arith.addf %get3A_213, %mul3A_215 : vector<16xf32>
        %mul3A_217 = arith.constant 16 : i32
        %mul3A_218 = arith.muli %scan3A_199, %mul3A_217 : i32
        %swap3A_219 = arith.constant 2 : i32
        %swap3A_220 = arith.index_cast %swap3A_219 : i32 to index
        %swap3A_221 = arith.index_cast %mul3A_218 : i32 to index
        %swap3A_222 = tpu.vector_load %arg16[%swap3A_220, %swap3A_221] {strides = array<i32>} : memref<4x3072xf32, #tpu.memory_space<vmem>>, vector<1x16xf32>,
        %swap3A_223 = vector.shape_cast %swap3A_222 : vector<1x16xf32> to vector<16xf32>
        %swap3A_224 = vector.shape_cast %add3A_216 : vector<16xf32> to vector<1x16xf32>
        tpu.vector_store %arg16[%swap3A_220, %swap3A_221], %swap3A_224 {strides = array<i32>} : memref<4x3072xf32, #tpu.memory_space<vmem>>, vector<1x16xf32>,
        %scan3A_225 = arith.constant 2 : i32
        %scan3A_226 = arith.addi %scan3A_174, %scan3A_225 : i32
        %mul3A_227 = arith.constant 16 : i32
        %mul3A_228 = arith.muli %scan3A_226, %mul3A_227 : i32
        %get3A_229 = arith.constant 2 : i32
        %get3A_230 = arith.index_cast %get3A_229 : i32 to index
        %get3A_231 = arith.index_cast %mul3A_228 : i32 to index
        %get3A_232 = tpu.vector_load %arg14[%get3A_230, %get3A_231] {strides = array<i32>} : memref<4x3072xf32, #tpu.memory_space<vmem>>, vector<1x16xf32>,
        %get3A_233 = vector.shape_cast %get3A_232 : vector<1x16xf32> to vector<16xf32>
        %mul3A_234 = arith.constant 16 : i32
        %mul3A_235 = arith.muli %scan3A_226, %mul3A_234 : i32
        %get3A_236 = arith.constant 2 : i32
        %get3A_237 = arith.index_cast %get3A_236 : i32 to index
        %get3A_238 = arith.index_cast %mul3A_235 : i32 to index
        %get3A_239 = tpu.vector_load %arg15[%get3A_237, %get3A_238] {strides = array<i32>} : memref<4x3072xf32, #tpu.memory_space<vmem>>, vector<1x16xf32>,
        %get3A_240 = vector.shape_cast %get3A_239 : vector<1x16xf32> to vector<16xf32>
        %sub3A_241 = arith.subf %get3A_233, %get3A_240 : vector<16xf32>
        %mul3A_242 = arith.mulf %get3A_152, %sub3A_241 : vector<16xf32>
        %add3A_243 = arith.addf %get3A_240, %mul3A_242 : vector<16xf32>
        %mul3A_244 = arith.constant 16 : i32
        %mul3A_245 = arith.muli %scan3A_226, %mul3A_244 : i32
        %swap3A_246 = arith.constant 2 : i32
        %swap3A_247 = arith.index_cast %swap3A_246 : i32 to index
        %swap3A_248 = arith.index_cast %mul3A_245 : i32 to index
        %swap3A_249 = tpu.vector_load %arg16[%swap3A_247, %swap3A_248] {strides = array<i32>} : memref<4x3072xf32, #tpu.memory_space<vmem>>, vector<1x16xf32>,
        %swap3A_250 = vector.shape_cast %swap3A_249 : vector<1x16xf32> to vector<16xf32>
        %swap3A_251 = vector.shape_cast %add3A_243 : vector<16xf32> to vector<1x16xf32>
        tpu.vector_store %arg16[%swap3A_247, %swap3A_248], %swap3A_251 {strides = array<i32>} : memref<4x3072xf32, #tpu.memory_space<vmem>>, vector<1x16xf32>,
        %scan3A_252 = arith.constant 3 : i32
        %scan3A_253 = arith.addi %scan3A_174, %scan3A_252 : i32
        %mul3A_254 = arith.constant 16 : i32
        %mul3A_255 = arith.muli %scan3A_253, %mul3A_254 : i32
        %get3A_256 = arith.constant 2 : i32
        %get3A_257 = arith.index_cast %get3A_256 : i32 to index
        %get3A_258 = arith.index_cast %mul3A_255 : i32 to index
        %get3A_259 = tpu.vector_load %arg14[%get3A_257, %get3A_258] {strides = array<i32>} : memref<4x3072xf32, #tpu.memory_space<vmem>>, vector<1x16xf32>,
        %get3A_260 = vector.shape_cast %get3A_259 : vector<1x16xf32> to vector<16xf32>
        %mul3A_261 = arith.constant 16 : i32
        %mul3A_262 = arith.muli %scan3A_253, %mul3A_261 : i32
        %get3A_263 = arith.constant 2 : i32
        %get3A_264 = arith.index_cast %get3A_263 : i32 to index
        %get3A_265 = arith.index_cast %mul3A_262 : i32 to index
        %get3A_266 = tpu.vector_load %arg15[%get3A_264, %get3A_265] {strides = array<i32>} : memref<4x3072xf32, #tpu.memory_space<vmem>>, vector<1x16xf32>,
        %get3A_267 = vector.shape_cast %get3A_266 : vector<1x16xf32> to vector<16xf32>
        %sub3A_268 = arith.subf %get3A_260, %get3A_267 : vector<16xf32>
        %mul3A_269 = arith.mulf %get3A_152, %sub3A_268 : vector<16xf32>
        %add3A_270 = arith.addf %get3A_267, %mul3A_269 : vector<16xf32>
        %mul3A_271 = arith.constant 16 : i32
        %mul3A_272 = arith.muli %scan3A_253, %mul3A_271 : i32
        %swap3A_273 = arith.constant 2 : i32
        %swap3A_274 = arith.index_cast %swap3A_273 : i32 to index
        %swap3A_275 = arith.index_cast %mul3A_272 : i32 to index
        %swap3A_276 = tpu.vector_load %arg16[%swap3A_274, %swap3A_275] {strides = array<i32>} : memref<4x3072xf32, #tpu.memory_space<vmem>>, vector<1x16xf32>,
        %swap3A_277 = vector.shape_cast %swap3A_276 : vector<1x16xf32> to vector<16xf32>
        %swap3A_278 = vector.shape_cast %add3A_270 : vector<16xf32> to vector<1x16xf32>
        tpu.vector_store %arg16[%swap3A_274, %swap3A_275], %swap3A_278 {strides = array<i32>} : memref<4x3072xf32, #tpu.memory_space<vmem>>, vector<1x16xf32>,
      }
      %scan3A_158 = arith.constant 192 : i32
      %add3A_159 = arith.constant 3 : i32
      %add3A_160 = arith.addi %mul3A_93, %add3A_159 : i32
      %mul3A_161 = arith.constant 16 : i32
      %mul3A_162 = arith.muli %add3A_160, %mul3A_161 : i32
      %multiple_of3A_163 = tpu.assume_multiple %mul3A_162, 16 : i32
      %get3A_164 = arith.index_cast %multiple_of3A_163 : i32 to index
      %get3A_165 = tpu.vector_load %arg17[%get3A_164] {strides = array<i32>} : memref<6272xf32, #tpu.memory_space<vmem>>, vector<16xf32>,
      %get3A_166 = vector.shape_cast %get3A_165 : vector<16xf32> to vector<16xf32>
      %scan3A_167 = arith.constant 0 : i32
      %scan3A_168 = arith.constant 0 : i32
      %scan3A_169 = arith.constant 192 : i32
      %scan3A_170 = arith.addi %scan3A_168, %scan3A_169 : i32
      %scan3A_171 = arith.constant 4 : i32
      scf.for %scan3A_174 = %scan3A_168 to %scan3A_170 step %scan3A_171  : i32 {
        %mul3A_175 = arith.constant 16 : i32
        %mul3A_176 = arith.muli %scan3A_174, %mul3A_175 : i32
        %get3A_177 = arith.constant 3 : i32
        %get3A_178 = arith.index_cast %get3A_177 : i32 to index
        %get3A_179 = arith.index_cast %mul3A_176 : i32 to index
        %get3A_180 = tpu.vector_load %arg14[%get3A_178, %get3A_179] {strides = array<i32>} : memref<4x3072xf32, #tpu.memory_space<vmem>>, vector<1x16xf32>,
        %get3A_181 = vector.shape_cast %get3A_180 : vector<1x16xf32> to vector<16xf32>
        %mul3A_182 = arith.constant 16 : i32
        %mul3A_183 = arith.muli %scan3A_174, %mul3A_182 : i32
        %get3A_184 = arith.constant 3 : i32
        %get3A_185 = arith.index_cast %get3A_184 : i32 to index
        %get3A_186 = arith.index_cast %mul3A_183 : i32 to index
        %get3A_187 = tpu.vector_load %arg15[%get3A_185, %get3A_186] {strides = array<i32>} : memref<4x3072xf32, #tpu.memory_space<vmem>>, vector<1x16xf32>,
        %get3A_188 = vector.shape_cast %get3A_187 : vector<1x16xf32> to vector<16xf32>
        %sub3A = arith.subf %get3A_181, %get3A_188 : vector<16xf32>
        %mul3A_189 = arith.mulf %get3A_166, %sub3A : vector<16xf32>
        %add3A_190 = arith.addf %get3A_188, %mul3A_189 : vector<16xf32>
        %mul3A_191 = arith.constant 16 : i32
        %mul3A_192 = arith.muli %scan3A_174, %mul3A_191 : i32
        %swap3A = arith.constant 3 : i32
        %swap3A_193 = arith.index_cast %swap3A : i32 to index
        %swap3A_194 = arith.index_cast %mul3A_192 : i32 to index
        %swap3A_195 = tpu.vector_load %arg16[%swap3A_193, %swap3A_194] {strides = array<i32>} : memref<4x3072xf32, #tpu.memory_space<vmem>>, vector<1x16xf32>,
        %swap3A_196 = vector.shape_cast %swap3A_195 : vector<1x16xf32> to vector<16xf32>
        %swap3A_197 = vector.shape_cast %add3A_190 : vector<16xf32> to vector<1x16xf32>
        tpu.vector_store %arg16[%swap3A_193, %swap3A_194], %swap3A_197 {strides = array<i32>} : memref<4x3072xf32, #tpu.memory_space<vmem>>, vector<1x16xf32>,
        %scan3A_198 = arith.constant 1 : i32
        %scan3A_199 = arith.addi %scan3A_174, %scan3A_198 : i32
        %mul3A_200 = arith.constant 16 : i32
        %mul3A_201 = arith.muli %scan3A_199, %mul3A_200 : i32
        %get3A_202 = arith.constant 3 : i32
        %get3A_203 = arith.index_cast %get3A_202 : i32 to index
        %get3A_204 = arith.index_cast %mul3A_201 : i32 to index
        %get3A_205 = tpu.vector_load %arg14[%get3A_203, %get3A_204] {strides = array<i32>} : memref<4x3072xf32, #tpu.memory_space<vmem>>, vector<1x16xf32>,
        %get3A_206 = vector.shape_cast %get3A_205 : vector<1x16xf32> to vector<16xf32>
        %mul3A_207 = arith.constant 16 : i32
        %mul3A_208 = arith.muli %scan3A_199, %mul3A_207 : i32
        %get3A_209 = arith.constant 3 : i32
        %get3A_210 = arith.index_cast %get3A_209 : i32 to index
        %get3A_211 = arith.index_cast %mul3A_208 : i32 to index
        %get3A_212 = tpu.vector_load %arg15[%get3A_210, %get3A_211] {strides = array<i32>} : memref<4x3072xf32, #tpu.memory_space<vmem>>, vector<1x16xf32>,
        %get3A_213 = vector.shape_cast %get3A_212 : vector<1x16xf32> to vector<16xf32>
        %sub3A_214 = arith.subf %get3A_206, %get3A_213 : vector<16xf32>
        %mul3A_215 = arith.mulf %get3A_166, %sub3A_214 : vector<16xf32>
        %add3A_216 = arith.addf %get3A_213, %mul3A_215 : vector<16xf32>
        %mul3A_217 = arith.constant 16 : i32
        %mul3A_218 = arith.muli %scan3A_199, %mul3A_217 : i32
        %swap3A_219 = arith.constant 3 : i32
        %swap3A_220 = arith.index_cast %swap3A_219 : i32 to index
        %swap3A_221 = arith.index_cast %mul3A_218 : i32 to index
        %swap3A_222 = tpu.vector_load %arg16[%swap3A_220, %swap3A_221] {strides = array<i32>} : memref<4x3072xf32, #tpu.memory_space<vmem>>, vector<1x16xf32>,
        %swap3A_223 = vector.shape_cast %swap3A_222 : vector<1x16xf32> to vector<16xf32>
        %swap3A_224 = vector.shape_cast %add3A_216 : vector<16xf32> to vector<1x16xf32>
        tpu.vector_store %arg16[%swap3A_220, %swap3A_221], %swap3A_224 {strides = array<i32>} : memref<4x3072xf32, #tpu.memory_space<vmem>>, vector<1x16xf32>,
        %scan3A_225 = arith.constant 2 : i32
        %scan3A_226 = arith.addi %scan3A_174, %scan3A_225 : i32
        %mul3A_227 = arith.constant 16 : i32
        %mul3A_228 = arith.muli %scan3A_226, %mul3A_227 : i32
        %get3A_229 = arith.constant 3 : i32
        %get3A_230 = arith.index_cast %get3A_229 : i32 to index
        %get3A_231 = arith.index_cast %mul3A_228 : i32 to index
        %get3A_232 = tpu.vector_load %arg14[%get3A_230, %get3A_231] {strides = array<i32>} : memref<4x3072xf32, #tpu.memory_space<vmem>>, vector<1x16xf32>,
        %get3A_233 = vector.shape_cast %get3A_232 : vector<1x16xf32> to vector<16xf32>
        %mul3A_234 = arith.constant 16 : i32
        %mul3A_235 = arith.muli %scan3A_226, %mul3A_234 : i32
        %get3A_236 = arith.constant 3 : i32
        %get3A_237 = arith.index_cast %get3A_236 : i32 to index
        %get3A_238 = arith.index_cast %mul3A_235 : i32 to index
        %get3A_239 = tpu.vector_load %arg15[%get3A_237, %get3A_238] {strides = array<i32>} : memref<4x3072xf32, #tpu.memory_space<vmem>>, vector<1x16xf32>,
        %get3A_240 = vector.shape_cast %get3A_239 : vector<1x16xf32> to vector<16xf32>
        %sub3A_241 = arith.subf %get3A_233, %get3A_240 : vector<16xf32>
        %mul3A_242 = arith.mulf %get3A_166, %sub3A_241 : vector<16xf32>
        %add3A_243 = arith.addf %get3A_240, %mul3A_242 : vector<16xf32>
        %mul3A_244 = arith.constant 16 : i32
        %mul3A_245 = arith.muli %scan3A_226, %mul3A_244 : i32
        %swap3A_246 = arith.constant 3 : i32
        %swap3A_247 = arith.index_cast %swap3A_246 : i32 to index
        %swap3A_248 = arith.index_cast %mul3A_245 : i32 to index
        %swap3A_249 = tpu.vector_load %arg16[%swap3A_247, %swap3A_248] {strides = array<i32>} : memref<4x3072xf32, #tpu.memory_space<vmem>>, vector<1x16xf32>,
        %swap3A_250 = vector.shape_cast %swap3A_249 : vector<1x16xf32> to vector<16xf32>
        %swap3A_251 = vector.shape_cast %add3A_243 : vector<16xf32> to vector<1x16xf32>
        tpu.vector_store %arg16[%swap3A_247, %swap3A_248], %swap3A_251 {strides = array<i32>} : memref<4x3072xf32, #tpu.memory_space<vmem>>, vector<1x16xf32>,
        %scan3A_252 = arith.constant 3 : i32
        %scan3A_253 = arith.addi %scan3A_174, %scan3A_252 : i32
        %mul3A_254 = arith.constant 16 : i32
        %mul3A_255 = arith.muli %scan3A_253, %mul3A_254 : i32
        %get3A_256 = arith.constant 3 : i32
        %get3A_257 = arith.index_cast %get3A_256 : i32 to index
        %get3A_258 = arith.index_cast %mul3A_255 : i32 to index
        %get3A_259 = tpu.vector_load %arg14[%get3A_257, %get3A_258] {strides = array<i32>} : memref<4x3072xf32, #tpu.memory_space<vmem>>, vector<1x16xf32>,
        %get3A_260 = vector.shape_cast %get3A_259 : vector<1x16xf32> to vector<16xf32>
        %mul3A_261 = arith.constant 16 : i32
        %mul3A_262 = arith.muli %scan3A_253, %mul3A_261 : i32
        %get3A_263 = arith.constant 3 : i32
        %get3A_264 = arith.index_cast %get3A_263 : i32 to index
        %get3A_265 = arith.index_cast %mul3A_262 : i32 to index
        %get3A_266 = tpu.vector_load %arg15[%get3A_264, %get3A_265] {strides = array<i32>} : memref<4x3072xf32, #tpu.memory_space<vmem>>, vector<1x16xf32>,
        %get3A_267 = vector.shape_cast %get3A_266 : vector<1x16xf32> to vector<16xf32>
        %sub3A_268 = arith.subf %get3A_260, %get3A_267 : vector<16xf32>
        %mul3A_269 = arith.mulf %get3A_166, %sub3A_268 : vector<16xf32>
        %add3A_270 = arith.addf %get3A_267, %mul3A_269 : vector<16xf32>
        %mul3A_271 = arith.constant 16 : i32
        %mul3A_272 = arith.muli %scan3A_253, %mul3A_271 : i32
        %swap3A_273 = arith.constant 3 : i32
        %swap3A_274 = arith.index_cast %swap3A_273 : i32 to index
        %swap3A_275 = arith.index_cast %mul3A_272 : i32 to index
        %swap3A_276 = tpu.vector_load %arg16[%swap3A_274, %swap3A_275] {strides = array<i32>} : memref<4x3072xf32, #tpu.memory_space<vmem>>, vector<1x16xf32>,
        %swap3A_277 = vector.shape_cast %swap3A_276 : vector<1x16xf32> to vector<16xf32>
        %swap3A_278 = vector.shape_cast %add3A_270 : vector<16xf32> to vector<1x16xf32>
        tpu.vector_store %arg16[%swap3A_274, %swap3A_275], %swap3A_278 {strides = array<i32>} : memref<4x3072xf32, #tpu.memory_space<vmem>>, vector<1x16xf32>,
      }
      %scan3A_172 = arith.constant 192 : i32
      %add3A_173 = arith.addi %mul3A_2, %mul3A_93 : i32
      "tpu.region"() ({
        %run_scoped3A = tpu.sem_alloc : memref<!tpu.dma_semaphore, #tpu.memory_space<semaphore_mem>>
        %dma_start3A_174 = arith.constant 0 : i32
        %dma_start3A_175 = tpu.memref_slice %arg10[%add3A_173, %dma_start3A_174] : memref<12544x3072xf32, #tpu.memory_space<hbm>> -> memref<4x3072xf32, #tpu.memory_space<hbm>>
        %dma_start3A_176 = arith.constant 0 : i32
        %dma_start3A_177 = tpu.memref_slice %arg10[%add3A_173, %dma_start3A_176] : memref<12544x3072xf32, #tpu.memory_space<hbm>> -> memref<4x3072xf32, #tpu.memory_space<hbm>>
        tpu.enqueue_dma source(%arg16 : memref<4x3072xf32, #tpu.memory_space<vmem>>) target(%dma_start3A_177 : memref<4x3072xf32, #tpu.memory_space<hbm>>) target_semaphore(%run_scoped3A : memref<!tpu.dma_semaphore, #tpu.memory_space<semaphore_mem>>)
        %dma_wait3A_178 = arith.constant 0 : i32
        %dma_wait3A_179 = tpu.memref_slice %arg10[%add3A_173, %dma_wait3A_178] : memref<12544x3072xf32, #tpu.memory_space<hbm>> -> memref<4x3072xf32, #tpu.memory_space<hbm>>
        %dma_wait3A_180 = arith.constant 0 : i32
        %dma_wait3A_181 = tpu.memref_slice %arg10[%add3A_173, %dma_wait3A_180] : memref<12544x3072xf32, #tpu.memory_space<hbm>> -> memref<4x3072xf32, #tpu.memory_space<hbm>>
        tpu.wait_dma2 semaphore(%run_scoped3A : memref<!tpu.dma_semaphore, #tpu.memory_space<semaphore_mem>>) src(%arg16 : memref<4x3072xf32, #tpu.memory_space<vmem>>) dst(%dma_wait3A_181 : memref<4x3072xf32, #tpu.memory_space<hbm>>)
        tpu.yield
      }) : () -> ()
    }
    %scan3A_7 = arith.constant 98 : i32
    %mul3A_8 = arith.constant 8 : i32
    %mul3A_9 = arith.muli %add3A, %mul3A_8 : i32
    "tpu.region"() ({
      %run_scoped3A = tpu.sem_alloc : memref<!tpu.dma_semaphore, #tpu.memory_space<semaphore_mem>>
      %dma_start3A_91 = tpu.memref_slice %arg7[%mul3A_9] : memref<256xi32, #tpu.memory_space<hbm>> -> memref<8xi32, #tpu.memory_space<hbm>>
      %dma_start3A_92 = tpu.memref_slice %arg7[%mul3A_9] : memref<256xi32, #tpu.memory_space<hbm>> -> memref<8xi32, #tpu.memory_space<hbm>>
      tpu.enqueue_dma source(%dma_start3A_92 : memref<8xi32, #tpu.memory_space<hbm>>) target(%arg18 : memref<8xi32, #tpu.memory_space<vmem>>) target_semaphore(%run_scoped3A : memref<!tpu.dma_semaphore, #tpu.memory_space<semaphore_mem>>)
      %dma_wait3A_93 = tpu.memref_slice %arg7[%mul3A_9] : memref<256xi32, #tpu.memory_space<hbm>> -> memref<8xi32, #tpu.memory_space<hbm>>
      %dma_wait3A_94 = tpu.memref_slice %arg7[%mul3A_9] : memref<256xi32, #tpu.memory_space<hbm>> -> memref<8xi32, #tpu.memory_space<hbm>>
      tpu.wait_dma2 semaphore(%run_scoped3A : memref<!tpu.dma_semaphore, #tpu.memory_space<semaphore_mem>>) src(%dma_wait3A_94 : memref<8xi32, #tpu.memory_space<hbm>>) dst(%arg18 : memref<8xi32, #tpu.memory_space<vmem>>)
      tpu.yield
    }) : () -> ()
    "tpu.region"() ({
      %run_scoped3A = tpu.sem_alloc : memref<!tpu.dma_semaphore, #tpu.memory_space<semaphore_mem>>
      %dma_start3A_91 = tpu.memref_slice %arg8[%mul3A_9] : memref<256xi32, #tpu.memory_space<hbm>> -> memref<8xi32, #tpu.memory_space<hbm>>
      %dma_start3A_92 = tpu.memref_slice %arg8[%mul3A_9] : memref<256xi32, #tpu.memory_space<hbm>> -> memref<8xi32, #tpu.memory_space<hbm>>
      tpu.enqueue_dma source(%dma_start3A_92 : memref<8xi32, #tpu.memory_space<hbm>>) target(%arg19 : memref<8xi32, #tpu.memory_space<vmem>>) target_semaphore(%run_scoped3A : memref<!tpu.dma_semaphore, #tpu.memory_space<semaphore_mem>>)
      %dma_wait3A_93 = tpu.memref_slice %arg8[%mul3A_9] : memref<256xi32, #tpu.memory_space<hbm>> -> memref<8xi32, #tpu.memory_space<hbm>>
      %dma_wait3A_94 = tpu.memref_slice %arg8[%mul3A_9] : memref<256xi32, #tpu.memory_space<hbm>> -> memref<8xi32, #tpu.memory_space<hbm>>
      tpu.wait_dma2 semaphore(%run_scoped3A : memref<!tpu.dma_semaphore, #tpu.memory_space<semaphore_mem>>) src(%dma_wait3A_94 : memref<8xi32, #tpu.memory_space<hbm>>) dst(%arg19 : memref<8xi32, #tpu.memory_space<vmem>>)
      tpu.yield
    }) : () -> ()
    "tpu.region"() ({
      %run_scoped3A = tpu.sem_alloc : memref<!tpu.dma_semaphore, #tpu.memory_space<semaphore_mem>>
      %dma_start3A_91 = arith.constant 0 : i32
      %dma_start3A_92 = tpu.memref_slice %arg9[%add3A, %dma_start3A_91] : memref<32x128xf32, #tpu.memory_space<hbm>> -> memref<1x128xf32, #tpu.memory_space<hbm>>
      %dma_start3A_93 = tpu.memref_squeeze %dma_start3A_92 : memref<1x128xf32, #tpu.memory_space<hbm>> -> memref<128xf32, #tpu.memory_space<hbm>>
      %dma_start3A_94 = arith.constant 0 : i32
      %dma_start3A_95 = tpu.memref_slice %arg9[%add3A, %dma_start3A_94] : memref<32x128xf32, #tpu.memory_space<hbm>> -> memref<1x128xf32, #tpu.memory_space<hbm>>
      %dma_start3A_96 = tpu.memref_squeeze %dma_start3A_95 : memref<1x128xf32, #tpu.memory_space<hbm>> -> memref<128xf32, #tpu.memory_space<hbm>>
      tpu.enqueue_dma source(%dma_start3A_96 : memref<128xf32, #tpu.memory_space<hbm>>) target(%arg23 : memref<128xf32, #tpu.memory_space<vmem>>) target_semaphore(%run_scoped3A : memref<!tpu.dma_semaphore, #tpu.memory_space<semaphore_mem>>)
      %dma_wait3A_97 = arith.constant 0 : i32
      %dma_wait3A_98 = tpu.memref_slice %arg9[%add3A, %dma_wait3A_97] : memref<32x128xf32, #tpu.memory_space<hbm>> -> memref<1x128xf32, #tpu.memory_space<hbm>>
      %dma_wait3A_99 = tpu.memref_squeeze %dma_wait3A_98 : memref<1x128xf32, #tpu.memory_space<hbm>> -> memref<128xf32, #tpu.memory_space<hbm>>
      %dma_wait3A_100 = arith.constant 0 : i32
      %dma_wait3A_101 = tpu.memref_slice %arg9[%add3A, %dma_wait3A_100] : memref<32x128xf32, #tpu.memory_space<hbm>> -> memref<1x128xf32, #tpu.memory_space<hbm>>
      %dma_wait3A_102 = tpu.memref_squeeze %dma_wait3A_101 : memref<1x128xf32, #tpu.memory_space<hbm>> -> memref<128xf32, #tpu.memory_space<hbm>>
      tpu.wait_dma2 semaphore(%run_scoped3A : memref<!tpu.dma_semaphore, #tpu.memory_space<semaphore_mem>>) src(%dma_wait3A_102 : memref<128xf32, #tpu.memory_space<hbm>>) dst(%arg23 : memref<128xf32, #tpu.memory_space<vmem>>)
      tpu.yield
    }) : () -> ()
    %dma_start3A = arith.constant 0 : i32
    %dma_start3A_10 = arith.constant 0 : i32
    %dma_start3A_11 = tpu.memref_slice %arg6[%dma_start3A, %dma_start3A_10] : memref<256x1024xf32, #tpu.memory_space<hbm>> -> memref<256x1024xf32, #tpu.memory_space<hbm>>
    tpu.enqueue_indirect_dma source(%dma_start3A_11 : memref<256x1024xf32, #tpu.memory_space<hbm>>) target(%arg20 : memref<8x1024xf32, #tpu.memory_space<vmem>>) offsets(%arg18 : memref<8xi32, #tpu.memory_space<vmem>>) semaphore(%arg24 : memref<!tpu.dma_semaphore, #tpu.memory_space<semaphore_mem>>)
    %dma_start3A_12 = arith.constant 0 : i32
    %dma_start3A_13 = arith.constant 0 : i32
    %dma_start3A_14 = tpu.memref_slice %arg6[%dma_start3A_12, %dma_start3A_13] : memref<256x1024xf32, #tpu.memory_space<hbm>> -> memref<256x1024xf32, #tpu.memory_space<hbm>>
    tpu.enqueue_indirect_dma source(%dma_start3A_14 : memref<256x1024xf32, #tpu.memory_space<hbm>>) target(%arg21 : memref<8x1024xf32, #tpu.memory_space<vmem>>) offsets(%arg19 : memref<8xi32, #tpu.memory_space<vmem>>) semaphore(%arg25 : memref<!tpu.dma_semaphore, #tpu.memory_space<semaphore_mem>>)
    %dma_wait3A = arith.constant 0 : i32
    %dma_wait3A_15 = arith.constant 0 : i32
    %dma_wait3A_16 = tpu.memref_slice %arg6[%dma_wait3A, %dma_wait3A_15] : memref<256x1024xf32, #tpu.memory_space<hbm>> -> memref<256x1024xf32, #tpu.memory_space<hbm>>
    tpu.wait_indirect_dma semaphore(%arg24 : memref<!tpu.dma_semaphore, #tpu.memory_space<semaphore_mem>>) src(%dma_wait3A_16 : memref<256x1024xf32, #tpu.memory_space<hbm>>) dst(%arg20 : memref<8x1024xf32, #tpu.memory_space<vmem>>)
    %dma_wait3A_17 = arith.constant 0 : i32
    %dma_wait3A_18 = arith.constant 0 : i32
    %dma_wait3A_19 = tpu.memref_slice %arg6[%dma_wait3A_17, %dma_wait3A_18] : memref<256x1024xf32, #tpu.memory_space<hbm>> -> memref<256x1024xf32, #tpu.memory_space<hbm>>
    tpu.wait_indirect_dma semaphore(%arg25 : memref<!tpu.dma_semaphore, #tpu.memory_space<semaphore_mem>>) src(%dma_wait3A_19 : memref<256x1024xf32, #tpu.memory_space<hbm>>) dst(%arg21 : memref<8x1024xf32, #tpu.memory_space<vmem>>)
    %get3A = arith.constant 0 : index
    %get3A_20 = tpu.vector_load %arg23[%get3A] {strides = array<i32>} : memref<128xf32, #tpu.memory_space<vmem>>, vector<16xf32>,
    %get3A_21 = vector.shape_cast %get3A_20 : vector<16xf32> to vector<16xf32>
    %scan3A_22 = arith.constant 0 : i32
    %scan3A_23 = arith.constant 0 : i32
    %scan3A_24 = arith.constant 64 : i32
    %scan3A_25 = arith.addi %scan3A_23, %scan3A_24 : i32
    %scan3A_26 = arith.constant 4 : i32
    scf.for %scan3A_91 = %scan3A_23 to %scan3A_25 step %scan3A_26  : i32 {
      %mul3A_92 = arith.constant 16 : i32
      %mul3A_93 = arith.muli %scan3A_91, %mul3A_92 : i32
      %get3A_94 = arith.constant 0 : i32
      %get3A_95 = arith.index_cast %get3A_94 : i32 to index
      %get3A_96 = arith.index_cast %mul3A_93 : i32 to index
      %get3A_97 = tpu.vector_load %arg20[%get3A_95, %get3A_96] {strides = array<i32>} : memref<8x1024xf32, #tpu.memory_space<vmem>>, vector<1x16xf32>,
      %get3A_98 = vector.shape_cast %get3A_97 : vector<1x16xf32> to vector<16xf32>
      %mul3A_99 = arith.constant 16 : i32
      %mul3A_100 = arith.muli %scan3A_91, %mul3A_99 : i32
      %get3A_101 = arith.constant 0 : i32
      %get3A_102 = arith.index_cast %get3A_101 : i32 to index
      %get3A_103 = arith.index_cast %mul3A_100 : i32 to index
      %get3A_104 = tpu.vector_load %arg21[%get3A_102, %get3A_103] {strides = array<i32>} : memref<8x1024xf32, #tpu.memory_space<vmem>>, vector<1x16xf32>,
      %get3A_105 = vector.shape_cast %get3A_104 : vector<1x16xf32> to vector<16xf32>
      %sub3A = arith.subf %get3A_98, %get3A_105 : vector<16xf32>
      %mul3A_106 = arith.mulf %get3A_21, %sub3A : vector<16xf32>
      %add3A_107 = arith.addf %get3A_105, %mul3A_106 : vector<16xf32>
      %mul3A_108 = arith.constant 16 : i32
      %mul3A_109 = arith.muli %scan3A_91, %mul3A_108 : i32
      %swap3A = arith.constant 0 : i32
      %swap3A_110 = arith.index_cast %swap3A : i32 to index
      %swap3A_111 = arith.index_cast %mul3A_109 : i32 to index
      %swap3A_112 = tpu.vector_load %arg22[%swap3A_110, %swap3A_111] {strides = array<i32>} : memref<8x1024xf32, #tpu.memory_space<vmem>>, vector<1x16xf32>,
      %swap3A_113 = vector.shape_cast %swap3A_112 : vector<1x16xf32> to vector<16xf32>
      %swap3A_114 = vector.shape_cast %add3A_107 : vector<16xf32> to vector<1x16xf32>
      tpu.vector_store %arg22[%swap3A_110, %swap3A_111], %swap3A_114 {strides = array<i32>} : memref<8x1024xf32, #tpu.memory_space<vmem>>, vector<1x16xf32>,
      %scan3A_115 = arith.constant 1 : i32
      %scan3A_116 = arith.addi %scan3A_91, %scan3A_115 : i32
      %mul3A_117 = arith.constant 16 : i32
      %mul3A_118 = arith.muli %scan3A_116, %mul3A_117 : i32
      %get3A_119 = arith.constant 0 : i32
      %get3A_120 = arith.index_cast %get3A_119 : i32 to index
      %get3A_121 = arith.index_cast %mul3A_118 : i32 to index
      %get3A_122 = tpu.vector_load %arg20[%get3A_120, %get3A_121] {strides = array<i32>} : memref<8x1024xf32, #tpu.memory_space<vmem>>, vector<1x16xf32>,
      %get3A_123 = vector.shape_cast %get3A_122 : vector<1x16xf32> to vector<16xf32>
      %mul3A_124 = arith.constant 16 : i32
      %mul3A_125 = arith.muli %scan3A_116, %mul3A_124 : i32
      %get3A_126 = arith.constant 0 : i32
      %get3A_127 = arith.index_cast %get3A_126 : i32 to index
      %get3A_128 = arith.index_cast %mul3A_125 : i32 to index
      %get3A_129 = tpu.vector_load %arg21[%get3A_127, %get3A_128] {strides = array<i32>} : memref<8x1024xf32, #tpu.memory_space<vmem>>, vector<1x16xf32>,
      %get3A_130 = vector.shape_cast %get3A_129 : vector<1x16xf32> to vector<16xf32>
      %sub3A_131 = arith.subf %get3A_123, %get3A_130 : vector<16xf32>
      %mul3A_132 = arith.mulf %get3A_21, %sub3A_131 : vector<16xf32>
      %add3A_133 = arith.addf %get3A_130, %mul3A_132 : vector<16xf32>
      %mul3A_134 = arith.constant 16 : i32
      %mul3A_135 = arith.muli %scan3A_116, %mul3A_134 : i32
      %swap3A_136 = arith.constant 0 : i32
      %swap3A_137 = arith.index_cast %swap3A_136 : i32 to index
      %swap3A_138 = arith.index_cast %mul3A_135 : i32 to index
      %swap3A_139 = tpu.vector_load %arg22[%swap3A_137, %swap3A_138] {strides = array<i32>} : memref<8x1024xf32, #tpu.memory_space<vmem>>, vector<1x16xf32>,
      %swap3A_140 = vector.shape_cast %swap3A_139 : vector<1x16xf32> to vector<16xf32>
      %swap3A_141 = vector.shape_cast %add3A_133 : vector<16xf32> to vector<1x16xf32>
      tpu.vector_store %arg22[%swap3A_137, %swap3A_138], %swap3A_141 {strides = array<i32>} : memref<8x1024xf32, #tpu.memory_space<vmem>>, vector<1x16xf32>,
      %scan3A_142 = arith.constant 2 : i32
      %scan3A_143 = arith.addi %scan3A_91, %scan3A_142 : i32
      %mul3A_144 = arith.constant 16 : i32
      %mul3A_145 = arith.muli %scan3A_143, %mul3A_144 : i32
      %get3A_146 = arith.constant 0 : i32
      %get3A_147 = arith.index_cast %get3A_146 : i32 to index
      %get3A_148 = arith.index_cast %mul3A_145 : i32 to index
      %get3A_149 = tpu.vector_load %arg20[%get3A_147, %get3A_148] {strides = array<i32>} : memref<8x1024xf32, #tpu.memory_space<vmem>>, vector<1x16xf32>,
      %get3A_150 = vector.shape_cast %get3A_149 : vector<1x16xf32> to vector<16xf32>
      %mul3A_151 = arith.constant 16 : i32
      %mul3A_152 = arith.muli %scan3A_143, %mul3A_151 : i32
      %get3A_153 = arith.constant 0 : i32
      %get3A_154 = arith.index_cast %get3A_153 : i32 to index
      %get3A_155 = arith.index_cast %mul3A_152 : i32 to index
      %get3A_156 = tpu.vector_load %arg21[%get3A_154, %get3A_155] {strides = array<i32>} : memref<8x1024xf32, #tpu.memory_space<vmem>>, vector<1x16xf32>,
      %get3A_157 = vector.shape_cast %get3A_156 : vector<1x16xf32> to vector<16xf32>
      %sub3A_158 = arith.subf %get3A_150, %get3A_157 : vector<16xf32>
      %mul3A_159 = arith.mulf %get3A_21, %sub3A_158 : vector<16xf32>
      %add3A_160 = arith.addf %get3A_157, %mul3A_159 : vector<16xf32>
      %mul3A_161 = arith.constant 16 : i32
      %mul3A_162 = arith.muli %scan3A_143, %mul3A_161 : i32
      %swap3A_163 = arith.constant 0 : i32
      %swap3A_164 = arith.index_cast %swap3A_163 : i32 to index
      %swap3A_165 = arith.index_cast %mul3A_162 : i32 to index
      %swap3A_166 = tpu.vector_load %arg22[%swap3A_164, %swap3A_165] {strides = array<i32>} : memref<8x1024xf32, #tpu.memory_space<vmem>>, vector<1x16xf32>,
      %swap3A_167 = vector.shape_cast %swap3A_166 : vector<1x16xf32> to vector<16xf32>
      %swap3A_168 = vector.shape_cast %add3A_160 : vector<16xf32> to vector<1x16xf32>
      tpu.vector_store %arg22[%swap3A_164, %swap3A_165], %swap3A_168 {strides = array<i32>} : memref<8x1024xf32, #tpu.memory_space<vmem>>, vector<1x16xf32>,
      %scan3A_169 = arith.constant 3 : i32
      %scan3A_170 = arith.addi %scan3A_91, %scan3A_169 : i32
      %mul3A_171 = arith.constant 16 : i32
      %mul3A_172 = arith.muli %scan3A_170, %mul3A_171 : i32
      %get3A_173 = arith.constant 0 : i32
      %get3A_174 = arith.index_cast %get3A_173 : i32 to index
      %get3A_175 = arith.index_cast %mul3A_172 : i32 to index
      %get3A_176 = tpu.vector_load %arg20[%get3A_174, %get3A_175] {strides = array<i32>} : memref<8x1024xf32, #tpu.memory_space<vmem>>, vector<1x16xf32>,
      %get3A_177 = vector.shape_cast %get3A_176 : vector<1x16xf32> to vector<16xf32>
      %mul3A_178 = arith.constant 16 : i32
      %mul3A_179 = arith.muli %scan3A_170, %mul3A_178 : i32
      %get3A_180 = arith.constant 0 : i32
      %get3A_181 = arith.index_cast %get3A_180 : i32 to index
      %get3A_182 = arith.index_cast %mul3A_179 : i32 to index
      %get3A_183 = tpu.vector_load %arg21[%get3A_181, %get3A_182] {strides = array<i32>} : memref<8x1024xf32, #tpu.memory_space<vmem>>, vector<1x16xf32>,
      %get3A_184 = vector.shape_cast %get3A_183 : vector<1x16xf32> to vector<16xf32>
      %sub3A_185 = arith.subf %get3A_177, %get3A_184 : vector<16xf32>
      %mul3A_186 = arith.mulf %get3A_21, %sub3A_185 : vector<16xf32>
      %add3A_187 = arith.addf %get3A_184, %mul3A_186 : vector<16xf32>
      %mul3A_188 = arith.constant 16 : i32
      %mul3A_189 = arith.muli %scan3A_170, %mul3A_188 : i32
      %swap3A_190 = arith.constant 0 : i32
      %swap3A_191 = arith.index_cast %swap3A_190 : i32 to index
      %swap3A_192 = arith.index_cast %mul3A_189 : i32 to index
      %swap3A_193 = tpu.vector_load %arg22[%swap3A_191, %swap3A_192] {strides = array<i32>} : memref<8x1024xf32, #tpu.memory_space<vmem>>, vector<1x16xf32>,
      %swap3A_194 = vector.shape_cast %swap3A_193 : vector<1x16xf32> to vector<16xf32>
      %swap3A_195 = vector.shape_cast %add3A_187 : vector<16xf32> to vector<1x16xf32>
      tpu.vector_store %arg22[%swap3A_191, %swap3A_192], %swap3A_195 {strides = array<i32>} : memref<8x1024xf32, #tpu.memory_space<vmem>>, vector<1x16xf32>,
    }
    %scan3A_27 = arith.constant 64 : i32
    %get3A_28 = arith.constant 16 : index
    %get3A_29 = tpu.vector_load %arg23[%get3A_28] {strides = array<i32>} : memref<128xf32, #tpu.memory_space<vmem>>, vector<16xf32>,
    %get3A_30 = vector.shape_cast %get3A_29 : vector<16xf32> to vector<16xf32>
    %scan3A_31 = arith.constant 0 : i32
    %scan3A_32 = arith.constant 0 : i32
    %scan3A_33 = arith.constant 64 : i32
    %scan3A_34 = arith.addi %scan3A_32, %scan3A_33 : i32
    %scan3A_35 = arith.constant 4 : i32
    scf.for %scan3A_91 = %scan3A_32 to %scan3A_34 step %scan3A_35  : i32 {
      %mul3A_92 = arith.constant 16 : i32
      %mul3A_93 = arith.muli %scan3A_91, %mul3A_92 : i32
      %get3A_94 = arith.constant 1 : i32
      %get3A_95 = arith.index_cast %get3A_94 : i32 to index
      %get3A_96 = arith.index_cast %mul3A_93 : i32 to index
      %get3A_97 = tpu.vector_load %arg20[%get3A_95, %get3A_96] {strides = array<i32>} : memref<8x1024xf32, #tpu.memory_space<vmem>>, vector<1x16xf32>,
      %get3A_98 = vector.shape_cast %get3A_97 : vector<1x16xf32> to vector<16xf32>
      %mul3A_99 = arith.constant 16 : i32
      %mul3A_100 = arith.muli %scan3A_91, %mul3A_99 : i32
      %get3A_101 = arith.constant 1 : i32
      %get3A_102 = arith.index_cast %get3A_101 : i32 to index
      %get3A_103 = arith.index_cast %mul3A_100 : i32 to index
      %get3A_104 = tpu.vector_load %arg21[%get3A_102, %get3A_103] {strides = array<i32>} : memref<8x1024xf32, #tpu.memory_space<vmem>>, vector<1x16xf32>,
      %get3A_105 = vector.shape_cast %get3A_104 : vector<1x16xf32> to vector<16xf32>
      %sub3A = arith.subf %get3A_98, %get3A_105 : vector<16xf32>
      %mul3A_106 = arith.mulf %get3A_30, %sub3A : vector<16xf32>
      %add3A_107 = arith.addf %get3A_105, %mul3A_106 : vector<16xf32>
      %mul3A_108 = arith.constant 16 : i32
      %mul3A_109 = arith.muli %scan3A_91, %mul3A_108 : i32
      %swap3A = arith.constant 1 : i32
      %swap3A_110 = arith.index_cast %swap3A : i32 to index
      %swap3A_111 = arith.index_cast %mul3A_109 : i32 to index
      %swap3A_112 = tpu.vector_load %arg22[%swap3A_110, %swap3A_111] {strides = array<i32>} : memref<8x1024xf32, #tpu.memory_space<vmem>>, vector<1x16xf32>,
      %swap3A_113 = vector.shape_cast %swap3A_112 : vector<1x16xf32> to vector<16xf32>
      %swap3A_114 = vector.shape_cast %add3A_107 : vector<16xf32> to vector<1x16xf32>
      tpu.vector_store %arg22[%swap3A_110, %swap3A_111], %swap3A_114 {strides = array<i32>} : memref<8x1024xf32, #tpu.memory_space<vmem>>, vector<1x16xf32>,
      %scan3A_115 = arith.constant 1 : i32
      %scan3A_116 = arith.addi %scan3A_91, %scan3A_115 : i32
      %mul3A_117 = arith.constant 16 : i32
      %mul3A_118 = arith.muli %scan3A_116, %mul3A_117 : i32
      %get3A_119 = arith.constant 1 : i32
      %get3A_120 = arith.index_cast %get3A_119 : i32 to index
      %get3A_121 = arith.index_cast %mul3A_118 : i32 to index
      %get3A_122 = tpu.vector_load %arg20[%get3A_120, %get3A_121] {strides = array<i32>} : memref<8x1024xf32, #tpu.memory_space<vmem>>, vector<1x16xf32>,
      %get3A_123 = vector.shape_cast %get3A_122 : vector<1x16xf32> to vector<16xf32>
      %mul3A_124 = arith.constant 16 : i32
      %mul3A_125 = arith.muli %scan3A_116, %mul3A_124 : i32
      %get3A_126 = arith.constant 1 : i32
      %get3A_127 = arith.index_cast %get3A_126 : i32 to index
      %get3A_128 = arith.index_cast %mul3A_125 : i32 to index
      %get3A_129 = tpu.vector_load %arg21[%get3A_127, %get3A_128] {strides = array<i32>} : memref<8x1024xf32, #tpu.memory_space<vmem>>, vector<1x16xf32>,
      %get3A_130 = vector.shape_cast %get3A_129 : vector<1x16xf32> to vector<16xf32>
      %sub3A_131 = arith.subf %get3A_123, %get3A_130 : vector<16xf32>
      %mul3A_132 = arith.mulf %get3A_30, %sub3A_131 : vector<16xf32>
      %add3A_133 = arith.addf %get3A_130, %mul3A_132 : vector<16xf32>
      %mul3A_134 = arith.constant 16 : i32
      %mul3A_135 = arith.muli %scan3A_116, %mul3A_134 : i32
      %swap3A_136 = arith.constant 1 : i32
      %swap3A_137 = arith.index_cast %swap3A_136 : i32 to index
      %swap3A_138 = arith.index_cast %mul3A_135 : i32 to index
      %swap3A_139 = tpu.vector_load %arg22[%swap3A_137, %swap3A_138] {strides = array<i32>} : memref<8x1024xf32, #tpu.memory_space<vmem>>, vector<1x16xf32>,
      %swap3A_140 = vector.shape_cast %swap3A_139 : vector<1x16xf32> to vector<16xf32>
      %swap3A_141 = vector.shape_cast %add3A_133 : vector<16xf32> to vector<1x16xf32>
      tpu.vector_store %arg22[%swap3A_137, %swap3A_138], %swap3A_141 {strides = array<i32>} : memref<8x1024xf32, #tpu.memory_space<vmem>>, vector<1x16xf32>,
      %scan3A_142 = arith.constant 2 : i32
      %scan3A_143 = arith.addi %scan3A_91, %scan3A_142 : i32
      %mul3A_144 = arith.constant 16 : i32
      %mul3A_145 = arith.muli %scan3A_143, %mul3A_144 : i32
      %get3A_146 = arith.constant 1 : i32
      %get3A_147 = arith.index_cast %get3A_146 : i32 to index
      %get3A_148 = arith.index_cast %mul3A_145 : i32 to index
      %get3A_149 = tpu.vector_load %arg20[%get3A_147, %get3A_148] {strides = array<i32>} : memref<8x1024xf32, #tpu.memory_space<vmem>>, vector<1x16xf32>,
      %get3A_150 = vector.shape_cast %get3A_149 : vector<1x16xf32> to vector<16xf32>
      %mul3A_151 = arith.constant 16 : i32
      %mul3A_152 = arith.muli %scan3A_143, %mul3A_151 : i32
      %get3A_153 = arith.constant 1 : i32
      %get3A_154 = arith.index_cast %get3A_153 : i32 to index
      %get3A_155 = arith.index_cast %mul3A_152 : i32 to index
      %get3A_156 = tpu.vector_load %arg21[%get3A_154, %get3A_155] {strides = array<i32>} : memref<8x1024xf32, #tpu.memory_space<vmem>>, vector<1x16xf32>,
      %get3A_157 = vector.shape_cast %get3A_156 : vector<1x16xf32> to vector<16xf32>
      %sub3A_158 = arith.subf %get3A_150, %get3A_157 : vector<16xf32>
      %mul3A_159 = arith.mulf %get3A_30, %sub3A_158 : vector<16xf32>
      %add3A_160 = arith.addf %get3A_157, %mul3A_159 : vector<16xf32>
      %mul3A_161 = arith.constant 16 : i32
      %mul3A_162 = arith.muli %scan3A_143, %mul3A_161 : i32
      %swap3A_163 = arith.constant 1 : i32
      %swap3A_164 = arith.index_cast %swap3A_163 : i32 to index
      %swap3A_165 = arith.index_cast %mul3A_162 : i32 to index
      %swap3A_166 = tpu.vector_load %arg22[%swap3A_164, %swap3A_165] {strides = array<i32>} : memref<8x1024xf32, #tpu.memory_space<vmem>>, vector<1x16xf32>,
      %swap3A_167 = vector.shape_cast %swap3A_166 : vector<1x16xf32> to vector<16xf32>
      %swap3A_168 = vector.shape_cast %add3A_160 : vector<16xf32> to vector<1x16xf32>
      tpu.vector_store %arg22[%swap3A_164, %swap3A_165], %swap3A_168 {strides = array<i32>} : memref<8x1024xf32, #tpu.memory_space<vmem>>, vector<1x16xf32>,
      %scan3A_169 = arith.constant 3 : i32
      %scan3A_170 = arith.addi %scan3A_91, %scan3A_169 : i32
      %mul3A_171 = arith.constant 16 : i32
      %mul3A_172 = arith.muli %scan3A_170, %mul3A_171 : i32
      %get3A_173 = arith.constant 1 : i32
      %get3A_174 = arith.index_cast %get3A_173 : i32 to index
      %get3A_175 = arith.index_cast %mul3A_172 : i32 to index
      %get3A_176 = tpu.vector_load %arg20[%get3A_174, %get3A_175] {strides = array<i32>} : memref<8x1024xf32, #tpu.memory_space<vmem>>, vector<1x16xf32>,
      %get3A_177 = vector.shape_cast %get3A_176 : vector<1x16xf32> to vector<16xf32>
      %mul3A_178 = arith.constant 16 : i32
      %mul3A_179 = arith.muli %scan3A_170, %mul3A_178 : i32
      %get3A_180 = arith.constant 1 : i32
      %get3A_181 = arith.index_cast %get3A_180 : i32 to index
      %get3A_182 = arith.index_cast %mul3A_179 : i32 to index
      %get3A_183 = tpu.vector_load %arg21[%get3A_181, %get3A_182] {strides = array<i32>} : memref<8x1024xf32, #tpu.memory_space<vmem>>, vector<1x16xf32>,
      %get3A_184 = vector.shape_cast %get3A_183 : vector<1x16xf32> to vector<16xf32>
      %sub3A_185 = arith.subf %get3A_177, %get3A_184 : vector<16xf32>
      %mul3A_186 = arith.mulf %get3A_30, %sub3A_185 : vector<16xf32>
      %add3A_187 = arith.addf %get3A_184, %mul3A_186 : vector<16xf32>
      %mul3A_188 = arith.constant 16 : i32
      %mul3A_189 = arith.muli %scan3A_170, %mul3A_188 : i32
      %swap3A_190 = arith.constant 1 : i32
      %swap3A_191 = arith.index_cast %swap3A_190 : i32 to index
      %swap3A_192 = arith.index_cast %mul3A_189 : i32 to index
      %swap3A_193 = tpu.vector_load %arg22[%swap3A_191, %swap3A_192] {strides = array<i32>} : memref<8x1024xf32, #tpu.memory_space<vmem>>, vector<1x16xf32>,
      %swap3A_194 = vector.shape_cast %swap3A_193 : vector<1x16xf32> to vector<16xf32>
      %swap3A_195 = vector.shape_cast %add3A_187 : vector<16xf32> to vector<1x16xf32>
      tpu.vector_store %arg22[%swap3A_191, %swap3A_192], %swap3A_195 {strides = array<i32>} : memref<8x1024xf32, #tpu.memory_space<vmem>>, vector<1x16xf32>,
    }
    %scan3A_36 = arith.constant 64 : i32
    %get3A_37 = arith.constant 32 : index
    %get3A_38 = tpu.vector_load %arg23[%get3A_37] {strides = array<i32>} : memref<128xf32, #tpu.memory_space<vmem>>, vector<16xf32>,
    %get3A_39 = vector.shape_cast %get3A_38 : vector<16xf32> to vector<16xf32>
    %scan3A_40 = arith.constant 0 : i32
    %scan3A_41 = arith.constant 0 : i32
    %scan3A_42 = arith.constant 64 : i32
    %scan3A_43 = arith.addi %scan3A_41, %scan3A_42 : i32
    %scan3A_44 = arith.constant 4 : i32
    scf.for %scan3A_91 = %scan3A_41 to %scan3A_43 step %scan3A_44  : i32 {
      %mul3A_92 = arith.constant 16 : i32
      %mul3A_93 = arith.muli %scan3A_91, %mul3A_92 : i32
      %get3A_94 = arith.constant 2 : i32
      %get3A_95 = arith.index_cast %get3A_94 : i32 to index
      %get3A_96 = arith.index_cast %mul3A_93 : i32 to index
      %get3A_97 = tpu.vector_load %arg20[%get3A_95, %get3A_96] {strides = array<i32>} : memref<8x1024xf32, #tpu.memory_space<vmem>>, vector<1x16xf32>,
      %get3A_98 = vector.shape_cast %get3A_97 : vector<1x16xf32> to vector<16xf32>
      %mul3A_99 = arith.constant 16 : i32
      %mul3A_100 = arith.muli %scan3A_91, %mul3A_99 : i32
      %get3A_101 = arith.constant 2 : i32
      %get3A_102 = arith.index_cast %get3A_101 : i32 to index
      %get3A_103 = arith.index_cast %mul3A_100 : i32 to index
      %get3A_104 = tpu.vector_load %arg21[%get3A_102, %get3A_103] {strides = array<i32>} : memref<8x1024xf32, #tpu.memory_space<vmem>>, vector<1x16xf32>,
      %get3A_105 = vector.shape_cast %get3A_104 : vector<1x16xf32> to vector<16xf32>
      %sub3A = arith.subf %get3A_98, %get3A_105 : vector<16xf32>
      %mul3A_106 = arith.mulf %get3A_39, %sub3A : vector<16xf32>
      %add3A_107 = arith.addf %get3A_105, %mul3A_106 : vector<16xf32>
      %mul3A_108 = arith.constant 16 : i32
      %mul3A_109 = arith.muli %scan3A_91, %mul3A_108 : i32
      %swap3A = arith.constant 2 : i32
      %swap3A_110 = arith.index_cast %swap3A : i32 to index
      %swap3A_111 = arith.index_cast %mul3A_109 : i32 to index
      %swap3A_112 = tpu.vector_load %arg22[%swap3A_110, %swap3A_111] {strides = array<i32>} : memref<8x1024xf32, #tpu.memory_space<vmem>>, vector<1x16xf32>,
      %swap3A_113 = vector.shape_cast %swap3A_112 : vector<1x16xf32> to vector<16xf32>
      %swap3A_114 = vector.shape_cast %add3A_107 : vector<16xf32> to vector<1x16xf32>
      tpu.vector_store %arg22[%swap3A_110, %swap3A_111], %swap3A_114 {strides = array<i32>} : memref<8x1024xf32, #tpu.memory_space<vmem>>, vector<1x16xf32>,
      %scan3A_115 = arith.constant 1 : i32
      %scan3A_116 = arith.addi %scan3A_91, %scan3A_115 : i32
      %mul3A_117 = arith.constant 16 : i32
      %mul3A_118 = arith.muli %scan3A_116, %mul3A_117 : i32
      %get3A_119 = arith.constant 2 : i32
      %get3A_120 = arith.index_cast %get3A_119 : i32 to index
      %get3A_121 = arith.index_cast %mul3A_118 : i32 to index
      %get3A_122 = tpu.vector_load %arg20[%get3A_120, %get3A_121] {strides = array<i32>} : memref<8x1024xf32, #tpu.memory_space<vmem>>, vector<1x16xf32>,
      %get3A_123 = vector.shape_cast %get3A_122 : vector<1x16xf32> to vector<16xf32>
      %mul3A_124 = arith.constant 16 : i32
      %mul3A_125 = arith.muli %scan3A_116, %mul3A_124 : i32
      %get3A_126 = arith.constant 2 : i32
      %get3A_127 = arith.index_cast %get3A_126 : i32 to index
      %get3A_128 = arith.index_cast %mul3A_125 : i32 to index
      %get3A_129 = tpu.vector_load %arg21[%get3A_127, %get3A_128] {strides = array<i32>} : memref<8x1024xf32, #tpu.memory_space<vmem>>, vector<1x16xf32>,
      %get3A_130 = vector.shape_cast %get3A_129 : vector<1x16xf32> to vector<16xf32>
      %sub3A_131 = arith.subf %get3A_123, %get3A_130 : vector<16xf32>
      %mul3A_132 = arith.mulf %get3A_39, %sub3A_131 : vector<16xf32>
      %add3A_133 = arith.addf %get3A_130, %mul3A_132 : vector<16xf32>
      %mul3A_134 = arith.constant 16 : i32
      %mul3A_135 = arith.muli %scan3A_116, %mul3A_134 : i32
      %swap3A_136 = arith.constant 2 : i32
      %swap3A_137 = arith.index_cast %swap3A_136 : i32 to index
      %swap3A_138 = arith.index_cast %mul3A_135 : i32 to index
      %swap3A_139 = tpu.vector_load %arg22[%swap3A_137, %swap3A_138] {strides = array<i32>} : memref<8x1024xf32, #tpu.memory_space<vmem>>, vector<1x16xf32>,
      %swap3A_140 = vector.shape_cast %swap3A_139 : vector<1x16xf32> to vector<16xf32>
      %swap3A_141 = vector.shape_cast %add3A_133 : vector<16xf32> to vector<1x16xf32>
      tpu.vector_store %arg22[%swap3A_137, %swap3A_138], %swap3A_141 {strides = array<i32>} : memref<8x1024xf32, #tpu.memory_space<vmem>>, vector<1x16xf32>,
      %scan3A_142 = arith.constant 2 : i32
      %scan3A_143 = arith.addi %scan3A_91, %scan3A_142 : i32
      %mul3A_144 = arith.constant 16 : i32
      %mul3A_145 = arith.muli %scan3A_143, %mul3A_144 : i32
      %get3A_146 = arith.constant 2 : i32
      %get3A_147 = arith.index_cast %get3A_146 : i32 to index
      %get3A_148 = arith.index_cast %mul3A_145 : i32 to index
      %get3A_149 = tpu.vector_load %arg20[%get3A_147, %get3A_148] {strides = array<i32>} : memref<8x1024xf32, #tpu.memory_space<vmem>>, vector<1x16xf32>,
      %get3A_150 = vector.shape_cast %get3A_149 : vector<1x16xf32> to vector<16xf32>
      %mul3A_151 = arith.constant 16 : i32
      %mul3A_152 = arith.muli %scan3A_143, %mul3A_151 : i32
      %get3A_153 = arith.constant 2 : i32
      %get3A_154 = arith.index_cast %get3A_153 : i32 to index
      %get3A_155 = arith.index_cast %mul3A_152 : i32 to index
      %get3A_156 = tpu.vector_load %arg21[%get3A_154, %get3A_155] {strides = array<i32>} : memref<8x1024xf32, #tpu.memory_space<vmem>>, vector<1x16xf32>,
      %get3A_157 = vector.shape_cast %get3A_156 : vector<1x16xf32> to vector<16xf32>
      %sub3A_158 = arith.subf %get3A_150, %get3A_157 : vector<16xf32>
      %mul3A_159 = arith.mulf %get3A_39, %sub3A_158 : vector<16xf32>
      %add3A_160 = arith.addf %get3A_157, %mul3A_159 : vector<16xf32>
      %mul3A_161 = arith.constant 16 : i32
      %mul3A_162 = arith.muli %scan3A_143, %mul3A_161 : i32
      %swap3A_163 = arith.constant 2 : i32
      %swap3A_164 = arith.index_cast %swap3A_163 : i32 to index
      %swap3A_165 = arith.index_cast %mul3A_162 : i32 to index
      %swap3A_166 = tpu.vector_load %arg22[%swap3A_164, %swap3A_165] {strides = array<i32>} : memref<8x1024xf32, #tpu.memory_space<vmem>>, vector<1x16xf32>,
      %swap3A_167 = vector.shape_cast %swap3A_166 : vector<1x16xf32> to vector<16xf32>
      %swap3A_168 = vector.shape_cast %add3A_160 : vector<16xf32> to vector<1x16xf32>
      tpu.vector_store %arg22[%swap3A_164, %swap3A_165], %swap3A_168 {strides = array<i32>} : memref<8x1024xf32, #tpu.memory_space<vmem>>, vector<1x16xf32>,
      %scan3A_169 = arith.constant 3 : i32
      %scan3A_170 = arith.addi %scan3A_91, %scan3A_169 : i32
      %mul3A_171 = arith.constant 16 : i32
      %mul3A_172 = arith.muli %scan3A_170, %mul3A_171 : i32
      %get3A_173 = arith.constant 2 : i32
      %get3A_174 = arith.index_cast %get3A_173 : i32 to index
      %get3A_175 = arith.index_cast %mul3A_172 : i32 to index
      %get3A_176 = tpu.vector_load %arg20[%get3A_174, %get3A_175] {strides = array<i32>} : memref<8x1024xf32, #tpu.memory_space<vmem>>, vector<1x16xf32>,
      %get3A_177 = vector.shape_cast %get3A_176 : vector<1x16xf32> to vector<16xf32>
      %mul3A_178 = arith.constant 16 : i32
      %mul3A_179 = arith.muli %scan3A_170, %mul3A_178 : i32
      %get3A_180 = arith.constant 2 : i32
      %get3A_181 = arith.index_cast %get3A_180 : i32 to index
      %get3A_182 = arith.index_cast %mul3A_179 : i32 to index
      %get3A_183 = tpu.vector_load %arg21[%get3A_181, %get3A_182] {strides = array<i32>} : memref<8x1024xf32, #tpu.memory_space<vmem>>, vector<1x16xf32>,
      %get3A_184 = vector.shape_cast %get3A_183 : vector<1x16xf32> to vector<16xf32>
      %sub3A_185 = arith.subf %get3A_177, %get3A_184 : vector<16xf32>
      %mul3A_186 = arith.mulf %get3A_39, %sub3A_185 : vector<16xf32>
      %add3A_187 = arith.addf %get3A_184, %mul3A_186 : vector<16xf32>
      %mul3A_188 = arith.constant 16 : i32
      %mul3A_189 = arith.muli %scan3A_170, %mul3A_188 : i32
      %swap3A_190 = arith.constant 2 : i32
      %swap3A_191 = arith.index_cast %swap3A_190 : i32 to index
      %swap3A_192 = arith.index_cast %mul3A_189 : i32 to index
      %swap3A_193 = tpu.vector_load %arg22[%swap3A_191, %swap3A_192] {strides = array<i32>} : memref<8x1024xf32, #tpu.memory_space<vmem>>, vector<1x16xf32>,
      %swap3A_194 = vector.shape_cast %swap3A_193 : vector<1x16xf32> to vector<16xf32>
      %swap3A_195 = vector.shape_cast %add3A_187 : vector<16xf32> to vector<1x16xf32>
      tpu.vector_store %arg22[%swap3A_191, %swap3A_192], %swap3A_195 {strides = array<i32>} : memref<8x1024xf32, #tpu.memory_space<vmem>>, vector<1x16xf32>,
    }
    %scan3A_45 = arith.constant 64 : i32
    %get3A_46 = arith.constant 48 : index
    %get3A_47 = tpu.vector_load %arg23[%get3A_46] {strides = array<i32>} : memref<128xf32, #tpu.memory_space<vmem>>, vector<16xf32>,
    %get3A_48 = vector.shape_cast %get3A_47 : vector<16xf32> to vector<16xf32>
    %scan3A_49 = arith.constant 0 : i32
    %scan3A_50 = arith.constant 0 : i32
    %scan3A_51 = arith.constant 64 : i32
    %scan3A_52 = arith.addi %scan3A_50, %scan3A_51 : i32
    %scan3A_53 = arith.constant 4 : i32
    scf.for %scan3A_91 = %scan3A_50 to %scan3A_52 step %scan3A_53  : i32 {
      %mul3A_92 = arith.constant 16 : i32
      %mul3A_93 = arith.muli %scan3A_91, %mul3A_92 : i32
      %get3A_94 = arith.constant 3 : i32
      %get3A_95 = arith.index_cast %get3A_94 : i32 to index
      %get3A_96 = arith.index_cast %mul3A_93 : i32 to index
      %get3A_97 = tpu.vector_load %arg20[%get3A_95, %get3A_96] {strides = array<i32>} : memref<8x1024xf32, #tpu.memory_space<vmem>>, vector<1x16xf32>,
      %get3A_98 = vector.shape_cast %get3A_97 : vector<1x16xf32> to vector<16xf32>
      %mul3A_99 = arith.constant 16 : i32
      %mul3A_100 = arith.muli %scan3A_91, %mul3A_99 : i32
      %get3A_101 = arith.constant 3 : i32
      %get3A_102 = arith.index_cast %get3A_101 : i32 to index
      %get3A_103 = arith.index_cast %mul3A_100 : i32 to index
      %get3A_104 = tpu.vector_load %arg21[%get3A_102, %get3A_103] {strides = array<i32>} : memref<8x1024xf32, #tpu.memory_space<vmem>>, vector<1x16xf32>,
      %get3A_105 = vector.shape_cast %get3A_104 : vector<1x16xf32> to vector<16xf32>
      %sub3A = arith.subf %get3A_98, %get3A_105 : vector<16xf32>
      %mul3A_106 = arith.mulf %get3A_48, %sub3A : vector<16xf32>
      %add3A_107 = arith.addf %get3A_105, %mul3A_106 : vector<16xf32>
      %mul3A_108 = arith.constant 16 : i32
      %mul3A_109 = arith.muli %scan3A_91, %mul3A_108 : i32
      %swap3A = arith.constant 3 : i32
      %swap3A_110 = arith.index_cast %swap3A : i32 to index
      %swap3A_111 = arith.index_cast %mul3A_109 : i32 to index
      %swap3A_112 = tpu.vector_load %arg22[%swap3A_110, %swap3A_111] {strides = array<i32>} : memref<8x1024xf32, #tpu.memory_space<vmem>>, vector<1x16xf32>,
      %swap3A_113 = vector.shape_cast %swap3A_112 : vector<1x16xf32> to vector<16xf32>
      %swap3A_114 = vector.shape_cast %add3A_107 : vector<16xf32> to vector<1x16xf32>
      tpu.vector_store %arg22[%swap3A_110, %swap3A_111], %swap3A_114 {strides = array<i32>} : memref<8x1024xf32, #tpu.memory_space<vmem>>, vector<1x16xf32>,
      %scan3A_115 = arith.constant 1 : i32
      %scan3A_116 = arith.addi %scan3A_91, %scan3A_115 : i32
      %mul3A_117 = arith.constant 16 : i32
      %mul3A_118 = arith.muli %scan3A_116, %mul3A_117 : i32
      %get3A_119 = arith.constant 3 : i32
      %get3A_120 = arith.index_cast %get3A_119 : i32 to index
      %get3A_121 = arith.index_cast %mul3A_118 : i32 to index
      %get3A_122 = tpu.vector_load %arg20[%get3A_120, %get3A_121] {strides = array<i32>} : memref<8x1024xf32, #tpu.memory_space<vmem>>, vector<1x16xf32>,
      %get3A_123 = vector.shape_cast %get3A_122 : vector<1x16xf32> to vector<16xf32>
      %mul3A_124 = arith.constant 16 : i32
      %mul3A_125 = arith.muli %scan3A_116, %mul3A_124 : i32
      %get3A_126 = arith.constant 3 : i32
      %get3A_127 = arith.index_cast %get3A_126 : i32 to index
      %get3A_128 = arith.index_cast %mul3A_125 : i32 to index
      %get3A_129 = tpu.vector_load %arg21[%get3A_127, %get3A_128] {strides = array<i32>} : memref<8x1024xf32, #tpu.memory_space<vmem>>, vector<1x16xf32>,
      %get3A_130 = vector.shape_cast %get3A_129 : vector<1x16xf32> to vector<16xf32>
      %sub3A_131 = arith.subf %get3A_123, %get3A_130 : vector<16xf32>
      %mul3A_132 = arith.mulf %get3A_48, %sub3A_131 : vector<16xf32>
      %add3A_133 = arith.addf %get3A_130, %mul3A_132 : vector<16xf32>
      %mul3A_134 = arith.constant 16 : i32
      %mul3A_135 = arith.muli %scan3A_116, %mul3A_134 : i32
      %swap3A_136 = arith.constant 3 : i32
      %swap3A_137 = arith.index_cast %swap3A_136 : i32 to index
      %swap3A_138 = arith.index_cast %mul3A_135 : i32 to index
      %swap3A_139 = tpu.vector_load %arg22[%swap3A_137, %swap3A_138] {strides = array<i32>} : memref<8x1024xf32, #tpu.memory_space<vmem>>, vector<1x16xf32>,
      %swap3A_140 = vector.shape_cast %swap3A_139 : vector<1x16xf32> to vector<16xf32>
      %swap3A_141 = vector.shape_cast %add3A_133 : vector<16xf32> to vector<1x16xf32>
      tpu.vector_store %arg22[%swap3A_137, %swap3A_138], %swap3A_141 {strides = array<i32>} : memref<8x1024xf32, #tpu.memory_space<vmem>>, vector<1x16xf32>,
      %scan3A_142 = arith.constant 2 : i32
      %scan3A_143 = arith.addi %scan3A_91, %scan3A_142 : i32
      %mul3A_144 = arith.constant 16 : i32
      %mul3A_145 = arith.muli %scan3A_143, %mul3A_144 : i32
      %get3A_146 = arith.constant 3 : i32
      %get3A_147 = arith.index_cast %get3A_146 : i32 to index
      %get3A_148 = arith.index_cast %mul3A_145 : i32 to index
      %get3A_149 = tpu.vector_load %arg20[%get3A_147, %get3A_148] {strides = array<i32>} : memref<8x1024xf32, #tpu.memory_space<vmem>>, vector<1x16xf32>,
      %get3A_150 = vector.shape_cast %get3A_149 : vector<1x16xf32> to vector<16xf32>
      %mul3A_151 = arith.constant 16 : i32
      %mul3A_152 = arith.muli %scan3A_143, %mul3A_151 : i32
      %get3A_153 = arith.constant 3 : i32
      %get3A_154 = arith.index_cast %get3A_153 : i32 to index
      %get3A_155 = arith.index_cast %mul3A_152 : i32 to index
      %get3A_156 = tpu.vector_load %arg21[%get3A_154, %get3A_155] {strides = array<i32>} : memref<8x1024xf32, #tpu.memory_space<vmem>>, vector<1x16xf32>,
      %get3A_157 = vector.shape_cast %get3A_156 : vector<1x16xf32> to vector<16xf32>
      %sub3A_158 = arith.subf %get3A_150, %get3A_157 : vector<16xf32>
      %mul3A_159 = arith.mulf %get3A_48, %sub3A_158 : vector<16xf32>
      %add3A_160 = arith.addf %get3A_157, %mul3A_159 : vector<16xf32>
      %mul3A_161 = arith.constant 16 : i32
      %mul3A_162 = arith.muli %scan3A_143, %mul3A_161 : i32
      %swap3A_163 = arith.constant 3 : i32
      %swap3A_164 = arith.index_cast %swap3A_163 : i32 to index
      %swap3A_165 = arith.index_cast %mul3A_162 : i32 to index
      %swap3A_166 = tpu.vector_load %arg22[%swap3A_164, %swap3A_165] {strides = array<i32>} : memref<8x1024xf32, #tpu.memory_space<vmem>>, vector<1x16xf32>,
      %swap3A_167 = vector.shape_cast %swap3A_166 : vector<1x16xf32> to vector<16xf32>
      %swap3A_168 = vector.shape_cast %add3A_160 : vector<16xf32> to vector<1x16xf32>
      tpu.vector_store %arg22[%swap3A_164, %swap3A_165], %swap3A_168 {strides = array<i32>} : memref<8x1024xf32, #tpu.memory_space<vmem>>, vector<1x16xf32>,
      %scan3A_169 = arith.constant 3 : i32
      %scan3A_170 = arith.addi %scan3A_91, %scan3A_169 : i32
      %mul3A_171 = arith.constant 16 : i32
      %mul3A_172 = arith.muli %scan3A_170, %mul3A_171 : i32
      %get3A_173 = arith.constant 3 : i32
      %get3A_174 = arith.index_cast %get3A_173 : i32 to index
      %get3A_175 = arith.index_cast %mul3A_172 : i32 to index
      %get3A_176 = tpu.vector_load %arg20[%get3A_174, %get3A_175] {strides = array<i32>} : memref<8x1024xf32, #tpu.memory_space<vmem>>, vector<1x16xf32>,
      %get3A_177 = vector.shape_cast %get3A_176 : vector<1x16xf32> to vector<16xf32>
      %mul3A_178 = arith.constant 16 : i32
      %mul3A_179 = arith.muli %scan3A_170, %mul3A_178 : i32
      %get3A_180 = arith.constant 3 : i32
      %get3A_181 = arith.index_cast %get3A_180 : i32 to index
      %get3A_182 = arith.index_cast %mul3A_179 : i32 to index
      %get3A_183 = tpu.vector_load %arg21[%get3A_181, %get3A_182] {strides = array<i32>} : memref<8x1024xf32, #tpu.memory_space<vmem>>, vector<1x16xf32>,
      %get3A_184 = vector.shape_cast %get3A_183 : vector<1x16xf32> to vector<16xf32>
      %sub3A_185 = arith.subf %get3A_177, %get3A_184 : vector<16xf32>
      %mul3A_186 = arith.mulf %get3A_48, %sub3A_185 : vector<16xf32>
      %add3A_187 = arith.addf %get3A_184, %mul3A_186 : vector<16xf32>
      %mul3A_188 = arith.constant 16 : i32
      %mul3A_189 = arith.muli %scan3A_170, %mul3A_188 : i32
      %swap3A_190 = arith.constant 3 : i32
      %swap3A_191 = arith.index_cast %swap3A_190 : i32 to index
      %swap3A_192 = arith.index_cast %mul3A_189 : i32 to index
      %swap3A_193 = tpu.vector_load %arg22[%swap3A_191, %swap3A_192] {strides = array<i32>} : memref<8x1024xf32, #tpu.memory_space<vmem>>, vector<1x16xf32>,
      %swap3A_194 = vector.shape_cast %swap3A_193 : vector<1x16xf32> to vector<16xf32>
      %swap3A_195 = vector.shape_cast %add3A_187 : vector<16xf32> to vector<1x16xf32>
      tpu.vector_store %arg22[%swap3A_191, %swap3A_192], %swap3A_195 {strides = array<i32>} : memref<8x1024xf32, #tpu.memory_space<vmem>>, vector<1x16xf32>,
    }
    %scan3A_54 = arith.constant 64 : i32
    %get3A_55 = arith.constant 64 : index
    %get3A_56 = tpu.vector_load %arg23[%get3A_55] {strides = array<i32>} : memref<128xf32, #tpu.memory_space<vmem>>, vector<16xf32>,
    %get3A_57 = vector.shape_cast %get3A_56 : vector<16xf32> to vector<16xf32>
    %scan3A_58 = arith.constant 0 : i32
    %scan3A_59 = arith.constant 0 : i32
    %scan3A_60 = arith.constant 64 : i32
    %scan3A_61 = arith.addi %scan3A_59, %scan3A_60 : i32
    %scan3A_62 = arith.constant 4 : i32
    scf.for %scan3A_91 = %scan3A_59 to %scan3A_61 step %scan3A_62  : i32 {
      %mul3A_92 = arith.constant 16 : i32
      %mul3A_93 = arith.muli %scan3A_91, %mul3A_92 : i32
      %get3A_94 = arith.constant 4 : i32
      %get3A_95 = arith.index_cast %get3A_94 : i32 to index
      %get3A_96 = arith.index_cast %mul3A_93 : i32 to index
      %get3A_97 = tpu.vector_load %arg20[%get3A_95, %get3A_96] {strides = array<i32>} : memref<8x1024xf32, #tpu.memory_space<vmem>>, vector<1x16xf32>,
      %get3A_98 = vector.shape_cast %get3A_97 : vector<1x16xf32> to vector<16xf32>
      %mul3A_99 = arith.constant 16 : i32
      %mul3A_100 = arith.muli %scan3A_91, %mul3A_99 : i32
      %get3A_101 = arith.constant 4 : i32
      %get3A_102 = arith.index_cast %get3A_101 : i32 to index
      %get3A_103 = arith.index_cast %mul3A_100 : i32 to index
      %get3A_104 = tpu.vector_load %arg21[%get3A_102, %get3A_103] {strides = array<i32>} : memref<8x1024xf32, #tpu.memory_space<vmem>>, vector<1x16xf32>,
      %get3A_105 = vector.shape_cast %get3A_104 : vector<1x16xf32> to vector<16xf32>
      %sub3A = arith.subf %get3A_98, %get3A_105 : vector<16xf32>
      %mul3A_106 = arith.mulf %get3A_57, %sub3A : vector<16xf32>
      %add3A_107 = arith.addf %get3A_105, %mul3A_106 : vector<16xf32>
      %mul3A_108 = arith.constant 16 : i32
      %mul3A_109 = arith.muli %scan3A_91, %mul3A_108 : i32
      %swap3A = arith.constant 4 : i32
      %swap3A_110 = arith.index_cast %swap3A : i32 to index
      %swap3A_111 = arith.index_cast %mul3A_109 : i32 to index
      %swap3A_112 = tpu.vector_load %arg22[%swap3A_110, %swap3A_111] {strides = array<i32>} : memref<8x1024xf32, #tpu.memory_space<vmem>>, vector<1x16xf32>,
      %swap3A_113 = vector.shape_cast %swap3A_112 : vector<1x16xf32> to vector<16xf32>
      %swap3A_114 = vector.shape_cast %add3A_107 : vector<16xf32> to vector<1x16xf32>
      tpu.vector_store %arg22[%swap3A_110, %swap3A_111], %swap3A_114 {strides = array<i32>} : memref<8x1024xf32, #tpu.memory_space<vmem>>, vector<1x16xf32>,
      %scan3A_115 = arith.constant 1 : i32
      %scan3A_116 = arith.addi %scan3A_91, %scan3A_115 : i32
      %mul3A_117 = arith.constant 16 : i32
      %mul3A_118 = arith.muli %scan3A_116, %mul3A_117 : i32
      %get3A_119 = arith.constant 4 : i32
      %get3A_120 = arith.index_cast %get3A_119 : i32 to index
      %get3A_121 = arith.index_cast %mul3A_118 : i32 to index
      %get3A_122 = tpu.vector_load %arg20[%get3A_120, %get3A_121] {strides = array<i32>} : memref<8x1024xf32, #tpu.memory_space<vmem>>, vector<1x16xf32>,
      %get3A_123 = vector.shape_cast %get3A_122 : vector<1x16xf32> to vector<16xf32>
      %mul3A_124 = arith.constant 16 : i32
      %mul3A_125 = arith.muli %scan3A_116, %mul3A_124 : i32
      %get3A_126 = arith.constant 4 : i32
      %get3A_127 = arith.index_cast %get3A_126 : i32 to index
      %get3A_128 = arith.index_cast %mul3A_125 : i32 to index
      %get3A_129 = tpu.vector_load %arg21[%get3A_127, %get3A_128] {strides = array<i32>} : memref<8x1024xf32, #tpu.memory_space<vmem>>, vector<1x16xf32>,
      %get3A_130 = vector.shape_cast %get3A_129 : vector<1x16xf32> to vector<16xf32>
      %sub3A_131 = arith.subf %get3A_123, %get3A_130 : vector<16xf32>
      %mul3A_132 = arith.mulf %get3A_57, %sub3A_131 : vector<16xf32>
      %add3A_133 = arith.addf %get3A_130, %mul3A_132 : vector<16xf32>
      %mul3A_134 = arith.constant 16 : i32
      %mul3A_135 = arith.muli %scan3A_116, %mul3A_134 : i32
      %swap3A_136 = arith.constant 4 : i32
      %swap3A_137 = arith.index_cast %swap3A_136 : i32 to index
      %swap3A_138 = arith.index_cast %mul3A_135 : i32 to index
      %swap3A_139 = tpu.vector_load %arg22[%swap3A_137, %swap3A_138] {strides = array<i32>} : memref<8x1024xf32, #tpu.memory_space<vmem>>, vector<1x16xf32>,
      %swap3A_140 = vector.shape_cast %swap3A_139 : vector<1x16xf32> to vector<16xf32>
      %swap3A_141 = vector.shape_cast %add3A_133 : vector<16xf32> to vector<1x16xf32>
      tpu.vector_store %arg22[%swap3A_137, %swap3A_138], %swap3A_141 {strides = array<i32>} : memref<8x1024xf32, #tpu.memory_space<vmem>>, vector<1x16xf32>,
      %scan3A_142 = arith.constant 2 : i32
      %scan3A_143 = arith.addi %scan3A_91, %scan3A_142 : i32
      %mul3A_144 = arith.constant 16 : i32
      %mul3A_145 = arith.muli %scan3A_143, %mul3A_144 : i32
      %get3A_146 = arith.constant 4 : i32
      %get3A_147 = arith.index_cast %get3A_146 : i32 to index
      %get3A_148 = arith.index_cast %mul3A_145 : i32 to index
      %get3A_149 = tpu.vector_load %arg20[%get3A_147, %get3A_148] {strides = array<i32>} : memref<8x1024xf32, #tpu.memory_space<vmem>>, vector<1x16xf32>,
      %get3A_150 = vector.shape_cast %get3A_149 : vector<1x16xf32> to vector<16xf32>
      %mul3A_151 = arith.constant 16 : i32
      %mul3A_152 = arith.muli %scan3A_143, %mul3A_151 : i32
      %get3A_153 = arith.constant 4 : i32
      %get3A_154 = arith.index_cast %get3A_153 : i32 to index
      %get3A_155 = arith.index_cast %mul3A_152 : i32 to index
      %get3A_156 = tpu.vector_load %arg21[%get3A_154, %get3A_155] {strides = array<i32>} : memref<8x1024xf32, #tpu.memory_space<vmem>>, vector<1x16xf32>,
      %get3A_157 = vector.shape_cast %get3A_156 : vector<1x16xf32> to vector<16xf32>
      %sub3A_158 = arith.subf %get3A_150, %get3A_157 : vector<16xf32>
      %mul3A_159 = arith.mulf %get3A_57, %sub3A_158 : vector<16xf32>
      %add3A_160 = arith.addf %get3A_157, %mul3A_159 : vector<16xf32>
      %mul3A_161 = arith.constant 16 : i32
      %mul3A_162 = arith.muli %scan3A_143, %mul3A_161 : i32
      %swap3A_163 = arith.constant 4 : i32
      %swap3A_164 = arith.index_cast %swap3A_163 : i32 to index
      %swap3A_165 = arith.index_cast %mul3A_162 : i32 to index
      %swap3A_166 = tpu.vector_load %arg22[%swap3A_164, %swap3A_165] {strides = array<i32>} : memref<8x1024xf32, #tpu.memory_space<vmem>>, vector<1x16xf32>,
      %swap3A_167 = vector.shape_cast %swap3A_166 : vector<1x16xf32> to vector<16xf32>
      %swap3A_168 = vector.shape_cast %add3A_160 : vector<16xf32> to vector<1x16xf32>
      tpu.vector_store %arg22[%swap3A_164, %swap3A_165], %swap3A_168 {strides = array<i32>} : memref<8x1024xf32, #tpu.memory_space<vmem>>, vector<1x16xf32>,
      %scan3A_169 = arith.constant 3 : i32
      %scan3A_170 = arith.addi %scan3A_91, %scan3A_169 : i32
      %mul3A_171 = arith.constant 16 : i32
      %mul3A_172 = arith.muli %scan3A_170, %mul3A_171 : i32
      %get3A_173 = arith.constant 4 : i32
      %get3A_174 = arith.index_cast %get3A_173 : i32 to index
      %get3A_175 = arith.index_cast %mul3A_172 : i32 to index
      %get3A_176 = tpu.vector_load %arg20[%get3A_174, %get3A_175] {strides = array<i32>} : memref<8x1024xf32, #tpu.memory_space<vmem>>, vector<1x16xf32>,
      %get3A_177 = vector.shape_cast %get3A_176 : vector<1x16xf32> to vector<16xf32>
      %mul3A_178 = arith.constant 16 : i32
      %mul3A_179 = arith.muli %scan3A_170, %mul3A_178 : i32
      %get3A_180 = arith.constant 4 : i32
      %get3A_181 = arith.index_cast %get3A_180 : i32 to index
      %get3A_182 = arith.index_cast %mul3A_179 : i32 to index
      %get3A_183 = tpu.vector_load %arg21[%get3A_181, %get3A_182] {strides = array<i32>} : memref<8x1024xf32, #tpu.memory_space<vmem>>, vector<1x16xf32>,
      %get3A_184 = vector.shape_cast %get3A_183 : vector<1x16xf32> to vector<16xf32>
      %sub3A_185 = arith.subf %get3A_177, %get3A_184 : vector<16xf32>
      %mul3A_186 = arith.mulf %get3A_57, %sub3A_185 : vector<16xf32>
      %add3A_187 = arith.addf %get3A_184, %mul3A_186 : vector<16xf32>
      %mul3A_188 = arith.constant 16 : i32
      %mul3A_189 = arith.muli %scan3A_170, %mul3A_188 : i32
      %swap3A_190 = arith.constant 4 : i32
      %swap3A_191 = arith.index_cast %swap3A_190 : i32 to index
      %swap3A_192 = arith.index_cast %mul3A_189 : i32 to index
      %swap3A_193 = tpu.vector_load %arg22[%swap3A_191, %swap3A_192] {strides = array<i32>} : memref<8x1024xf32, #tpu.memory_space<vmem>>, vector<1x16xf32>,
      %swap3A_194 = vector.shape_cast %swap3A_193 : vector<1x16xf32> to vector<16xf32>
      %swap3A_195 = vector.shape_cast %add3A_187 : vector<16xf32> to vector<1x16xf32>
      tpu.vector_store %arg22[%swap3A_191, %swap3A_192], %swap3A_195 {strides = array<i32>} : memref<8x1024xf32, #tpu.memory_space<vmem>>, vector<1x16xf32>,
    }
    %scan3A_63 = arith.constant 64 : i32
    %get3A_64 = arith.constant 80 : index
    %get3A_65 = tpu.vector_load %arg23[%get3A_64] {strides = array<i32>} : memref<128xf32, #tpu.memory_space<vmem>>, vector<16xf32>,
    %get3A_66 = vector.shape_cast %get3A_65 : vector<16xf32> to vector<16xf32>
    %scan3A_67 = arith.constant 0 : i32
    %scan3A_68 = arith.constant 0 : i32
    %scan3A_69 = arith.constant 64 : i32
    %scan3A_70 = arith.addi %scan3A_68, %scan3A_69 : i32
    %scan3A_71 = arith.constant 4 : i32
    scf.for %scan3A_91 = %scan3A_68 to %scan3A_70 step %scan3A_71  : i32 {
      %mul3A_92 = arith.constant 16 : i32
      %mul3A_93 = arith.muli %scan3A_91, %mul3A_92 : i32
      %get3A_94 = arith.constant 5 : i32
      %get3A_95 = arith.index_cast %get3A_94 : i32 to index
      %get3A_96 = arith.index_cast %mul3A_93 : i32 to index
      %get3A_97 = tpu.vector_load %arg20[%get3A_95, %get3A_96] {strides = array<i32>} : memref<8x1024xf32, #tpu.memory_space<vmem>>, vector<1x16xf32>,
      %get3A_98 = vector.shape_cast %get3A_97 : vector<1x16xf32> to vector<16xf32>
      %mul3A_99 = arith.constant 16 : i32
      %mul3A_100 = arith.muli %scan3A_91, %mul3A_99 : i32
      %get3A_101 = arith.constant 5 : i32
      %get3A_102 = arith.index_cast %get3A_101 : i32 to index
      %get3A_103 = arith.index_cast %mul3A_100 : i32 to index
      %get3A_104 = tpu.vector_load %arg21[%get3A_102, %get3A_103] {strides = array<i32>} : memref<8x1024xf32, #tpu.memory_space<vmem>>, vector<1x16xf32>,
      %get3A_105 = vector.shape_cast %get3A_104 : vector<1x16xf32> to vector<16xf32>
      %sub3A = arith.subf %get3A_98, %get3A_105 : vector<16xf32>
      %mul3A_106 = arith.mulf %get3A_66, %sub3A : vector<16xf32>
      %add3A_107 = arith.addf %get3A_105, %mul3A_106 : vector<16xf32>
      %mul3A_108 = arith.constant 16 : i32
      %mul3A_109 = arith.muli %scan3A_91, %mul3A_108 : i32
      %swap3A = arith.constant 5 : i32
      %swap3A_110 = arith.index_cast %swap3A : i32 to index
      %swap3A_111 = arith.index_cast %mul3A_109 : i32 to index
      %swap3A_112 = tpu.vector_load %arg22[%swap3A_110, %swap3A_111] {strides = array<i32>} : memref<8x1024xf32, #tpu.memory_space<vmem>>, vector<1x16xf32>,
      %swap3A_113 = vector.shape_cast %swap3A_112 : vector<1x16xf32> to vector<16xf32>
      %swap3A_114 = vector.shape_cast %add3A_107 : vector<16xf32> to vector<1x16xf32>
      tpu.vector_store %arg22[%swap3A_110, %swap3A_111], %swap3A_114 {strides = array<i32>} : memref<8x1024xf32, #tpu.memory_space<vmem>>, vector<1x16xf32>,
      %scan3A_115 = arith.constant 1 : i32
      %scan3A_116 = arith.addi %scan3A_91, %scan3A_115 : i32
      %mul3A_117 = arith.constant 16 : i32
      %mul3A_118 = arith.muli %scan3A_116, %mul3A_117 : i32
      %get3A_119 = arith.constant 5 : i32
      %get3A_120 = arith.index_cast %get3A_119 : i32 to index
      %get3A_121 = arith.index_cast %mul3A_118 : i32 to index
      %get3A_122 = tpu.vector_load %arg20[%get3A_120, %get3A_121] {strides = array<i32>} : memref<8x1024xf32, #tpu.memory_space<vmem>>, vector<1x16xf32>,
      %get3A_123 = vector.shape_cast %get3A_122 : vector<1x16xf32> to vector<16xf32>
      %mul3A_124 = arith.constant 16 : i32
      %mul3A_125 = arith.muli %scan3A_116, %mul3A_124 : i32
      %get3A_126 = arith.constant 5 : i32
      %get3A_127 = arith.index_cast %get3A_126 : i32 to index
      %get3A_128 = arith.index_cast %mul3A_125 : i32 to index
      %get3A_129 = tpu.vector_load %arg21[%get3A_127, %get3A_128] {strides = array<i32>} : memref<8x1024xf32, #tpu.memory_space<vmem>>, vector<1x16xf32>,
      %get3A_130 = vector.shape_cast %get3A_129 : vector<1x16xf32> to vector<16xf32>
      %sub3A_131 = arith.subf %get3A_123, %get3A_130 : vector<16xf32>
      %mul3A_132 = arith.mulf %get3A_66, %sub3A_131 : vector<16xf32>
      %add3A_133 = arith.addf %get3A_130, %mul3A_132 : vector<16xf32>
      %mul3A_134 = arith.constant 16 : i32
      %mul3A_135 = arith.muli %scan3A_116, %mul3A_134 : i32
      %swap3A_136 = arith.constant 5 : i32
      %swap3A_137 = arith.index_cast %swap3A_136 : i32 to index
      %swap3A_138 = arith.index_cast %mul3A_135 : i32 to index
      %swap3A_139 = tpu.vector_load %arg22[%swap3A_137, %swap3A_138] {strides = array<i32>} : memref<8x1024xf32, #tpu.memory_space<vmem>>, vector<1x16xf32>,
      %swap3A_140 = vector.shape_cast %swap3A_139 : vector<1x16xf32> to vector<16xf32>
      %swap3A_141 = vector.shape_cast %add3A_133 : vector<16xf32> to vector<1x16xf32>
      tpu.vector_store %arg22[%swap3A_137, %swap3A_138], %swap3A_141 {strides = array<i32>} : memref<8x1024xf32, #tpu.memory_space<vmem>>, vector<1x16xf32>,
      %scan3A_142 = arith.constant 2 : i32
      %scan3A_143 = arith.addi %scan3A_91, %scan3A_142 : i32
      %mul3A_144 = arith.constant 16 : i32
      %mul3A_145 = arith.muli %scan3A_143, %mul3A_144 : i32
      %get3A_146 = arith.constant 5 : i32
      %get3A_147 = arith.index_cast %get3A_146 : i32 to index
      %get3A_148 = arith.index_cast %mul3A_145 : i32 to index
      %get3A_149 = tpu.vector_load %arg20[%get3A_147, %get3A_148] {strides = array<i32>} : memref<8x1024xf32, #tpu.memory_space<vmem>>, vector<1x16xf32>,
      %get3A_150 = vector.shape_cast %get3A_149 : vector<1x16xf32> to vector<16xf32>
      %mul3A_151 = arith.constant 16 : i32
      %mul3A_152 = arith.muli %scan3A_143, %mul3A_151 : i32
      %get3A_153 = arith.constant 5 : i32
      %get3A_154 = arith.index_cast %get3A_153 : i32 to index
      %get3A_155 = arith.index_cast %mul3A_152 : i32 to index
      %get3A_156 = tpu.vector_load %arg21[%get3A_154, %get3A_155] {strides = array<i32>} : memref<8x1024xf32, #tpu.memory_space<vmem>>, vector<1x16xf32>,
      %get3A_157 = vector.shape_cast %get3A_156 : vector<1x16xf32> to vector<16xf32>
      %sub3A_158 = arith.subf %get3A_150, %get3A_157 : vector<16xf32>
      %mul3A_159 = arith.mulf %get3A_66, %sub3A_158 : vector<16xf32>
      %add3A_160 = arith.addf %get3A_157, %mul3A_159 : vector<16xf32>
      %mul3A_161 = arith.constant 16 : i32
      %mul3A_162 = arith.muli %scan3A_143, %mul3A_161 : i32
      %swap3A_163 = arith.constant 5 : i32
      %swap3A_164 = arith.index_cast %swap3A_163 : i32 to index
      %swap3A_165 = arith.index_cast %mul3A_162 : i32 to index
      %swap3A_166 = tpu.vector_load %arg22[%swap3A_164, %swap3A_165] {strides = array<i32>} : memref<8x1024xf32, #tpu.memory_space<vmem>>, vector<1x16xf32>,
      %swap3A_167 = vector.shape_cast %swap3A_166 : vector<1x16xf32> to vector<16xf32>
      %swap3A_168 = vector.shape_cast %add3A_160 : vector<16xf32> to vector<1x16xf32>
      tpu.vector_store %arg22[%swap3A_164, %swap3A_165], %swap3A_168 {strides = array<i32>} : memref<8x1024xf32, #tpu.memory_space<vmem>>, vector<1x16xf32>,
      %scan3A_169 = arith.constant 3 : i32
      %scan3A_170 = arith.addi %scan3A_91, %scan3A_169 : i32
      %mul3A_171 = arith.constant 16 : i32
      %mul3A_172 = arith.muli %scan3A_170, %mul3A_171 : i32
      %get3A_173 = arith.constant 5 : i32
      %get3A_174 = arith.index_cast %get3A_173 : i32 to index
      %get3A_175 = arith.index_cast %mul3A_172 : i32 to index
      %get3A_176 = tpu.vector_load %arg20[%get3A_174, %get3A_175] {strides = array<i32>} : memref<8x1024xf32, #tpu.memory_space<vmem>>, vector<1x16xf32>,
      %get3A_177 = vector.shape_cast %get3A_176 : vector<1x16xf32> to vector<16xf32>
      %mul3A_178 = arith.constant 16 : i32
      %mul3A_179 = arith.muli %scan3A_170, %mul3A_178 : i32
      %get3A_180 = arith.constant 5 : i32
      %get3A_181 = arith.index_cast %get3A_180 : i32 to index
      %get3A_182 = arith.index_cast %mul3A_179 : i32 to index
      %get3A_183 = tpu.vector_load %arg21[%get3A_181, %get3A_182] {strides = array<i32>} : memref<8x1024xf32, #tpu.memory_space<vmem>>, vector<1x16xf32>,
      %get3A_184 = vector.shape_cast %get3A_183 : vector<1x16xf32> to vector<16xf32>
      %sub3A_185 = arith.subf %get3A_177, %get3A_184 : vector<16xf32>
      %mul3A_186 = arith.mulf %get3A_66, %sub3A_185 : vector<16xf32>
      %add3A_187 = arith.addf %get3A_184, %mul3A_186 : vector<16xf32>
      %mul3A_188 = arith.constant 16 : i32
      %mul3A_189 = arith.muli %scan3A_170, %mul3A_188 : i32
      %swap3A_190 = arith.constant 5 : i32
      %swap3A_191 = arith.index_cast %swap3A_190 : i32 to index
      %swap3A_192 = arith.index_cast %mul3A_189 : i32 to index
      %swap3A_193 = tpu.vector_load %arg22[%swap3A_191, %swap3A_192] {strides = array<i32>} : memref<8x1024xf32, #tpu.memory_space<vmem>>, vector<1x16xf32>,
      %swap3A_194 = vector.shape_cast %swap3A_193 : vector<1x16xf32> to vector<16xf32>
      %swap3A_195 = vector.shape_cast %add3A_187 : vector<16xf32> to vector<1x16xf32>
      tpu.vector_store %arg22[%swap3A_191, %swap3A_192], %swap3A_195 {strides = array<i32>} : memref<8x1024xf32, #tpu.memory_space<vmem>>, vector<1x16xf32>,
    }
    %scan3A_72 = arith.constant 64 : i32
    %get3A_73 = arith.constant 96 : index
    %get3A_74 = tpu.vector_load %arg23[%get3A_73] {strides = array<i32>} : memref<128xf32, #tpu.memory_space<vmem>>, vector<16xf32>,
    %get3A_75 = vector.shape_cast %get3A_74 : vector<16xf32> to vector<16xf32>
    %scan3A_76 = arith.constant 0 : i32
    %scan3A_77 = arith.constant 0 : i32
    %scan3A_78 = arith.constant 64 : i32
    %scan3A_79 = arith.addi %scan3A_77, %scan3A_78 : i32
    %scan3A_80 = arith.constant 4 : i32
    scf.for %scan3A_91 = %scan3A_77 to %scan3A_79 step %scan3A_80  : i32 {
      %mul3A_92 = arith.constant 16 : i32
      %mul3A_93 = arith.muli %scan3A_91, %mul3A_92 : i32
      %get3A_94 = arith.constant 6 : i32
      %get3A_95 = arith.index_cast %get3A_94 : i32 to index
      %get3A_96 = arith.index_cast %mul3A_93 : i32 to index
      %get3A_97 = tpu.vector_load %arg20[%get3A_95, %get3A_96] {strides = array<i32>} : memref<8x1024xf32, #tpu.memory_space<vmem>>, vector<1x16xf32>,
      %get3A_98 = vector.shape_cast %get3A_97 : vector<1x16xf32> to vector<16xf32>
      %mul3A_99 = arith.constant 16 : i32
      %mul3A_100 = arith.muli %scan3A_91, %mul3A_99 : i32
      %get3A_101 = arith.constant 6 : i32
      %get3A_102 = arith.index_cast %get3A_101 : i32 to index
      %get3A_103 = arith.index_cast %mul3A_100 : i32 to index
      %get3A_104 = tpu.vector_load %arg21[%get3A_102, %get3A_103] {strides = array<i32>} : memref<8x1024xf32, #tpu.memory_space<vmem>>, vector<1x16xf32>,
      %get3A_105 = vector.shape_cast %get3A_104 : vector<1x16xf32> to vector<16xf32>
      %sub3A = arith.subf %get3A_98, %get3A_105 : vector<16xf32>
      %mul3A_106 = arith.mulf %get3A_75, %sub3A : vector<16xf32>
      %add3A_107 = arith.addf %get3A_105, %mul3A_106 : vector<16xf32>
      %mul3A_108 = arith.constant 16 : i32
      %mul3A_109 = arith.muli %scan3A_91, %mul3A_108 : i32
      %swap3A = arith.constant 6 : i32
      %swap3A_110 = arith.index_cast %swap3A : i32 to index
      %swap3A_111 = arith.index_cast %mul3A_109 : i32 to index
      %swap3A_112 = tpu.vector_load %arg22[%swap3A_110, %swap3A_111] {strides = array<i32>} : memref<8x1024xf32, #tpu.memory_space<vmem>>, vector<1x16xf32>,
      %swap3A_113 = vector.shape_cast %swap3A_112 : vector<1x16xf32> to vector<16xf32>
      %swap3A_114 = vector.shape_cast %add3A_107 : vector<16xf32> to vector<1x16xf32>
      tpu.vector_store %arg22[%swap3A_110, %swap3A_111], %swap3A_114 {strides = array<i32>} : memref<8x1024xf32, #tpu.memory_space<vmem>>, vector<1x16xf32>,
      %scan3A_115 = arith.constant 1 : i32
      %scan3A_116 = arith.addi %scan3A_91, %scan3A_115 : i32
      %mul3A_117 = arith.constant 16 : i32
      %mul3A_118 = arith.muli %scan3A_116, %mul3A_117 : i32
      %get3A_119 = arith.constant 6 : i32
      %get3A_120 = arith.index_cast %get3A_119 : i32 to index
      %get3A_121 = arith.index_cast %mul3A_118 : i32 to index
      %get3A_122 = tpu.vector_load %arg20[%get3A_120, %get3A_121] {strides = array<i32>} : memref<8x1024xf32, #tpu.memory_space<vmem>>, vector<1x16xf32>,
      %get3A_123 = vector.shape_cast %get3A_122 : vector<1x16xf32> to vector<16xf32>
      %mul3A_124 = arith.constant 16 : i32
      %mul3A_125 = arith.muli %scan3A_116, %mul3A_124 : i32
      %get3A_126 = arith.constant 6 : i32
      %get3A_127 = arith.index_cast %get3A_126 : i32 to index
      %get3A_128 = arith.index_cast %mul3A_125 : i32 to index
      %get3A_129 = tpu.vector_load %arg21[%get3A_127, %get3A_128] {strides = array<i32>} : memref<8x1024xf32, #tpu.memory_space<vmem>>, vector<1x16xf32>,
      %get3A_130 = vector.shape_cast %get3A_129 : vector<1x16xf32> to vector<16xf32>
      %sub3A_131 = arith.subf %get3A_123, %get3A_130 : vector<16xf32>
      %mul3A_132 = arith.mulf %get3A_75, %sub3A_131 : vector<16xf32>
      %add3A_133 = arith.addf %get3A_130, %mul3A_132 : vector<16xf32>
      %mul3A_134 = arith.constant 16 : i32
      %mul3A_135 = arith.muli %scan3A_116, %mul3A_134 : i32
      %swap3A_136 = arith.constant 6 : i32
      %swap3A_137 = arith.index_cast %swap3A_136 : i32 to index
      %swap3A_138 = arith.index_cast %mul3A_135 : i32 to index
      %swap3A_139 = tpu.vector_load %arg22[%swap3A_137, %swap3A_138] {strides = array<i32>} : memref<8x1024xf32, #tpu.memory_space<vmem>>, vector<1x16xf32>,
      %swap3A_140 = vector.shape_cast %swap3A_139 : vector<1x16xf32> to vector<16xf32>
      %swap3A_141 = vector.shape_cast %add3A_133 : vector<16xf32> to vector<1x16xf32>
      tpu.vector_store %arg22[%swap3A_137, %swap3A_138], %swap3A_141 {strides = array<i32>} : memref<8x1024xf32, #tpu.memory_space<vmem>>, vector<1x16xf32>,
      %scan3A_142 = arith.constant 2 : i32
      %scan3A_143 = arith.addi %scan3A_91, %scan3A_142 : i32
      %mul3A_144 = arith.constant 16 : i32
      %mul3A_145 = arith.muli %scan3A_143, %mul3A_144 : i32
      %get3A_146 = arith.constant 6 : i32
      %get3A_147 = arith.index_cast %get3A_146 : i32 to index
      %get3A_148 = arith.index_cast %mul3A_145 : i32 to index
      %get3A_149 = tpu.vector_load %arg20[%get3A_147, %get3A_148] {strides = array<i32>} : memref<8x1024xf32, #tpu.memory_space<vmem>>, vector<1x16xf32>,
      %get3A_150 = vector.shape_cast %get3A_149 : vector<1x16xf32> to vector<16xf32>
      %mul3A_151 = arith.constant 16 : i32
      %mul3A_152 = arith.muli %scan3A_143, %mul3A_151 : i32
      %get3A_153 = arith.constant 6 : i32
      %get3A_154 = arith.index_cast %get3A_153 : i32 to index
      %get3A_155 = arith.index_cast %mul3A_152 : i32 to index
      %get3A_156 = tpu.vector_load %arg21[%get3A_154, %get3A_155] {strides = array<i32>} : memref<8x1024xf32, #tpu.memory_space<vmem>>, vector<1x16xf32>,
      %get3A_157 = vector.shape_cast %get3A_156 : vector<1x16xf32> to vector<16xf32>
      %sub3A_158 = arith.subf %get3A_150, %get3A_157 : vector<16xf32>
      %mul3A_159 = arith.mulf %get3A_75, %sub3A_158 : vector<16xf32>
      %add3A_160 = arith.addf %get3A_157, %mul3A_159 : vector<16xf32>
      %mul3A_161 = arith.constant 16 : i32
      %mul3A_162 = arith.muli %scan3A_143, %mul3A_161 : i32
      %swap3A_163 = arith.constant 6 : i32
      %swap3A_164 = arith.index_cast %swap3A_163 : i32 to index
      %swap3A_165 = arith.index_cast %mul3A_162 : i32 to index
      %swap3A_166 = tpu.vector_load %arg22[%swap3A_164, %swap3A_165] {strides = array<i32>} : memref<8x1024xf32, #tpu.memory_space<vmem>>, vector<1x16xf32>,
      %swap3A_167 = vector.shape_cast %swap3A_166 : vector<1x16xf32> to vector<16xf32>
      %swap3A_168 = vector.shape_cast %add3A_160 : vector<16xf32> to vector<1x16xf32>
      tpu.vector_store %arg22[%swap3A_164, %swap3A_165], %swap3A_168 {strides = array<i32>} : memref<8x1024xf32, #tpu.memory_space<vmem>>, vector<1x16xf32>,
      %scan3A_169 = arith.constant 3 : i32
      %scan3A_170 = arith.addi %scan3A_91, %scan3A_169 : i32
      %mul3A_171 = arith.constant 16 : i32
      %mul3A_172 = arith.muli %scan3A_170, %mul3A_171 : i32
      %get3A_173 = arith.constant 6 : i32
      %get3A_174 = arith.index_cast %get3A_173 : i32 to index
      %get3A_175 = arith.index_cast %mul3A_172 : i32 to index
      %get3A_176 = tpu.vector_load %arg20[%get3A_174, %get3A_175] {strides = array<i32>} : memref<8x1024xf32, #tpu.memory_space<vmem>>, vector<1x16xf32>,
      %get3A_177 = vector.shape_cast %get3A_176 : vector<1x16xf32> to vector<16xf32>
      %mul3A_178 = arith.constant 16 : i32
      %mul3A_179 = arith.muli %scan3A_170, %mul3A_178 : i32
      %get3A_180 = arith.constant 6 : i32
      %get3A_181 = arith.index_cast %get3A_180 : i32 to index
      %get3A_182 = arith.index_cast %mul3A_179 : i32 to index
      %get3A_183 = tpu.vector_load %arg21[%get3A_181, %get3A_182] {strides = array<i32>} : memref<8x1024xf32, #tpu.memory_space<vmem>>, vector<1x16xf32>,
      %get3A_184 = vector.shape_cast %get3A_183 : vector<1x16xf32> to vector<16xf32>
      %sub3A_185 = arith.subf %get3A_177, %get3A_184 : vector<16xf32>
      %mul3A_186 = arith.mulf %get3A_75, %sub3A_185 : vector<16xf32>
      %add3A_187 = arith.addf %get3A_184, %mul3A_186 : vector<16xf32>
      %mul3A_188 = arith.constant 16 : i32
      %mul3A_189 = arith.muli %scan3A_170, %mul3A_188 : i32
      %swap3A_190 = arith.constant 6 : i32
      %swap3A_191 = arith.index_cast %swap3A_190 : i32 to index
      %swap3A_192 = arith.index_cast %mul3A_189 : i32 to index
      %swap3A_193 = tpu.vector_load %arg22[%swap3A_191, %swap3A_192] {strides = array<i32>} : memref<8x1024xf32, #tpu.memory_space<vmem>>, vector<1x16xf32>,
      %swap3A_194 = vector.shape_cast %swap3A_193 : vector<1x16xf32> to vector<16xf32>
      %swap3A_195 = vector.shape_cast %add3A_187 : vector<16xf32> to vector<1x16xf32>
      tpu.vector_store %arg22[%swap3A_191, %swap3A_192], %swap3A_195 {strides = array<i32>} : memref<8x1024xf32, #tpu.memory_space<vmem>>, vector<1x16xf32>,
    }
    %scan3A_81 = arith.constant 64 : i32
    %get3A_82 = arith.constant 112 : index
    %get3A_83 = tpu.vector_load %arg23[%get3A_82] {strides = array<i32>} : memref<128xf32, #tpu.memory_space<vmem>>, vector<16xf32>,
    %get3A_84 = vector.shape_cast %get3A_83 : vector<16xf32> to vector<16xf32>
    %scan3A_85 = arith.constant 0 : i32
    %scan3A_86 = arith.constant 0 : i32
    %scan3A_87 = arith.constant 64 : i32
    %scan3A_88 = arith.addi %scan3A_86, %scan3A_87 : i32
    %scan3A_89 = arith.constant 4 : i32
    scf.for %scan3A_91 = %scan3A_86 to %scan3A_88 step %scan3A_89  : i32 {
      %mul3A_92 = arith.constant 16 : i32
      %mul3A_93 = arith.muli %scan3A_91, %mul3A_92 : i32
      %get3A_94 = arith.constant 7 : i32
      %get3A_95 = arith.index_cast %get3A_94 : i32 to index
      %get3A_96 = arith.index_cast %mul3A_93 : i32 to index
      %get3A_97 = tpu.vector_load %arg20[%get3A_95, %get3A_96] {strides = array<i32>} : memref<8x1024xf32, #tpu.memory_space<vmem>>, vector<1x16xf32>,
      %get3A_98 = vector.shape_cast %get3A_97 : vector<1x16xf32> to vector<16xf32>
      %mul3A_99 = arith.constant 16 : i32
      %mul3A_100 = arith.muli %scan3A_91, %mul3A_99 : i32
      %get3A_101 = arith.constant 7 : i32
      %get3A_102 = arith.index_cast %get3A_101 : i32 to index
      %get3A_103 = arith.index_cast %mul3A_100 : i32 to index
      %get3A_104 = tpu.vector_load %arg21[%get3A_102, %get3A_103] {strides = array<i32>} : memref<8x1024xf32, #tpu.memory_space<vmem>>, vector<1x16xf32>,
      %get3A_105 = vector.shape_cast %get3A_104 : vector<1x16xf32> to vector<16xf32>
      %sub3A = arith.subf %get3A_98, %get3A_105 : vector<16xf32>
      %mul3A_106 = arith.mulf %get3A_84, %sub3A : vector<16xf32>
      %add3A_107 = arith.addf %get3A_105, %mul3A_106 : vector<16xf32>
      %mul3A_108 = arith.constant 16 : i32
      %mul3A_109 = arith.muli %scan3A_91, %mul3A_108 : i32
      %swap3A = arith.constant 7 : i32
      %swap3A_110 = arith.index_cast %swap3A : i32 to index
      %swap3A_111 = arith.index_cast %mul3A_109 : i32 to index
      %swap3A_112 = tpu.vector_load %arg22[%swap3A_110, %swap3A_111] {strides = array<i32>} : memref<8x1024xf32, #tpu.memory_space<vmem>>, vector<1x16xf32>,
      %swap3A_113 = vector.shape_cast %swap3A_112 : vector<1x16xf32> to vector<16xf32>
      %swap3A_114 = vector.shape_cast %add3A_107 : vector<16xf32> to vector<1x16xf32>
      tpu.vector_store %arg22[%swap3A_110, %swap3A_111], %swap3A_114 {strides = array<i32>} : memref<8x1024xf32, #tpu.memory_space<vmem>>, vector<1x16xf32>,
      %scan3A_115 = arith.constant 1 : i32
      %scan3A_116 = arith.addi %scan3A_91, %scan3A_115 : i32
      %mul3A_117 = arith.constant 16 : i32
      %mul3A_118 = arith.muli %scan3A_116, %mul3A_117 : i32
      %get3A_119 = arith.constant 7 : i32
      %get3A_120 = arith.index_cast %get3A_119 : i32 to index
      %get3A_121 = arith.index_cast %mul3A_118 : i32 to index
      %get3A_122 = tpu.vector_load %arg20[%get3A_120, %get3A_121] {strides = array<i32>} : memref<8x1024xf32, #tpu.memory_space<vmem>>, vector<1x16xf32>,
      %get3A_123 = vector.shape_cast %get3A_122 : vector<1x16xf32> to vector<16xf32>
      %mul3A_124 = arith.constant 16 : i32
      %mul3A_125 = arith.muli %scan3A_116, %mul3A_124 : i32
      %get3A_126 = arith.constant 7 : i32
      %get3A_127 = arith.index_cast %get3A_126 : i32 to index
      %get3A_128 = arith.index_cast %mul3A_125 : i32 to index
      %get3A_129 = tpu.vector_load %arg21[%get3A_127, %get3A_128] {strides = array<i32>} : memref<8x1024xf32, #tpu.memory_space<vmem>>, vector<1x16xf32>,
      %get3A_130 = vector.shape_cast %get3A_129 : vector<1x16xf32> to vector<16xf32>
      %sub3A_131 = arith.subf %get3A_123, %get3A_130 : vector<16xf32>
      %mul3A_132 = arith.mulf %get3A_84, %sub3A_131 : vector<16xf32>
      %add3A_133 = arith.addf %get3A_130, %mul3A_132 : vector<16xf32>
      %mul3A_134 = arith.constant 16 : i32
      %mul3A_135 = arith.muli %scan3A_116, %mul3A_134 : i32
      %swap3A_136 = arith.constant 7 : i32
      %swap3A_137 = arith.index_cast %swap3A_136 : i32 to index
      %swap3A_138 = arith.index_cast %mul3A_135 : i32 to index
      %swap3A_139 = tpu.vector_load %arg22[%swap3A_137, %swap3A_138] {strides = array<i32>} : memref<8x1024xf32, #tpu.memory_space<vmem>>, vector<1x16xf32>,
      %swap3A_140 = vector.shape_cast %swap3A_139 : vector<1x16xf32> to vector<16xf32>
      %swap3A_141 = vector.shape_cast %add3A_133 : vector<16xf32> to vector<1x16xf32>
      tpu.vector_store %arg22[%swap3A_137, %swap3A_138], %swap3A_141 {strides = array<i32>} : memref<8x1024xf32, #tpu.memory_space<vmem>>, vector<1x16xf32>,
      %scan3A_142 = arith.constant 2 : i32
      %scan3A_143 = arith.addi %scan3A_91, %scan3A_142 : i32
      %mul3A_144 = arith.constant 16 : i32
      %mul3A_145 = arith.muli %scan3A_143, %mul3A_144 : i32
      %get3A_146 = arith.constant 7 : i32
      %get3A_147 = arith.index_cast %get3A_146 : i32 to index
      %get3A_148 = arith.index_cast %mul3A_145 : i32 to index
      %get3A_149 = tpu.vector_load %arg20[%get3A_147, %get3A_148] {strides = array<i32>} : memref<8x1024xf32, #tpu.memory_space<vmem>>, vector<1x16xf32>,
      %get3A_150 = vector.shape_cast %get3A_149 : vector<1x16xf32> to vector<16xf32>
      %mul3A_151 = arith.constant 16 : i32
      %mul3A_152 = arith.muli %scan3A_143, %mul3A_151 : i32
      %get3A_153 = arith.constant 7 : i32
      %get3A_154 = arith.index_cast %get3A_153 : i32 to index
      %get3A_155 = arith.index_cast %mul3A_152 : i32 to index
      %get3A_156 = tpu.vector_load %arg21[%get3A_154, %get3A_155] {strides = array<i32>} : memref<8x1024xf32, #tpu.memory_space<vmem>>, vector<1x16xf32>,
      %get3A_157 = vector.shape_cast %get3A_156 : vector<1x16xf32> to vector<16xf32>
      %sub3A_158 = arith.subf %get3A_150, %get3A_157 : vector<16xf32>
      %mul3A_159 = arith.mulf %get3A_84, %sub3A_158 : vector<16xf32>
      %add3A_160 = arith.addf %get3A_157, %mul3A_159 : vector<16xf32>
      %mul3A_161 = arith.constant 16 : i32
      %mul3A_162 = arith.muli %scan3A_143, %mul3A_161 : i32
      %swap3A_163 = arith.constant 7 : i32
      %swap3A_164 = arith.index_cast %swap3A_163 : i32 to index
      %swap3A_165 = arith.index_cast %mul3A_162 : i32 to index
      %swap3A_166 = tpu.vector_load %arg22[%swap3A_164, %swap3A_165] {strides = array<i32>} : memref<8x1024xf32, #tpu.memory_space<vmem>>, vector<1x16xf32>,
      %swap3A_167 = vector.shape_cast %swap3A_166 : vector<1x16xf32> to vector<16xf32>
      %swap3A_168 = vector.shape_cast %add3A_160 : vector<16xf32> to vector<1x16xf32>
      tpu.vector_store %arg22[%swap3A_164, %swap3A_165], %swap3A_168 {strides = array<i32>} : memref<8x1024xf32, #tpu.memory_space<vmem>>, vector<1x16xf32>,
      %scan3A_169 = arith.constant 3 : i32
      %scan3A_170 = arith.addi %scan3A_91, %scan3A_169 : i32
      %mul3A_171 = arith.constant 16 : i32
      %mul3A_172 = arith.muli %scan3A_170, %mul3A_171 : i32
      %get3A_173 = arith.constant 7 : i32
      %get3A_174 = arith.index_cast %get3A_173 : i32 to index
      %get3A_175 = arith.index_cast %mul3A_172 : i32 to index
      %get3A_176 = tpu.vector_load %arg20[%get3A_174, %get3A_175] {strides = array<i32>} : memref<8x1024xf32, #tpu.memory_space<vmem>>, vector<1x16xf32>,
      %get3A_177 = vector.shape_cast %get3A_176 : vector<1x16xf32> to vector<16xf32>
      %mul3A_178 = arith.constant 16 : i32
      %mul3A_179 = arith.muli %scan3A_170, %mul3A_178 : i32
      %get3A_180 = arith.constant 7 : i32
      %get3A_181 = arith.index_cast %get3A_180 : i32 to index
      %get3A_182 = arith.index_cast %mul3A_179 : i32 to index
      %get3A_183 = tpu.vector_load %arg21[%get3A_181, %get3A_182] {strides = array<i32>} : memref<8x1024xf32, #tpu.memory_space<vmem>>, vector<1x16xf32>,
      %get3A_184 = vector.shape_cast %get3A_183 : vector<1x16xf32> to vector<16xf32>
      %sub3A_185 = arith.subf %get3A_177, %get3A_184 : vector<16xf32>
      %mul3A_186 = arith.mulf %get3A_84, %sub3A_185 : vector<16xf32>
      %add3A_187 = arith.addf %get3A_184, %mul3A_186 : vector<16xf32>
      %mul3A_188 = arith.constant 16 : i32
      %mul3A_189 = arith.muli %scan3A_170, %mul3A_188 : i32
      %swap3A_190 = arith.constant 7 : i32
      %swap3A_191 = arith.index_cast %swap3A_190 : i32 to index
      %swap3A_192 = arith.index_cast %mul3A_189 : i32 to index
      %swap3A_193 = tpu.vector_load %arg22[%swap3A_191, %swap3A_192] {strides = array<i32>} : memref<8x1024xf32, #tpu.memory_space<vmem>>, vector<1x16xf32>,
      %swap3A_194 = vector.shape_cast %swap3A_193 : vector<1x16xf32> to vector<16xf32>
      %swap3A_195 = vector.shape_cast %add3A_187 : vector<16xf32> to vector<1x16xf32>
      tpu.vector_store %arg22[%swap3A_191, %swap3A_192], %swap3A_195 {strides = array<i32>} : memref<8x1024xf32, #tpu.memory_space<vmem>>, vector<1x16xf32>,
    }
    %scan3A_90 = arith.constant 64 : i32
    "tpu.region"() ({
      %run_scoped3A = tpu.sem_alloc : memref<!tpu.dma_semaphore, #tpu.memory_space<semaphore_mem>>
      %dma_start3A_91 = arith.constant 0 : i32
      %dma_start3A_92 = tpu.memref_slice %arg11[%mul3A_9, %dma_start3A_91] : memref<256x1024xf32, #tpu.memory_space<hbm>> -> memref<8x1024xf32, #tpu.memory_space<hbm>>
      %dma_start3A_93 = arith.constant 0 : i32
      %dma_start3A_94 = tpu.memref_slice %arg11[%mul3A_9, %dma_start3A_93] : memref<256x1024xf32, #tpu.memory_space<hbm>> -> memref<8x1024xf32, #tpu.memory_space<hbm>>
      tpu.enqueue_dma source(%arg22 : memref<8x1024xf32, #tpu.memory_space<vmem>>) target(%dma_start3A_94 : memref<8x1024xf32, #tpu.memory_space<hbm>>) target_semaphore(%run_scoped3A : memref<!tpu.dma_semaphore, #tpu.memory_space<semaphore_mem>>)
      %dma_wait3A_95 = arith.constant 0 : i32
      %dma_wait3A_96 = tpu.memref_slice %arg11[%mul3A_9, %dma_wait3A_95] : memref<256x1024xf32, #tpu.memory_space<hbm>> -> memref<8x1024xf32, #tpu.memory_space<hbm>>
      %dma_wait3A_97 = arith.constant 0 : i32
      %dma_wait3A_98 = tpu.memref_slice %arg11[%mul3A_9, %dma_wait3A_97] : memref<256x1024xf32, #tpu.memory_space<hbm>> -> memref<8x1024xf32, #tpu.memory_space<hbm>>
      tpu.wait_dma2 semaphore(%run_scoped3A : memref<!tpu.dma_semaphore, #tpu.memory_space<semaphore_mem>>) src(%arg22 : memref<8x1024xf32, #tpu.memory_space<vmem>>) dst(%dma_wait3A_98 : memref<8x1024xf32, #tpu.memory_space<hbm>>)
      tpu.yield
    }) : () -> ()
    return
  }
}

</mosaic_0001>

<sc_bundles>
// kernel: kernel.7.cloned.1.call-start
scs
__scs_entry_jumppad:
0x0: {  	(pc) =	sbr.rel $0x88, $3  }
0x1: {  	(tag) =	ssettag $0x0;
	lr =	simm.s32 $0x1  }
0x2: {  	[smem:$0x3F9F] =	sst lr;
	_ =	strace $0xD0000000  }
0x3: {  	_ = 	snop  }
0x4: {  	_ = 	snop  }
0x5: {  	_ = 	snop  }
0x6: {  	_ = 	snop  }
0x7: {  	_ = 	snop  }
__scs_overlays_trampoline_lowered:
0x8: {  	[smem:$0x3FAE] =	sst s0  }
0x9: {  	[smem:$0x3FAF] =	sst s1  }
0xa: {  	[smem:$0x3FB0] =	sst s2  }
0xb: {  	[smem:$0x3FB1] =	sst s3  }
0xc: {  	[smem:$0x3FB2] =	sst s4  }
0xd: {  	[smem:$0x3FB3] =	sst s5  }
0xe: {  	[smem:$0x3FB4] =	sst s6  }
0xf: {  	[smem:$0x3FB5] =	sst s7  }
0x10: {  	[smem:$0x3FB6] =	sst s8  }
0x11: {  	[smem:$0x3FB7] =	sst s9;
	s0 =	simm.s32 @!p0 $0x0  }
0x12: {  	s1 =	sld [smem:$0x3F9D];
	s0 =	simm.s32 @p0 $0x1  }
0x13: {  	[smem:$0x3FB8] =	sst s0;
	s0 =	simm.s32 @!p1 $0x0  }
0x14: {  	s2 =	sld [smem:$0x3F9C];
	s0 =	simm.s32 @p1 $0x1  }
0x15: {  	[smem:$0x3FB9] =	sst s0;
	s0 =	simm.s32 @!p2 $0x0  }
0x16: {  	s3 =	sld [smem:$0x3FDB];
	s0 =	simm.s32 @p2 $0x1  }
0x17: {  	s4 =	simm.s32 $0x1BF5;
	[smem:$0x3FBB] =	sst s0  }
0x18: {  	s0 =	sld [smem:$0x3F9E];
	_ =	swait.ge [sflag:s4], $0x0  }
0x19: {  	s7 =	sld [smem:$0x3F9F]  }
0x1a: {  	s8 =	sadd.s32 $0xFFFFE003, lr  }
0x1b: {  	s9 =	sadd.s32 $0xFFFFFEF7, lr;
	s5 =	simm.s32 $0xFFFFFFFF;
	p2 =	slt.u32 s8, $0xFFFFF086  }
0x1c: {  	p1 =	slt.u32 s9, $0xF7A;
	s5 =	simm.s32 @!p2 $0x0  }
0x1d: {  	s5 =	simm.s32 @p1 $0x1;
	p0 =	seq.s32 s7, s2  }
0x1e: {  	s7 =	smul.u32 @!p0 $0xF7A, s2;
	p2 =	seq.s32 @!p0 s5, $0x0  }
0x1f: {  	s9 =	smul.u32 $0xF7A, s1;
	s8 =	simm.s32 @!p0 $0x1BF5;
	p2 =	por !p2, p0  }
0x20: {  	[sflag:s8] =	ssyncset.s32 @!p0 $0xFFFFF086;
	s6 =	sadd.s32 @!p0 s3, s7;
	s7 =	simm.s32 @!p0 $0x108  }
0x21: {  	s3 =	sadd.s32 s3, s9;
	s6 =	sadd.s32 @!p0 $0x88, s6;
	s7 =	simm.s32 @p2 $0x1082  }
0x22: {  	[simem:s7], [sflag:s8] =	dma.local @!p0 [hbm:s6], $0xF7A  }
0x23: {  	s9 =	sor.u32 $0xD0000000, s2;
	s6 =	simm.s32 $0x108;
	_ =	swait.ge @!p0 [sflag:s8], $0x0  }
0x24: {  	s3 =	sadd.s32 $0x88, s3;
	s6 =	simm.s32 @!p1 $0x1082;
	[sflag:s4] =	ssyncset.s32 $0xFFFFF086  }
0x25: {  	[simem:s6], [sflag:s4] =	dma.local [hbm:s3], $0xF7A  }
0x26: {  	[smem:$0x3F9F] =	sst s1;
	(tag) =	ssettag s2;
	_ =	strace s9  }
0x27: {  	s1 =	sld [smem:$0x3FAF]  }
0x28: {  	s2 =	sld [smem:$0x3FB0]  }
0x29: {  	s4 =	sld [smem:$0x3FB2]  }
0x2a: {  	p0 =	seq.s32 s5, $0x0;
	s5 =	sld [smem:$0x3FB3]  }
0x2b: {  	s6 =	sld [smem:$0x3FB4]  }
0x2c: {  	s7 =	sld [smem:$0x3FB5]  }
0x2d: {  	s3 =	simm.s32 $0x108;
	s8 =	sld [smem:$0x3FB6]  }
0x2e: {  	s3 =	simm.s32 @!p0 $0x1082;
	s9 =	sld [smem:$0x3FB7]  }
0x2f: {  	lr =	sadd.s32 s0, s3;
	s0 =	sld [smem:$0x3FAE]  }
0x30: {  	s3 =	sld [smem:$0x3FB1]  }
0x31: {  	[smem:$0x3FBA] =	sst s10  }
0x32: {  	s10 =	sld [smem:$0x3FB8];
	_ =	sdelay $0x3  }
0x33: {  	p0 =	seq.s32 s10, $0x1;
	s10 =	sld [smem:$0x3FBA];
	_ =	sdelay $0x3  }
0x34: {  	[smem:$0x3FBA] =	sst s10  }
0x35: {  	s10 =	sld [smem:$0x3FB9];
	_ =	sdelay $0x3  }
0x36: {  	p1 =	seq.s32 s10, $0x1;
	s10 =	sld [smem:$0x3FBA];
	_ =	sdelay $0x3  }
0x37: {  	[smem:$0x3FBA] =	sst s10  }
0x38: {  	s10 =	sld [smem:$0x3FBB]  }
0x39: {  	_ = 	snop;
	(pc) =	sbr.ind lr, $3  }
0x3a: {  	_ = 	snop  }
0x3b: {  	_ = 	snop  }
0x3c: {  	p2 =	seq.s32 s10, $0x1;
	s10 =	sld [smem:$0x3FBA]  }
0x3d: {  	_ =	shalt  }
0x3e: {  	_ =	shalt  }
0x3f: {  	_ =	shalt  }
0x40: {  	_ =	shalt  }
0x41: {  	_ =	shalt  }
0x42: {  	_ =	shalt  }
0x43: {  	_ =	shalt  }
0x44: {  	_ =	shalt  }
0x45: {  	_ =	shalt  }
0x46: {  	_ =	shalt  }
0x47: {  	_ =	shalt  }
0x48: {  	_ =	shalt  }
0x49: {  	_ =	shalt  }
0x4a: {  	_ =	shalt  }
0x4b: {  	_ =	shalt  }
0x4c: {  	_ =	shalt  }
0x4d: {  	_ =	shalt  }
0x4e: {  	_ =	shalt  }
0x4f: {  	_ =	shalt  }
0x50: {  	_ =	shalt  }
0x51: {  	_ =	shalt  }
0x52: {  	_ =	shalt  }
0x53: {  	_ =	shalt  }
0x54: {  	_ =	shalt  }
0x55: {  	_ =	shalt  }
0x56: {  	_ =	shalt  }
0x57: {  	_ =	shalt  }
0x58: {  	_ =	shalt  }
0x59: {  	_ =	shalt  }
0x5a: {  	_ =	shalt  }
0x5b: {  	_ =	shalt  }
0x5c: {  	_ =	shalt  }
0x5d: {  	_ =	shalt  }
0x5e: {  	_ =	shalt  }
0x5f: {  	_ =	shalt  }
0x60: {  	_ =	shalt  }
0x61: {  	_ =	shalt  }
0x62: {  	_ =	shalt  }
0x63: {  	_ =	shalt  }
0x64: {  	_ =	shalt  }
0x65: {  	_ =	shalt  }
0x66: {  	_ =	shalt  }
0x67: {  	_ =	shalt  }
0x68: {  	_ =	shalt  }
0x69: {  	_ =	shalt  }
0x6a: {  	_ =	shalt  }
0x6b: {  	_ =	shalt  }
0x6c: {  	_ =	shalt  }
0x6d: {  	_ =	shalt  }
0x6e: {  	_ =	shalt  }
0x6f: {  	_ =	shalt  }
0x70: {  	_ =	shalt  }
0x71: {  	_ =	shalt  }
0x72: {  	_ =	shalt  }
0x73: {  	_ =	shalt  }
0x74: {  	_ =	shalt  }
0x75: {  	_ =	shalt  }
0x76: {  	_ =	shalt  }
0x77: {  	_ =	shalt  }
0x78: {  	_ =	shalt  }
0x79: {  	_ =	shalt  }
0x7a: {  	_ =	shalt  }
0x7b: {  	_ =	shalt  }
0x7c: {  	_ =	shalt  }
0x7d: {  	_ =	shalt  }
0x7e: {  	_ =	shalt  }
0x7f: {  	_ =	shalt  }
0x80: {  	_ =	shalt  }
0x81: {  	_ =	shalt  }
0x82: {  	_ =	shalt  }
0x83: {  	_ =	shalt  }
0x84: {  	_ =	shalt  }
0x85: {  	_ =	shalt  }
0x86: {  	_ =	shalt  }
0x87: {  	_ =	shalt  }
.Lfunc_end0:
.L_simem_size_0:
called_computation.1_lowered:
.L_overlay_start_0:
0x88: {  	s2 =	sld [smem:$0x3FD9]  }
0x89: {  	s3 =	sld [smem:$0x3FFE];
	_ =	sdelay $0x1  }
0x8a: {  	s1 =	srdreg.scid  }
0x8b: {  	s0 =	sand.u32 $0x1, s1  }
0x8c: {  	s14 =	sshll.u32 s0, $0xA;
	s2 =	sadd.s32 s3, s2  }
0x8d: {  	s2 =	sadd.s32 s2, s14  }
0x8e: {  	[smem:$0x3FC6] =	sst s2  }
0x8f: {  	_ = 	snop  }
0x90: {  	s2 =	sld [smem:$0x3FD0];
	_ =	sdelay $0x2  }
0x91: {  	s15 =	simm.s32 $0xA;
	s4 =	simm.s32 $0x10  }
0x92: {  	[smem:s4], [sflag:s15] =	dma.local [hbm:s2], $0x1  }
0x93: {  	_ =	swait.eq [sflag:s15], $0x1  }
0x94: {  	[sflag:s15] =	ssyncset.done $0x0  }
0x95: {  	s16 =	sld [smem:$0x10];
	[sflag:s15] =	ssyncadd.s32 $0xFFFFFFFF  }
0x96: {  	s17 =	sld [smem:$0x11];
	(tm) =	ssettm $0x1  }
0x97: {  	s18 =	sld [smem:$0x3FFB];
	_ =	sdelay $0x3  }
0x98: {  	_ =	strace s18  }
0x99: {  	s4 =	sld [smem:$0x3FFC];
	_ =	sdelay $0x3  }
0x9a: {  	_ =	strace s4  }
0x9b: {  	s4 =	sld [smem:$0x3FFD];
	_ =	sdelay $0x3  }
0x9c: {  	_ =	strace s4  }
0x9d: {  	_ =	strace $0x8FFFFFFF  }
0x9e: {  	s19 =	sld [smem:$0x3FDB];
	_ =	sdelay $0x1  }
0x9f: {  	s5 =	simm.s32 $_scs_section_size  }
0xa0: {  	s6 =	simm.s32 $_size__tile_overlayer_lowered;
	s7 =	simm.s32 $_tile_overlayer_lowered  }
0xa1: {  	s22 =	simm.s32 $0x1BFF;
	s21 =	sshll.u32 s7, $0x1;
	s4 =	sadd.s32 s5, s19  }
0xa2: {  	s8 =	simm.s32 $0x0;
	s20 =	sshll.u32 s6, $0x1;
	s6 =	sadd.s32 s21, s4  }
0xa3: {  	[timem:s8], [sflag:s22] =	dma.local [hbm:s6], s20  }
0xa4: {  	_ =	swait.ge [sflag:s22], s20  }
0xa5: {  	s5 =	ssub.s32 $0x0, s20;
	[sflag:s22] =	ssyncset.done $0x0  }
0xa6: {  	[sflag:s22] =	ssyncadd.s32 s5;
	_ =	sdelay $0x1  }
0xa7: {  	s23 =	simm.s32 $0x1B8B  }
0xa8: {  	_ =	swait.ge [sflag:s23], $0x1  }
0xa9: {  	[sflag:s23] =	ssyncset.done $0x0  }
0xaa: {  	s25 =	simm.s32 $0x1B8E;
	s24 =	sld [smem:$0x3FFE];
	[sflag:s23] =	ssyncadd.s32 $0xFFFFFFFF  }
0xab: {  	s26 =	simm.s32 $execute0_lowered;
	[smem:$0x3FD2] =	sst s25  }
0xac: {  	s6 =	sshll.u32 s26, $0x1;
	_ =	strace $0x80000046;
	[dreg:$0x1] =	wrdreg $0xFFFFFFFF  }
0xad: {  	s28 =	simm.s32 $_size_execute0_lowered;
	s4 =	sadd.s32 s4, s6;
	[dreg:$0x0] =	wrdreg $0x0  }
0xae: {  	s6 =	sshll.u32 s28, $0x1;
	[dreg:$0x2] =	wrdreg s4  }
0xaf: {  	[dreg:$0x3] =	wrdreg s6  }
0xb0: {  	[dreg:$0x4] =	wrdreg $0xC0  }
0xb1: {  	_ =	task [dreg:s8], $0x5FFFF  }
0xb2: {  	[dreg:$0x1] =	wrdreg $0xFFFFFFFF  }
0xb3: {  	[dreg:$0x0] =	wrdreg $0x60  }
0xb4: {  	[dreg:$0x2] =	wrdreg s16  }
0xb5: {  	[dreg:$0x3] =	wrdreg s24  }
0xb6: {  	[dreg:$0x4] =	wrdreg s17  }
0xb7: {  	[dreg:$0x5] =	wrdreg $0x9  }
0xb8: {  	_ =	task.clear_ibuf [dreg:s8], $0x6FFFF;
	_ =	strace $0x90000046  }
0xb9: {  	s29 =	simm.s32 $0x9;
	_ =	strace $0x80000048  }
0xba: {  	_ =	swait.ge [sflag:s29], $0x1  }
0xbb: {  	[sflag:s29] =	ssyncadd.s32 $0xFFFFFFFF  }
0xbc: {  	_ =	strace $0x90000048  }
0xbd: {  	_ =	sfence  }
0xbe: {  	s30 =	sld [smem:$0x0];
	_ =	sdelay $0x2  }
0xbf: {  	s31 =	sshll.u32 s1, $0xD;
	s1 =	sshrl.u32 s1, $0x2  }
0xc0: {  	s3 =	sand.u32 $0x4000, s31;
	s1 =	sadd.s32 s1, s30  }
0xc1: {  	s0 =	sor.u32 s3, s0;
	s1 =	sshll.u32 s1, $0x11  }
0xc2: {  	s0 =	sor.u32 s1, s0  }
0xc3: {  	s0 =	sadd.s32 $0x8F2B, s0  }
0xc4: {  	[sflag:s0] =	ssyncadd.remote.s32 $0x1  }
0xc5: {  	_ =	sfence.sel $0xFFFF  }
0xc6: {  	[dreg:$0x0] =	wrdreg $0xFFFFFFFF;
	(pc) =	sbr.abs _section_cstart, $3  }
0xc7: {  	[dreg:$0x1] =	wrdreg $0xFFFFFFFF  }
0xc8: {  	_ =	task.clear_ibuf [dreg:s8], $0x2FFFF;
	_ =	strace $0x9FFFFFFF  }
0xc9: {  	(tm) =	ssettm $0x7FFFFFFF  }
tec
execute0_lowered:
.L_overlay_start_1:
0x0: {  	(tag) =	ssettag $0x1  }
0x1: {  	s1 =	rddreg [dreg:$0x0]  }
0x2: {  	s0 =	rddreg [dreg:$0x1];
	s2 =	srdreg.scid  }
0x3: {  	s5 =	stileid.u32;
	s3 =	rddreg [dreg:$0x2];
	s18 =	simm.s32 $0x0  }
0x4: {  	s28 =	simm.s32 $0xA000;
	s2 =	sand.u32 $0x1, s2;
	s4 =	sshll.u32 s5, $0x1  }
0x5: {  	s5 =	sshrl.u32 s5, $0x2;
	[smem:$0x7FF] =	sst s18;
	s9 =	sadd.s32 $0x1EE00, s0  }
0x6: {  	s11 =	sadd.s32 $0x400, s1;
	s12 =	sadd.s32 $0x600, s1;
	s13 =	sadd.s32 $0x800, s1  }
0x7: {  	s14 =	sadd.s32 $0xA00, s1;
	s26 =	sadd.s32 $0x1EF00, s0;
	s29 =	sadd.s32 $0x1F000, s0  }
0x8: {  	s4 =	sor.u32 s2, s4;
	_ =	strace $0x80000047;
	[dreg:$0x4] =	wrdreg s9  }
0x9: {  	s16 =	sshll.u32 s5, $0xA;
	s2 =	ssub.s32 $0x2, s2;
	[dreg:$0xb] =	wrdreg s26  }
0xa: {  	s10 =	smul.u32 $0xC400, s5;
	s5 =	sadd.s32 $0x26E00, s0;
	[dreg:$0xc] =	wrdreg s29  }
0xb: {  	s26 =	simm.s32 $0x400;
	s9 =	simm.s32 $0xB800;
	s6 =	sshll.u32 s4, $0x7  }
0xc: {  	s7 =	smul.u32 $0x680, s4;
	s17 =	sadd.s32 s4, s0;
	s20 =	sshrl.u32 s2, $0x1  }
0xd: {  	s19 =	sshll.u32 s4, $0xA;
	s8 =	sand.u32 $0x380, s6;
	s2 =	ssub.s32 s2, s20  }
0xe: {  	s23 =	sadd.s32 $0x3800, s17;
	s24 =	sadd.s32 $0x3A00, s17;
	s17 =	simm.s32 $0x2  }
0xf: {  	s6 =	sor.u32 s16, s8;
	s7 =	sadd.s32 s7, s0;
	s16 =	sadd.s32 s19, s0  }
0x10: {  	s21 =	sor.u32 s10, s8;
	s10 =	sadd.s32 $0x200, s1;
	[dreg:$0x8] =	wrdreg s23  }
0x11: {  	[dreg:$0x9] =	wrdreg s24;
	s31 =	smax.u32 s2, $0x1;
	s23 =	simm.s32 $0x3  }
0x12: {  	s24 =	simm.s32 $0x9000;
	s8 =	simm.s32 $0xB000;
	s6 =	sshrl.u32 s6, $0x3  }
0x13: {  	s22 =	sadd.s32 $0x4E00, s7;
	s7 =	sadd.s32 $0x11E00, s7;
	[dreg:$0xf] =	wrdreg s31  }
0x14: {  	s30 =	sadd.s32 $0x4BEE00, s16;
	s16 =	simm.s32 $0x1;
	[dreg:$0x5] =	wrdreg s22  }
0x15: {  	s15 =	sadd.s32 s6, s0;
	s6 =	smul.u32 $0x188, s4;
	[dreg:$0x6] =	wrdreg s7  }
0x16: {  	s4 =	sshrl.u32 s21, $0x3;
	s0 =	sadd.s32 $0x1F100, s0;
	[dreg:$0xe] =	wrdreg s30  }
0x17: {  	s7 =	simm.s32 $0xA800;
	s21 =	simm.s32 $0x200;
	s22 =	simm.s32 $0xC800  }
0x18: {  	v2 =	vlaneseq.u32;
	vm0 =	vmmov $0xffff;
	s3 =	sadd.s32 s3, s4;
	s25 =	sadd.s32 $0x3C00, s15;
	[dreg:$0xd] =	wrdreg s0  }
0x19: {  	v1 =	vshrl.u32 v2, $0x2;
	v0 =	vand.u32 $0x3, v2;
	v3 =	vshrl.u32 v2, $0x3;
	s0 =	simm.s32 $0x8800;
	s15 =	simm.s32 $0xC000;
	[dreg:$0x7] =	wrdreg s3  }
0x1a: {  	v2 =	vand.u32 $0x7, v2;
	v1 =	vmul.u32 $0x8, v1;
	v3 =	vmul.u32 $0x8, v3;
	[dreg:$0xa] =	wrdreg s25;
	s25 =	simm.s32 $0x9800;
	s3 =	simm.s32 $0x0  }
.LBB2_1:
0x1b: {  	[dreg:$0x10] =	wrdreg s3  }
0x1c: {  	s2 =	rddreg [dreg:$0x5]  }
0x1d: {  	[tilespmem:s18], [sflag:$0x3] =	stream.linear.gather [hbm4b:s2+s18], $0x3100, $0x38;
	[tilespmem:$0x17200] =	vst v63  }
0x1e: {  	_ =	swait.ge [sflag:s23], $0x3100  }
0x1f: {  	[sflag:s23] =	ssyncset.done $0x0  }
0x20: {  	s29 =	simm.s32 $0x3400;
	s20 =	rddreg [dreg:$0x6];
	[sflag:s23] =	ssyncadd.s32 $0xFFFFCF00  }
0x21: {  	[tilespmem:s29], [sflag:$0x3] =	stream.linear.gather [hbm4b:s20+s18], $0x3100, $0x38;
	[tilespmem:$0x17200] =	vst v63  }
0x22: {  	_ =	swait.ge [sflag:s23], $0x3100  }
0x23: {  	s31 =	simm.s32 $0x80;
	[sflag:s23] =	ssyncset.done $0x0  }
0x24: {  	s4 =	simm.s32 $0xF800;
	s30 =	rddreg [dreg:$0x7];
	[sflag:s23] =	ssyncadd.s32 $0xFFFFCF00  }
0x25: {  	[tilespmem:s4], [sflag:$0x3] =	stream.strided.gather [hbm4b:s30+s31], $0x1880, s26, s31, $0x38;
	[tilespmem:$0x17200] =	vst v63  }
0x26: {  	_ =	swait.ge [sflag:s23], $0x1880  }
0x27: {  	[sflag:s23] =	ssyncset.done $0x0  }
0x28: {  	s4 =	simm.s32 $0x0;
	[sflag:s23] =	ssyncadd.s32 $0xFFFFE780  }
.LBB2_2:
0x29: {  	s3 =	sshll.u32 s4, $0x7  }
0x2a: {  	v4 =	vld.msk [tilespmem:s3+$0x0], $0xf;
	_ =	sdelay $0x4  }
0x2b: {  	v5 =	vshrl.u32 v4, $0x3  }
0x2c: {  	v5 =	vmul.u32 $0xC0, v5  }
0x2d: {  	v4 =	vand.u32 $0x7, v4  }
0x2e: {  	v4 =	vor.u32 v4, v5  }
0x2f: {  	v4 =	vperm.xlane v4, v0;
	_ =	sdelay $0x1  }
0x30: {  	v4 =	vadd.s32 v1, v4;
	_ =	sdelay $0x3  }
0x31: {  	s19 =	simm.s32 $0x0;
	s2 =	simm.s32 $0x6800  }
0x32: {  	[tilespmem:s2], [sflag:$0x1] =	stream.indirect_vreg.gather [hbm4b:s1+s19], $0x80, v4, vm0, $0xb8;
	[tilespmem:$0x17200] =	vst v63  }
0x33: {  	s18 =	simm.s32 $0x7000  }
0x34: {  	[tilespmem:s18], [sflag:$0x1] =	stream.indirect_vreg.gather [hbm4b:s10+s19], $0x80, v4, vm0, $0xb8;
	[tilespmem:$0x17200] =	vst v63  }
0x35: {  	s20 =	simm.s32 $0x7800  }
0x36: {  	[tilespmem:s20], [sflag:$0x1] =	stream.indirect_vreg.gather [hbm4b:s11+s19], $0x80, v4, vm0, $0xb8;
	[tilespmem:$0x17200] =	vst v63  }
0x37: {  	s31 =	simm.s32 $0x8000  }
0x38: {  	[tilespmem:s31], [sflag:$0x1] =	stream.indirect_vreg.gather [hbm4b:s12+s19], $0x80, v4, vm0, $0xb8;
	[tilespmem:$0x17200] =	vst v63  }
0x39: {  	_ = 	snop  }
0x3a: {  	[tilespmem:s0], [sflag:$0x1] =	stream.indirect_vreg.gather [hbm4b:s13+s19], $0x80, v4, vm0, $0xb8;
	[tilespmem:$0x17200] =	vst v63  }
0x3b: {  	_ = 	snop  }
0x3c: {  	[tilespmem:s24], [sflag:$0x1] =	stream.indirect_vreg.gather [hbm4b:s14+s19], $0x80, v4, vm0, $0xb8;
	[tilespmem:$0x17200] =	vst v63  }
0x3d: {  	v4 =	vld.msk [tilespmem:s3+$0x3400], $0xf;
	_ =	sdelay $0x4  }
0x3e: {  	v5 =	vshrl.u32 v4, $0x3  }
0x3f: {  	v5 =	vmul.u32 $0xC0, v5  }
0x40: {  	v4 =	vand.u32 $0x7, v4  }
0x41: {  	v4 =	vor.u32 v4, v5  }
0x42: {  	v4 =	vperm.xlane v4, v0;
	_ =	sdelay $0x1  }
0x43: {  	v4 =	vadd.s32 v1, v4;
	_ =	sdelay $0x4  }
0x44: {  	[tilespmem:s25], [sflag:$0x2] =	stream.indirect_vreg.gather [hbm4b:s1+s19], $0x80, v4, vm0, $0xb8;
	[tilespmem:$0x17200] =	vst v63  }
0x45: {  	_ = 	snop  }
0x46: {  	[tilespmem:s28], [sflag:$0x2] =	stream.indirect_vreg.gather [hbm4b:s10+s19], $0x80, v4, vm0, $0xb8;
	[tilespmem:$0x17200] =	vst v63  }
0x47: {  	_ = 	snop  }
0x48: {  	[tilespmem:s7], [sflag:$0x2] =	stream.indirect_vreg.gather [hbm4b:s11+s19], $0x80, v4, vm0, $0xb8;
	[tilespmem:$0x17200] =	vst v63  }
0x49: {  	_ = 	snop  }
0x4a: {  	[tilespmem:s8], [sflag:$0x2] =	stream.indirect_vreg.gather [hbm4b:s12+s19], $0x80, v4, vm0, $0xb8;
	[tilespmem:$0x17200] =	vst v63  }
0x4b: {  	_ = 	snop  }
0x4c: {  	[tilespmem:s9], [sflag:$0x2] =	stream.indirect_vreg.gather [hbm4b:s13+s19], $0x80, v4, vm0, $0xb8;
	[tilespmem:$0x17200] =	vst v63  }
0x4d: {  	_ = 	snop  }
0x4e: {  	[tilespmem:s15], [sflag:$0x2] =	stream.indirect_vreg.gather [hbm4b:s14+s19], $0x80, v4, vm0, $0xb8;
	[tilespmem:$0x17200] =	vst v63  }
0x4f: {  	_ =	swait.ge [sflag:s16], $0x3000  }
0x50: {  	[sflag:s16] =	ssyncset.done $0x0  }
0x51: {  	[sflag:s16] =	ssyncadd.s32 $0xFFFFD000  }
0x52: {  	s18 =	sshll.u32 s4, $0x6;
	_ =	swait.ge [sflag:s17], $0x3000  }
0x53: {  	s18 =	sand.u32 $0x3FFFFFC0, s18;
	[sflag:s17] =	ssyncset.done $0x0  }
0x54: {  	s20 =	sand.u32 $0x40, s19;
	s19 =	sand.u32 $0x3E00, s19;
	[sflag:s17] =	ssyncadd.s32 $0xFFFFD000  }
0x55: {  	s19 =	sor.u32 s20, s19;
	v4 =	vld [tilespmem:s18+$0xF800]  }
0x56: {  	v5 =	vld [tilespmem:s19+$0x6830]  }
0x57: {  	v6 =	vld [tilespmem:s19+$0x9830]  }
0x58: {  	v7 =	vld [tilespmem:s19+$0x6800]  }
0x59: {  	v13 =	vld [tilespmem:s19+$0x9800]  }
0x5a: {  	v10 =	vld [tilespmem:s19+$0x6810]  }
0x5b: {  	s31 =	simm.s32 $0x100;
	s20 =	simm.s32 $0x40;
	v11 =	vld [tilespmem:s19+$0x9810]  }
0x5c: {  	s3 =	sand.u32 $0x3E00, s31;
	s20 =	sand.u32 $0x40, s20;
	v14 =	vld [tilespmem:s19+$0x6820];
	v5 =	vsub.f32 v5, v6  }
0x5d: {  	s20 =	sor.u32 s20, s3;
	v12 =	vld [tilespmem:s19+$0x9820]  }
0x5e: {  	v8 =	vld [tilespmem:s20+$0x6830];
	v7 =	vsub.f32 v7, v13;
	v15 =	vmul.f32 v5, v4  }
0x5f: {  	v5 =	vld [tilespmem:s20+$0x9830]  }
0x60: {  	v9 =	vld [tilespmem:s20+$0x6800];
	v16 =	vsub.f32 v10, v11;
	v7 =	vmul.f32 v7, v4;
	v15 =	vadd.f32 v15, v6  }
0x61: {  	v6 =	vld [tilespmem:s20+$0x9800]  }
0x62: {  	v10 =	vld [tilespmem:s20+$0x6810];
	v14 =	vsub.f32 v14, v12;
	[tilespmem:s19+$0xC830] =	vst v15;
	v15 =	vadd.f32 v7, v13;
	v13 =	vmul.f32 v16, v4  }
0x63: {  	s29 =	simm.s32 $0x200;
	s30 =	simm.s32 $0x80;
	s3 =	simm.s32 $0x4;
	v7 =	vld [tilespmem:s20+$0x9810]  }
.LBB2_3:
0x64: {  	s31 =	sand.u32 $0x40, s30;
	s2 =	sand.u32 $0x3E00, s29;
	v16 =	vld [tilespmem:s20+$0x6820];
	v17 =	vsub.f32 v8, v5;
	[tilespmem:s19+$0xC800] =	vst v15;
	v11 =	vadd.f32 v13, v11;
	v13 =	vmul.f32 v14, v4  }
0x65: {  	s3 =	sadd.s32 $0x4, s3;
	v14 =	vmov v5;
	s2 =	sor.u32 s31, s2;
	v18 =	vld [tilespmem:s20+$0x9820]  }
0x66: {  	p0 =	slt.u32 s3, $0xBC;
	v8 =	vld [tilespmem:s2+$0x6830];
	v15 =	vsub.f32 v9, v6;
	v17 =	vmul.f32 v17, v4;
	[tilespmem:s19+$0xC810] =	vst v11;
	v20 =	vadd.f32 v13, v12  }
.Ltmp0:
0x67: {  	v12 =	vmov v6;
	v5 =	vld [tilespmem:s2+$0x9830];
	(pc) =	sbr.rel @p0 .LBB2_3-.Ltmp0, $4  }
0x68: {  	v9 =	vld [tilespmem:s2+$0x6800];
	v13 =	vmul.f32 v15, v4;
	v19 =	vsub.f32 v10, v7;
	v17 =	vadd.f32 v17, v14;
	[tilespmem:s19+$0xC820] =	vst v20;
	s19 =	smov.u32 s20;
	s20 =	smov.u32 s2  }
0x69: {  	v11 =	vmov v7;
	v6 =	vld [tilespmem:s20+$0x9800]  }
0x6a: {  	v10 =	vld [tilespmem:s20+$0x6810];
	v15 =	vadd.f32 v13, v12;
	v13 =	vmul.f32 v19, v4;
	v14 =	vsub.f32 v16, v18;
	[tilespmem:s19+$0xC830] =	vst v17  }
0x6b: {  	s29 =	sadd.s32 $0x100, s29;
	s30 =	sadd.s32 $0x40, s30;
	v12 =	vmov v18;
	v7 =	vld [tilespmem:s20+$0x9810]  }
0x6c: {  	v16 =	vld [tilespmem:s20+$0x6820];
	[tilespmem:s19+$0xC800] =	vst v15  }
0x6d: {  	v15 =	vld [tilespmem:s20+$0x9820];
	_ =	sdelay $0x1  }
0x6e: {  	v8 =	vsub.f32 v8, v5  }
0x6f: {  	v14 =	vmul.f32 v14, v4;
	v9 =	vsub.f32 v9, v6  }
0x70: {  	v11 =	vadd.f32 v13, v11;
	v8 =	vmul.f32 v8, v4;
	v10 =	vsub.f32 v10, v7  }
0x71: {  	v12 =	vadd.f32 v14, v12;
	v9 =	vmul.f32 v9, v4;
	v13 =	vsub.f32 v16, v15  }
0x72: {  	[tilespmem:s19+$0xC810] =	vst v11;
	v5 =	vadd.f32 v8, v5;
	v8 =	vmul.f32 v10, v4  }
0x73: {  	[tilespmem:s19+$0xC820] =	vst v12;
	v6 =	vadd.f32 v9, v6;
	v4 =	vmul.f32 v13, v4  }
0x74: {  	[tilespmem:s20+$0xC830] =	vst v5;
	v5 =	vadd.f32 v8, v7  }
0x75: {  	[tilespmem:s20+$0xC800] =	vst v6;
	v4 =	vadd.f32 v4, v15  }
0x76: {  	s2 =	simm.s32 $0x0;
	[tilespmem:s20+$0xC810] =	vst v5  }
0x77: {  	s3 =	sand.u32 $0x40, s2;
	s2 =	sand.u32 $0x3E00, s2;
	[tilespmem:s20+$0xC820] =	vst v4  }
0x78: {  	s20 =	sor.u32 s3, s2;
	v4 =	vld [tilespmem:s18+$0xF810]  }
0x79: {  	v5 =	vld [tilespmem:s20+$0x68B0]  }
0x7a: {  	v6 =	vld [tilespmem:s20+$0x98B0]  }
0x7b: {  	v7 =	vld [tilespmem:s20+$0x6880]  }
0x7c: {  	v13 =	vld [tilespmem:s20+$0x9880]  }
0x7d: {  	v10 =	vld [tilespmem:s20+$0x6890]  }
0x7e: {  	s31 =	simm.s32 $0x40;
	s19 =	simm.s32 $0x100;
	v11 =	vld [tilespmem:s20+$0x9890]  }
0x7f: {  	s3 =	sand.u32 $0x40, s31;
	s2 =	sand.u32 $0x3E00, s19;
	v14 =	vld [tilespmem:s20+$0x68A0];
	v5 =	vsub.f32 v5, v6  }
0x80: {  	s19 =	sor.u32 s3, s2;
	v12 =	vld [tilespmem:s20+$0x98A0]  }
0x81: {  	v8 =	vld [tilespmem:s19+$0x68B0];
	v7 =	vsub.f32 v7, v13;
	v15 =	vmul.f32 v5, v4  }
0x82: {  	v5 =	vld [tilespmem:s19+$0x98B0]  }
0x83: {  	v9 =	vld [tilespmem:s19+$0x6880];
	v16 =	vsub.f32 v10, v11;
	v7 =	vmul.f32 v7, v4;
	v15 =	vadd.f32 v15, v6  }
0x84: {  	v6 =	vld [tilespmem:s19+$0x9880]  }
0x85: {  	v10 =	vld [tilespmem:s19+$0x6890];
	v14 =	vsub.f32 v14, v12;
	[tilespmem:s20+$0xC8B0] =	vst v15;
	v15 =	vadd.f32 v7, v13;
	v13 =	vmul.f32 v16, v4  }
0x86: {  	s29 =	simm.s32 $0x200;
	s30 =	simm.s32 $0x80;
	s3 =	simm.s32 $0x4;
	v7 =	vld [tilespmem:s19+$0x9890]  }
.LBB2_5:
0x87: {  	s2 =	sand.u32 $0x40, s30;
	s31 =	sand.u32 $0x3E00, s29;
	v16 =	vld [tilespmem:s19+$0x68A0];
	v17 =	vsub.f32 v8, v5;
	[tilespmem:s20+$0xC880] =	vst v15;
	v11 =	vadd.f32 v13, v11;
	v13 =	vmul.f32 v14, v4  }
0x88: {  	s3 =	sadd.s32 $0x4, s3;
	v14 =	vmov v5;
	s2 =	sor.u32 s2, s31;
	v18 =	vld [tilespmem:s19+$0x98A0]  }
0x89: {  	p0 =	slt.u32 s3, $0xBC;
	v8 =	vld [tilespmem:s2+$0x68B0];
	v15 =	vsub.f32 v9, v6;
	v17 =	vmul.f32 v17, v4;
	[tilespmem:s20+$0xC890] =	vst v11;
	v20 =	vadd.f32 v13, v12  }
.Ltmp1:
0x8a: {  	v12 =	vmov v6;
	v5 =	vld [tilespmem:s2+$0x98B0];
	(pc) =	sbr.rel @p0 .LBB2_5-.Ltmp1, $4  }
0x8b: {  	v9 =	vld [tilespmem:s2+$0x6880];
	v13 =	vmul.f32 v15, v4;
	v19 =	vsub.f32 v10, v7;
	v17 =	vadd.f32 v17, v14;
	[tilespmem:s20+$0xC8A0] =	vst v20;
	s20 =	smov.u32 s19;
	s19 =	smov.u32 s2  }
0x8c: {  	v11 =	vmov v7;
	v6 =	vld [tilespmem:s19+$0x9880]  }
0x8d: {  	v10 =	vld [tilespmem:s19+$0x6890];
	v15 =	vadd.f32 v13, v12;
	v13 =	vmul.f32 v19, v4;
	v14 =	vsub.f32 v16, v18;
	[tilespmem:s20+$0xC8B0] =	vst v17  }
0x8e: {  	s29 =	sadd.s32 $0x100, s29;
	s30 =	sadd.s32 $0x40, s30;
	v12 =	vmov v18;
	v7 =	vld [tilespmem:s19+$0x9890]  }
0x8f: {  	v16 =	vld [tilespmem:s19+$0x68A0];
	[tilespmem:s20+$0xC880] =	vst v15  }
0x90: {  	v15 =	vld [tilespmem:s19+$0x98A0];
	_ =	sdelay $0x1  }
0x91: {  	v8 =	vsub.f32 v8, v5  }
0x92: {  	v14 =	vmul.f32 v14, v4;
	v9 =	vsub.f32 v9, v6  }
0x93: {  	v11 =	vadd.f32 v13, v11;
	v8 =	vmul.f32 v8, v4;
	v10 =	vsub.f32 v10, v7  }
0x94: {  	v12 =	vadd.f32 v14, v12;
	v9 =	vmul.f32 v9, v4;
	v63 =	vsub.f32 v16, v15  }
0x95: {  	[tilespmem:s20+$0xC890] =	vst v11;
	v5 =	vadd.f32 v8, v5;
	v8 =	vmul.f32 v10, v4  }
0x96: {  	p0 =	por $0x0, $0x0;
	s2 =	simm.s32 $0x1;
	[tilespmem:s20+$0xC8A0] =	vst v12;
	v6 =	vadd.f32 v9, v6;
	v4 =	vmul.f32 v63, v4  }
0x97: {  	s2 =	simm.s32 @!p0 $0x0;
	[tilespmem:s19+$0xC8B0] =	vst v5;
	v5 =	vadd.f32 v8, v7  }
0x98: {  	s2 =	sshll.u32 s2, $0x6;
	[tilespmem:s19+$0xC880] =	vst v6;
	v4 =	vadd.f32 v4, v15  }
0x99: {  	s2 =	sadd.s32 $0x0, s2;
	[tilespmem:s19+$0xC890] =	vst v5  }
0x9a: {  	s3 =	sor.u32 $0x100, s2;
	[tilespmem:s19+$0xC8A0] =	vst v4  }
0x9b: {  	v5 =	vld [tilespmem:s3+$0x6800]  }
0x9c: {  	v6 =	vld [tilespmem:s3+$0x9800];
	_ =	sdelay $0x1  }
0x9d: {  	v4 =	vld [tilespmem:s18+$0xF820];
	_ =	sdelay $0x2  }
0x9e: {  	v5 =	vsub.f32 v5, v6;
	_ =	sdelay $0x1  }
0x9f: {  	v5 =	vmul.f32 v5, v4;
	_ =	sdelay $0x1  }
0xa0: {  	v5 =	vadd.f32 v5, v6;
	_ =	sdelay $0x1  }
0xa1: {  	s30 =	sor.u32 $0x110, s2;
	[tilespmem:s3+$0xC800] =	vst v5  }
0xa2: {  	v5 =	vld [tilespmem:s30+$0x6800]  }
0xa3: {  	v6 =	vld [tilespmem:s30+$0x9800];
	_ =	sdelay $0x4  }
0xa4: {  	v5 =	vsub.f32 v5, v6;
	_ =	sdelay $0x1  }
0xa5: {  	v5 =	vmul.f32 v5, v4;
	_ =	sdelay $0x1  }
0xa6: {  	v5 =	vadd.f32 v5, v6;
	_ =	sdelay $0x1  }
0xa7: {  	s31 =	sor.u32 $0x120, s2;
	[tilespmem:s30+$0xC800] =	vst v5  }
0xa8: {  	v5 =	vld [tilespmem:s31+$0x6800]  }
0xa9: {  	v6 =	vld [tilespmem:s31+$0x9800];
	_ =	sdelay $0x4  }
0xaa: {  	v5 =	vsub.f32 v5, v6;
	_ =	sdelay $0x1  }
0xab: {  	v5 =	vmul.f32 v5, v4;
	_ =	sdelay $0x1  }
0xac: {  	v5 =	vadd.f32 v5, v6;
	_ =	sdelay $0x1  }
0xad: {  	s29 =	sor.u32 $0x130, s2;
	[tilespmem:s31+$0xC800] =	vst v5  }
0xae: {  	v6 =	vld [tilespmem:s29+$0x6800]  }
0xaf: {  	v5 =	vld [tilespmem:s29+$0x9800];
	_ =	sdelay $0x4  }
0xb0: {  	s20 =	simm.s32 $0x0;
	s19 =	simm.s32 $0x0;
	v6 =	vsub.f32 v6, v5  }
.LBB2_7:
0xb1: {  	s20 =	sadd.s32 $0x4, s20  }
0xb2: {  	s19 =	sadd.s32 $0x100, s19;
	p0 =	por !p0, !p0;
	s2 =	simm.s32 $0x1;
	v6 =	vmul.f32 v6, v4  }
0xb3: {  	s2 =	simm.s32 @!p0 $0x0;
	p1 =	slt.u32 s20, $0xBC  }
0xb4: {  	s2 =	sshll.u32 s2, $0x6;
	v5 =	vadd.f32 v6, v5  }
0xb5: {  	s3 =	sadd.s32 s2, s19  }
0xb6: {  	s2 =	sor.u32 $0x100, s3;
	[tilespmem:s29+$0xC800] =	vst v5  }
0xb7: {  	v5 =	vld [tilespmem:s2+$0x6800]  }
0xb8: {  	v6 =	vld [tilespmem:s2+$0x9800];
	_ =	sdelay $0x4  }
0xb9: {  	v5 =	vsub.f32 v5, v6;
	_ =	sdelay $0x1  }
0xba: {  	v5 =	vmul.f32 v5, v4;
	_ =	sdelay $0x1  }
0xbb: {  	v5 =	vadd.f32 v5, v6;
	_ =	sdelay $0x1  }
0xbc: {  	[tilespmem:s2+$0xC800] =	vst v5;
	s2 =	sor.u32 $0x110, s3  }
0xbd: {  	v5 =	vld [tilespmem:s2+$0x6800]  }
0xbe: {  	v6 =	vld [tilespmem:s2+$0x9800];
	_ =	sdelay $0x4  }
0xbf: {  	v5 =	vsub.f32 v5, v6;
	_ =	sdelay $0x1  }
0xc0: {  	v5 =	vmul.f32 v5, v4;
	_ =	sdelay $0x1  }
0xc1: {  	v5 =	vadd.f32 v5, v6;
	_ =	sdelay $0x1  }
0xc2: {  	[tilespmem:s2+$0xC800] =	vst v5;
	s2 =	sor.u32 $0x120, s3  }
0xc3: {  	v5 =	vld [tilespmem:s2+$0x6800]  }
0xc4: {  	v6 =	vld [tilespmem:s2+$0x9800];
	_ =	sdelay $0x4  }
0xc5: {  	v5 =	vsub.f32 v5, v6;
	_ =	sdelay $0x1  }
0xc6: {  	v5 =	vmul.f32 v5, v4;
	_ =	sdelay $0x1  }
0xc7: {  	v5 =	vadd.f32 v5, v6;
	_ =	sdelay $0x1  }
0xc8: {  	s29 =	sor.u32 $0x130, s3;
	[tilespmem:s2+$0xC800] =	vst v5  }
0xc9: {  	v6 =	vld [tilespmem:s29+$0x6800]  }
0xca: {  	v5 =	vld [tilespmem:s29+$0x9800]  }
.Ltmp2:
0xcb: {  	(pc) =	sbr.rel @p1 .LBB2_7-.Ltmp2, $2  }
0xcc: {  	_ =	sdelay $0x2  }
0xcd: {  	v6 =	vsub.f32 v6, v5  }
0xce: {  	_ = 	snop  }
0xcf: {  	p0 =	por $0x0, $0x0;
	s2 =	simm.s32 $0x1;
	v4 =	vmul.f32 v6, v4  }
0xd0: {  	s2 =	simm.s32 @!p0 $0x0  }
0xd1: {  	s2 =	sshll.u32 s2, $0x6;
	v4 =	vadd.f32 v4, v5  }
0xd2: {  	s2 =	sadd.s32 $0x0, s2  }
0xd3: {  	s3 =	sor.u32 $0x180, s2;
	[tilespmem:s29+$0xC800] =	vst v4  }
0xd4: {  	v5 =	vld [tilespmem:s3+$0x6800]  }
0xd5: {  	v6 =	vld [tilespmem:s3+$0x9800];
	_ =	sdelay $0x1  }
0xd6: {  	v4 =	vld [tilespmem:s18+$0xF830];
	_ =	sdelay $0x2  }
0xd7: {  	v5 =	vsub.f32 v5, v6;
	_ =	sdelay $0x1  }
0xd8: {  	v5 =	vmul.f32 v5, v4;
	_ =	sdelay $0x1  }
0xd9: {  	v5 =	vadd.f32 v5, v6;
	_ =	sdelay $0x1  }
0xda: {  	s30 =	sor.u32 $0x190, s2;
	[tilespmem:s3+$0xC800] =	vst v5  }
0xdb: {  	v5 =	vld [tilespmem:s30+$0x6800]  }
0xdc: {  	v6 =	vld [tilespmem:s30+$0x9800];
	_ =	sdelay $0x4  }
0xdd: {  	v5 =	vsub.f32 v5, v6;
	_ =	sdelay $0x1  }
0xde: {  	v5 =	vmul.f32 v5, v4;
	_ =	sdelay $0x1  }
0xdf: {  	v5 =	vadd.f32 v5, v6;
	_ =	sdelay $0x1  }
0xe0: {  	s31 =	sor.u32 $0x1A0, s2;
	[tilespmem:s30+$0xC800] =	vst v5  }
0xe1: {  	v5 =	vld [tilespmem:s31+$0x6800]  }
0xe2: {  	v6 =	vld [tilespmem:s31+$0x9800];
	_ =	sdelay $0x4  }
0xe3: {  	v5 =	vsub.f32 v5, v6;
	_ =	sdelay $0x1  }
0xe4: {  	v5 =	vmul.f32 v5, v4;
	_ =	sdelay $0x1  }
0xe5: {  	v5 =	vadd.f32 v5, v6;
	_ =	sdelay $0x1  }
0xe6: {  	s20 =	sor.u32 $0x1B0, s2;
	[tilespmem:s31+$0xC800] =	vst v5  }
0xe7: {  	v6 =	vld [tilespmem:s20+$0x6800]  }
0xe8: {  	v5 =	vld [tilespmem:s20+$0x9800];
	_ =	sdelay $0x4  }
0xe9: {  	s19 =	simm.s32 $0x0;
	s18 =	simm.s32 $0x0;
	v6 =	vsub.f32 v6, v5  }
.LBB2_9:
0xea: {  	s19 =	sadd.s32 $0x4, s19  }
0xeb: {  	s18 =	sadd.s32 $0x100, s18;
	p0 =	por !p0, !p0;
	s2 =	simm.s32 $0x1;
	v6 =	vmul.f32 v6, v4  }
0xec: {  	s2 =	simm.s32 @!p0 $0x0;
	p1 =	slt.u32 s19, $0xBC  }
0xed: {  	s2 =	sshll.u32 s2, $0x6;
	v5 =	vadd.f32 v6, v5  }
0xee: {  	s3 =	sadd.s32 s2, s18  }
0xef: {  	s2 =	sor.u32 $0x180, s3;
	[tilespmem:s20+$0xC800] =	vst v5  }
0xf0: {  	v5 =	vld [tilespmem:s2+$0x6800]  }
0xf1: {  	v6 =	vld [tilespmem:s2+$0x9800];
	_ =	sdelay $0x4  }
0xf2: {  	v5 =	vsub.f32 v5, v6;
	_ =	sdelay $0x1  }
0xf3: {  	v5 =	vmul.f32 v5, v4;
	_ =	sdelay $0x1  }
0xf4: {  	v5 =	vadd.f32 v5, v6;
	_ =	sdelay $0x1  }
0xf5: {  	[tilespmem:s2+$0xC800] =	vst v5;
	s2 =	sor.u32 $0x190, s3  }
0xf6: {  	v5 =	vld [tilespmem:s2+$0x6800]  }
0xf7: {  	v6 =	vld [tilespmem:s2+$0x9800];
	_ =	sdelay $0x4  }
0xf8: {  	v5 =	vsub.f32 v5, v6;
	_ =	sdelay $0x1  }
0xf9: {  	v5 =	vmul.f32 v5, v4;
	_ =	sdelay $0x1  }
0xfa: {  	v5 =	vadd.f32 v5, v6;
	_ =	sdelay $0x1  }
0xfb: {  	[tilespmem:s2+$0xC800] =	vst v5;
	s2 =	sor.u32 $0x1A0, s3  }
0xfc: {  	v5 =	vld [tilespmem:s2+$0x6800]  }
0xfd: {  	v6 =	vld [tilespmem:s2+$0x9800];
	_ =	sdelay $0x4  }
0xfe: {  	v5 =	vsub.f32 v5, v6;
	_ =	sdelay $0x1  }
0xff: {  	v5 =	vmul.f32 v5, v4;
	_ =	sdelay $0x1  }
0x100: {  	v5 =	vadd.f32 v5, v6;
	_ =	sdelay $0x1  }
0x101: {  	s20 =	sor.u32 $0x1B0, s3;
	[tilespmem:s2+$0xC800] =	vst v5  }
0x102: {  	v6 =	vld [tilespmem:s20+$0x6800]  }
0x103: {  	v5 =	vld [tilespmem:s20+$0x9800]  }
.Ltmp3:
0x104: {  	(pc) =	sbr.rel @p1 .LBB2_9-.Ltmp3, $2  }
0x105: {  	_ =	sdelay $0x2  }
0x106: {  	v6 =	vsub.f32 v6, v5  }
0x107: {  	s2 =	sshll.u32 s4, $0x2  }
0x108: {  	s2 =	sadd.s32 s6, s2  }
0x109: {  	s2 =	sshrl.u32 s2, $0x3  }
0x10a: {  	s3 =	sshll.u32 s4, $0x9;
	v4 =	vmul.f32 v6, v4;
	s2 =	smul.u32 $0x6000, s2  }
0x10b: {  	s3 =	sand.u32 $0x200, s3  }
0x10c: {  	s4 =	sadd.s32 $0x1, s4;
	v4 =	vadd.f32 v4, v5;
	s2 =	sor.u32 s3, s2  }
0x10d: {  	p0 =	sne.s32 s4, $0x62;
	s2 =	sshrl.u32 s2, $0x3  }
.Ltmp4:
0x10e: {  	[tilespmem:s20+$0xC800] =	vst v4;
	s2 =	sadd.s32 s5, s2;
	(pc) =	sbr.rel @p0 .LBB2_2-.Ltmp4, $4  }
0x10f: {  	[hbm4b:s2+s21] =	stream.strided.scatter [tilespmem:s22], [sflag:$0x3], $0x3000, s26, s21, $0x38;
	[tilespmem:$0x17200] =	vst v63  }
0x110: {  	_ =	swait.ge [sflag:s23], $0x3000  }
0x111: {  	[sflag:s23] =	ssyncset.done $0x0  }
0x112: {  	[sflag:s23] =	ssyncadd.s32 $0xFFFFD000  }
0x113: {  	s2 =	simm.s32 $0x0;
	s3 =	rddreg [dreg:$0x8];
	s4 =	simm.s32 $0x11080  }
0x114: {  	[tilespmem:s4], [sflag:$0x3] =	stream.linear.gather [hbm4b:s3+s2], $0x8, $0x38;
	[tilespmem:$0x17200] =	vst v63  }
0x115: {  	_ =	swait.ge [sflag:s23], $0x8  }
0x116: {  	[sflag:s23] =	ssyncset.done $0x0  }
0x117: {  	s20 =	simm.s32 $0x11100;
	s19 =	rddreg [dreg:$0x9];
	[sflag:s23] =	ssyncadd.s32 $0xFFFFFFF8  }
0x118: {  	[tilespmem:s20], [sflag:$0x3] =	stream.linear.gather [hbm4b:s19+s2], $0x8, $0x38;
	[tilespmem:$0x17200] =	vst v63  }
0x119: {  	_ =	swait.ge [sflag:s23], $0x8  }
0x11a: {  	[sflag:s23] =	ssyncset.done $0x0  }
0x11b: {  	s30 =	simm.s32 $0x17180;
	s29 =	rddreg [dreg:$0xa];
	[sflag:s23] =	ssyncadd.s32 $0xFFFFFFF8  }
0x11c: {  	[tilespmem:s30], [sflag:$0x3] =	stream.linear.gather [hbm4b:s29+s2], $0x80, $0x38;
	[tilespmem:$0x17200] =	vst v63  }
0x11d: {  	_ =	swait.ge [sflag:s23], $0x80  }
0x11e: {  	[sflag:s23] =	ssyncset.done $0x0  }
0x11f: {  	[sflag:s23] =	ssyncadd.s32 $0xFFFFFF80  }
0x120: {  	v4 =	vld.msk [tilespmem:$0x11080], $0xff;
	_ =	sdelay $0x4  }
0x121: {  	v5 =	vshll.u32 v4, $0x3  }
0x122: {  	v4 =	vand.u32 $0x7, v4;
	v5 =	vand.u32 $0xFFFFFFC0, v5  }
0x123: {  	v4 =	vor.u32 v4, v5  }
0x124: {  	v4 =	vperm.xlane v4, v2;
	_ =	sdelay $0x1  }
0x125: {  	v4 =	vadd.s32 v3, v4;
	_ =	sdelay $0x3  }
0x126: {  	s20 =	simm.s32 $0x11180;
	s31 =	rddreg [dreg:$0x4]  }
0x127: {  	[tilespmem:s20], [sflag:$0x1] =	stream.indirect_vreg.gather [hbm4b:s31+s2], $0x80, v4, vm0, $0xb8;
	[tilespmem:$0x17200] =	vst v63  }
0x128: {  	s18 =	simm.s32 $0x11980;
	s4 =	rddreg [dreg:$0xb]  }
0x129: {  	[tilespmem:s18], [sflag:$0x1] =	stream.indirect_vreg.gather [hbm4b:s4+s2], $0x80, v4, vm0, $0xb8;
	[tilespmem:$0x17200] =	vst v63  }
0x12a: {  	s19 =	simm.s32 $0x12180;
	s18 =	rddreg [dreg:$0xc]  }
0x12b: {  	[tilespmem:s19], [sflag:$0x1] =	stream.indirect_vreg.gather [hbm4b:s18+s2], $0x80, v4, vm0, $0xb8;
	[tilespmem:$0x17200] =	vst v63  }
0x12c: {  	s29 =	rddreg [dreg:$0xd];
	s20 =	simm.s32 $0x12980  }
0x12d: {  	[tilespmem:s20], [sflag:$0x1] =	stream.indirect_vreg.gather [hbm4b:s29+s2], $0x80, v4, vm0, $0xb8;
	[tilespmem:$0x17200] =	vst v63  }
0x12e: {  	v4 =	vld.msk [tilespmem:$0x11100], $0xff;
	_ =	sdelay $0x4  }
0x12f: {  	v5 =	vshll.u32 v4, $0x3  }
0x130: {  	v4 =	vand.u32 $0x7, v4;
	v5 =	vand.u32 $0xFFFFFFC0, v5  }
0x131: {  	v4 =	vor.u32 v4, v5  }
0x132: {  	v4 =	vperm.xlane v4, v2;
	_ =	sdelay $0x1  }
0x133: {  	v4 =	vadd.s32 v3, v4;
	_ =	sdelay $0x3  }
0x134: {  	s30 =	simm.s32 $0x13180  }
0x135: {  	[tilespmem:s30], [sflag:$0x2] =	stream.indirect_vreg.gather [hbm4b:s31+s2], $0x80, v4, vm0, $0xb8;
	[tilespmem:$0x17200] =	vst v63  }
0x136: {  	s31 =	simm.s32 $0x13980  }
0x137: {  	[tilespmem:s31], [sflag:$0x2] =	stream.indirect_vreg.gather [hbm4b:s4+s2], $0x80, v4, vm0, $0xb8;
	[tilespmem:$0x17200] =	vst v63  }
0x138: {  	s4 =	simm.s32 $0x14180  }
0x139: {  	[tilespmem:s4], [sflag:$0x2] =	stream.indirect_vreg.gather [hbm4b:s18+s2], $0x80, v4, vm0, $0xb8;
	[tilespmem:$0x17200] =	vst v63  }
0x13a: {  	s20 =	simm.s32 $0x14980  }
0x13b: {  	[tilespmem:s20], [sflag:$0x2] =	stream.indirect_vreg.gather [hbm4b:s29+s2], $0x80, v4, vm0, $0xb8;
	[tilespmem:$0x17200] =	vst v63  }
0x13c: {  	_ =	swait.ge [sflag:s16], $0x2000  }
0x13d: {  	[sflag:s16] =	ssyncset.done $0x0  }
0x13e: {  	[sflag:s16] =	ssyncadd.s32 $0xFFFFE000  }
0x13f: {  	_ =	swait.ge [sflag:s17], $0x2000  }
0x140: {  	[sflag:s17] =	ssyncset.done $0x0  }
0x141: {  	s29 =	sand.u32 $0x40, s2;
	s2 =	sand.u32 $0x1C00, s2;
	[sflag:s17] =	ssyncadd.s32 $0xFFFFE000  }
0x142: {  	s4 =	sor.u32 s29, s2;
	v4 =	vld [tilespmem:$0x17180]  }
0x143: {  	v5 =	vld [tilespmem:s4+$0x111B0]  }
0x144: {  	v6 =	vld [tilespmem:s4+$0x131B0]  }
0x145: {  	v7 =	vld [tilespmem:s4+$0x11180]  }
0x146: {  	v13 =	vld [tilespmem:s4+$0x13180]  }
0x147: {  	v10 =	vld [tilespmem:s4+$0x11190]  }
0x148: {  	s30 =	simm.s32 $0x200;
	s31 =	simm.s32 $0x40;
	v11 =	vld [tilespmem:s4+$0x13190]  }
0x149: {  	s3 =	sand.u32 $0x40, s31;
	s2 =	sand.u32 $0x1C00, s30;
	v14 =	vld [tilespmem:s4+$0x111A0];
	v5 =	vsub.f32 v5, v6  }
0x14a: {  	s18 =	sor.u32 s3, s2;
	v12 =	vld [tilespmem:s4+$0x131A0]  }
0x14b: {  	v8 =	vld [tilespmem:s18+$0x111B0];
	v7 =	vsub.f32 v7, v13;
	v15 =	vmul.f32 v5, v4  }
0x14c: {  	v5 =	vld [tilespmem:s18+$0x131B0]  }
0x14d: {  	v9 =	vld [tilespmem:s18+$0x11180];
	v16 =	vsub.f32 v10, v11;
	v7 =	vmul.f32 v7, v4;
	v15 =	vadd.f32 v15, v6  }
0x14e: {  	v6 =	vld [tilespmem:s18+$0x13180]  }
0x14f: {  	v10 =	vld [tilespmem:s18+$0x11190];
	v14 =	vsub.f32 v14, v12;
	[tilespmem:s4+$0x151B0] =	vst v15;
	v15 =	vadd.f32 v7, v13;
	v13 =	vmul.f32 v16, v4  }
0x150: {  	s19 =	simm.s32 $0x400;
	s20 =	simm.s32 $0x80;
	s3 =	simm.s32 $0x4;
	v7 =	vld [tilespmem:s18+$0x13190]  }
.LBB2_12:
0x151: {  	s2 =	sand.u32 $0x40, s20;
	s29 =	sand.u32 $0x1C00, s19;
	v16 =	vld [tilespmem:s18+$0x111A0];
	v17 =	vsub.f32 v8, v5;
	[tilespmem:s4+$0x15180] =	vst v15;
	v11 =	vadd.f32 v13, v11;
	v13 =	vmul.f32 v14, v4  }
0x152: {  	s3 =	sadd.s32 $0x4, s3;
	v14 =	vmov v5;
	s2 =	sor.u32 s2, s29;
	v18 =	vld [tilespmem:s18+$0x131A0]  }
0x153: {  	p0 =	slt.u32 s3, $0x3C;
	v8 =	vld [tilespmem:s2+$0x111B0];
	v15 =	vsub.f32 v9, v6;
	v17 =	vmul.f32 v17, v4;
	[tilespmem:s4+$0x15190] =	vst v11;
	v20 =	vadd.f32 v13, v12  }
.Ltmp5:
0x154: {  	v12 =	vmov v6;
	v5 =	vld [tilespmem:s2+$0x131B0];
	(pc) =	sbr.rel @p0 .LBB2_12-.Ltmp5, $4  }
0x155: {  	v9 =	vld [tilespmem:s2+$0x11180];
	v13 =	vmul.f32 v15, v4;
	v19 =	vsub.f32 v10, v7;
	v17 =	vadd.f32 v17, v14;
	[tilespmem:s4+$0x151A0] =	vst v20;
	s4 =	smov.u32 s18;
	s18 =	smov.u32 s2  }
0x156: {  	v11 =	vmov v7;
	v6 =	vld [tilespmem:s18+$0x13180]  }
0x157: {  	v10 =	vld [tilespmem:s18+$0x11190];
	v15 =	vadd.f32 v13, v12;
	v13 =	vmul.f32 v19, v4;
	v14 =	vsub.f32 v16, v18;
	[tilespmem:s4+$0x151B0] =	vst v17  }
0x158: {  	s19 =	sadd.s32 $0x200, s19;
	s20 =	sadd.s32 $0x40, s20;
	v12 =	vmov v18;
	v7 =	vld [tilespmem:s18+$0x13190]  }
0x159: {  	v16 =	vld [tilespmem:s18+$0x111A0];
	[tilespmem:s4+$0x15180] =	vst v15  }
0x15a: {  	v15 =	vld [tilespmem:s18+$0x131A0];
	_ =	sdelay $0x1  }
0x15b: {  	v8 =	vsub.f32 v8, v5  }
0x15c: {  	v14 =	vmul.f32 v14, v4;
	v9 =	vsub.f32 v9, v6  }
0x15d: {  	v11 =	vadd.f32 v13, v11;
	v8 =	vmul.f32 v8, v4;
	v10 =	vsub.f32 v10, v7  }
0x15e: {  	v12 =	vadd.f32 v14, v12;
	v9 =	vmul.f32 v9, v4;
	v13 =	vsub.f32 v16, v15  }
0x15f: {  	[tilespmem:s4+$0x15190] =	vst v11;
	v5 =	vadd.f32 v8, v5;
	v8 =	vmul.f32 v10, v4  }
0x160: {  	[tilespmem:s4+$0x151A0] =	vst v12;
	v6 =	vadd.f32 v9, v6;
	v4 =	vmul.f32 v13, v4  }
0x161: {  	[tilespmem:s18+$0x151B0] =	vst v5;
	v5 =	vadd.f32 v8, v7  }
0x162: {  	[tilespmem:s18+$0x15180] =	vst v6;
	v4 =	vadd.f32 v4, v15  }
0x163: {  	s2 =	simm.s32 $0x0;
	[tilespmem:s18+$0x15190] =	vst v5  }
0x164: {  	s3 =	sand.u32 $0x40, s2;
	s2 =	sand.u32 $0x1C00, s2;
	[tilespmem:s18+$0x151A0] =	vst v4  }
0x165: {  	s4 =	sor.u32 s3, s2;
	v4 =	vld [tilespmem:$0x17190]  }
0x166: {  	v5 =	vld [tilespmem:s4+$0x11230]  }
0x167: {  	v6 =	vld [tilespmem:s4+$0x13230]  }
0x168: {  	v7 =	vld [tilespmem:s4+$0x11200]  }
0x169: {  	v13 =	vld [tilespmem:s4+$0x13200]  }
0x16a: {  	v10 =	vld [tilespmem:s4+$0x11210]  }
0x16b: {  	s30 =	simm.s32 $0x200;
	s31 =	simm.s32 $0x40;
	v11 =	vld [tilespmem:s4+$0x13210]  }
0x16c: {  	s3 =	sand.u32 $0x40, s31;
	s2 =	sand.u32 $0x1C00, s30;
	v14 =	vld [tilespmem:s4+$0x11220];
	v5 =	vsub.f32 v5, v6  }
0x16d: {  	s18 =	sor.u32 s3, s2;
	v12 =	vld [tilespmem:s4+$0x13220]  }
0x16e: {  	v8 =	vld [tilespmem:s18+$0x11230];
	v7 =	vsub.f32 v7, v13;
	v15 =	vmul.f32 v5, v4  }
0x16f: {  	v5 =	vld [tilespmem:s18+$0x13230]  }
0x170: {  	v9 =	vld [tilespmem:s18+$0x11200];
	v16 =	vsub.f32 v10, v11;
	v7 =	vmul.f32 v7, v4;
	v15 =	vadd.f32 v15, v6  }
0x171: {  	v6 =	vld [tilespmem:s18+$0x13200]  }
0x172: {  	v10 =	vld [tilespmem:s18+$0x11210];
	v14 =	vsub.f32 v14, v12;
	[tilespmem:s4+$0x15230] =	vst v15;
	v15 =	vadd.f32 v7, v13;
	v13 =	vmul.f32 v16, v4  }
0x173: {  	s19 =	simm.s32 $0x400;
	s20 =	simm.s32 $0x80;
	s3 =	simm.s32 $0x4;
	v7 =	vld [tilespmem:s18+$0x13210]  }
.LBB2_14:
0x174: {  	s2 =	sand.u32 $0x40, s20;
	s29 =	sand.u32 $0x1C00, s19;
	v16 =	vld [tilespmem:s18+$0x11220];
	v17 =	vsub.f32 v8, v5;
	[tilespmem:s4+$0x15200] =	vst v15;
	v11 =	vadd.f32 v13, v11;
	v13 =	vmul.f32 v14, v4  }
0x175: {  	s3 =	sadd.s32 $0x4, s3;
	v14 =	vmov v5;
	s2 =	sor.u32 s2, s29;
	v18 =	vld [tilespmem:s18+$0x13220]  }
0x176: {  	p0 =	slt.u32 s3, $0x3C;
	v8 =	vld [tilespmem:s2+$0x11230];
	v15 =	vsub.f32 v9, v6;
	v17 =	vmul.f32 v17, v4;
	[tilespmem:s4+$0x15210] =	vst v11;
	v20 =	vadd.f32 v13, v12  }
.Ltmp6:
0x177: {  	v12 =	vmov v6;
	v5 =	vld [tilespmem:s2+$0x13230];
	(pc) =	sbr.rel @p0 .LBB2_14-.Ltmp6, $4  }
0x178: {  	v9 =	vld [tilespmem:s2+$0x11200];
	v13 =	vmul.f32 v15, v4;
	v19 =	vsub.f32 v10, v7;
	v17 =	vadd.f32 v17, v14;
	[tilespmem:s4+$0x15220] =	vst v20;
	s4 =	smov.u32 s18;
	s18 =	smov.u32 s2  }
0x179: {  	v11 =	vmov v7;
	v6 =	vld [tilespmem:s18+$0x13200]  }
0x17a: {  	v10 =	vld [tilespmem:s18+$0x11210];
	v15 =	vadd.f32 v13, v12;
	v13 =	vmul.f32 v19, v4;
	v14 =	vsub.f32 v16, v18;
	[tilespmem:s4+$0x15230] =	vst v17  }
0x17b: {  	s19 =	sadd.s32 $0x200, s19;
	s20 =	sadd.s32 $0x40, s20;
	v12 =	vmov v18;
	v7 =	vld [tilespmem:s18+$0x13210]  }
0x17c: {  	v16 =	vld [tilespmem:s18+$0x11220];
	[tilespmem:s4+$0x15200] =	vst v15  }
0x17d: {  	v15 =	vld [tilespmem:s18+$0x13220];
	_ =	sdelay $0x1  }
0x17e: {  	v8 =	vsub.f32 v8, v5  }
0x17f: {  	v14 =	vmul.f32 v14, v4;
	v9 =	vsub.f32 v9, v6  }
0x180: {  	v11 =	vadd.f32 v13, v11;
	v8 =	vmul.f32 v8, v4;
	v10 =	vsub.f32 v10, v7  }
0x181: {  	v12 =	vadd.f32 v14, v12;
	v9 =	vmul.f32 v9, v4;
	v13 =	vsub.f32 v16, v15  }
0x182: {  	[tilespmem:s4+$0x15210] =	vst v11;
	v5 =	vadd.f32 v8, v5;
	v8 =	vmul.f32 v10, v4  }
0x183: {  	[tilespmem:s4+$0x15220] =	vst v12;
	v6 =	vadd.f32 v9, v6;
	v4 =	vmul.f32 v13, v4  }
0x184: {  	[tilespmem:s18+$0x15230] =	vst v5;
	v5 =	vadd.f32 v8, v7  }
0x185: {  	[tilespmem:s18+$0x15200] =	vst v6;
	v4 =	vadd.f32 v4, v15  }
0x186: {  	s2 =	simm.s32 $0x0;
	[tilespmem:s18+$0x15210] =	vst v5  }
0x187: {  	s3 =	sand.u32 $0x40, s2;
	s2 =	sand.u32 $0x1C00, s2;
	[tilespmem:s18+$0x15220] =	vst v4  }
0x188: {  	s4 =	sor.u32 s3, s2;
	v4 =	vld [tilespmem:$0x171A0]  }
0x189: {  	v5 =	vld [tilespmem:s4+$0x112B0]  }
0x18a: {  	v6 =	vld [tilespmem:s4+$0x132B0]  }
0x18b: {  	v7 =	vld [tilespmem:s4+$0x11280]  }
0x18c: {  	v13 =	vld [tilespmem:s4+$0x13280]  }
0x18d: {  	v10 =	vld [tilespmem:s4+$0x11290]  }
0x18e: {  	s30 =	simm.s32 $0x200;
	s31 =	simm.s32 $0x40;
	v11 =	vld [tilespmem:s4+$0x13290]  }
0x18f: {  	s3 =	sand.u32 $0x40, s31;
	s2 =	sand.u32 $0x1C00, s30;
	v14 =	vld [tilespmem:s4+$0x112A0];
	v5 =	vsub.f32 v5, v6  }
0x190: {  	s18 =	sor.u32 s3, s2;
	v12 =	vld [tilespmem:s4+$0x132A0]  }
0x191: {  	v8 =	vld [tilespmem:s18+$0x112B0];
	v7 =	vsub.f32 v7, v13;
	v15 =	vmul.f32 v5, v4  }
0x192: {  	v5 =	vld [tilespmem:s18+$0x132B0]  }
0x193: {  	v9 =	vld [tilespmem:s18+$0x11280];
	v16 =	vsub.f32 v10, v11;
	v7 =	vmul.f32 v7, v4;
	v15 =	vadd.f32 v15, v6  }
0x194: {  	v6 =	vld [tilespmem:s18+$0x13280]  }
0x195: {  	v10 =	vld [tilespmem:s18+$0x11290];
	v14 =	vsub.f32 v14, v12;
	[tilespmem:s4+$0x152B0] =	vst v15;
	v15 =	vadd.f32 v7, v13;
	v13 =	vmul.f32 v16, v4  }
0x196: {  	s19 =	simm.s32 $0x400;
	s20 =	simm.s32 $0x80;
	s3 =	simm.s32 $0x4;
	v7 =	vld [tilespmem:s18+$0x13290]  }
.LBB2_16:
0x197: {  	s2 =	sand.u32 $0x40, s20;
	s29 =	sand.u32 $0x1C00, s19;
	v16 =	vld [tilespmem:s18+$0x112A0];
	v17 =	vsub.f32 v8, v5;
	[tilespmem:s4+$0x15280] =	vst v15;
	v11 =	vadd.f32 v13, v11;
	v13 =	vmul.f32 v14, v4  }
0x198: {  	s3 =	sadd.s32 $0x4, s3;
	v14 =	vmov v5;
	s2 =	sor.u32 s2, s29;
	v18 =	vld [tilespmem:s18+$0x132A0]  }
0x199: {  	p0 =	slt.u32 s3, $0x3C;
	v8 =	vld [tilespmem:s2+$0x112B0];
	v15 =	vsub.f32 v9, v6;
	v17 =	vmul.f32 v17, v4;
	[tilespmem:s4+$0x15290] =	vst v11;
	v20 =	vadd.f32 v13, v12  }
.Ltmp7:
0x19a: {  	v12 =	vmov v6;
	v5 =	vld [tilespmem:s2+$0x132B0];
	(pc) =	sbr.rel @p0 .LBB2_16-.Ltmp7, $4  }
0x19b: {  	v9 =	vld [tilespmem:s2+$0x11280];
	v13 =	vmul.f32 v15, v4;
	v19 =	vsub.f32 v10, v7;
	v17 =	vadd.f32 v17, v14;
	[tilespmem:s4+$0x152A0] =	vst v20;
	s4 =	smov.u32 s18;
	s18 =	smov.u32 s2  }
0x19c: {  	v11 =	vmov v7;
	v6 =	vld [tilespmem:s18+$0x13280]  }
0x19d: {  	v10 =	vld [tilespmem:s18+$0x11290];
	v15 =	vadd.f32 v13, v12;
	v13 =	vmul.f32 v19, v4;
	v14 =	vsub.f32 v16, v18;
	[tilespmem:s4+$0x152B0] =	vst v17  }
0x19e: {  	s19 =	sadd.s32 $0x200, s19;
	s20 =	sadd.s32 $0x40, s20;
	v12 =	vmov v18;
	v7 =	vld [tilespmem:s18+$0x13290]  }
0x19f: {  	v16 =	vld [tilespmem:s18+$0x112A0];
	[tilespmem:s4+$0x15280] =	vst v15  }
0x1a0: {  	v15 =	vld [tilespmem:s18+$0x132A0];
	_ =	sdelay $0x1  }
0x1a1: {  	v8 =	vsub.f32 v8, v5  }
0x1a2: {  	v14 =	vmul.f32 v14, v4;
	v9 =	vsub.f32 v9, v6  }
0x1a3: {  	v11 =	vadd.f32 v13, v11;
	v8 =	vmul.f32 v8, v4;
	v10 =	vsub.f32 v10, v7  }
0x1a4: {  	v12 =	vadd.f32 v14, v12;
	v9 =	vmul.f32 v9, v4;
	v13 =	vsub.f32 v16, v15  }
0x1a5: {  	[tilespmem:s4+$0x15290] =	vst v11;
	v5 =	vadd.f32 v8, v5;
	v8 =	vmul.f32 v10, v4  }
0x1a6: {  	[tilespmem:s4+$0x152A0] =	vst v12;
	v6 =	vadd.f32 v9, v6;
	v4 =	vmul.f32 v13, v4  }
0x1a7: {  	[tilespmem:s18+$0x152B0] =	vst v5;
	v5 =	vadd.f32 v8, v7  }
0x1a8: {  	[tilespmem:s18+$0x15280] =	vst v6;
	v4 =	vadd.f32 v4, v15  }
0x1a9: {  	s2 =	simm.s32 $0x0;
	[tilespmem:s18+$0x15290] =	vst v5  }
0x1aa: {  	s3 =	sand.u32 $0x40, s2;
	s2 =	sand.u32 $0x1C00, s2;
	[tilespmem:s18+$0x152A0] =	vst v4  }
0x1ab: {  	s18 =	sor.u32 s3, s2;
	v4 =	vld [tilespmem:$0x171B0]  }
0x1ac: {  	v5 =	vld [tilespmem:s18+$0x11330]  }
0x1ad: {  	v6 =	vld [tilespmem:s18+$0x13330]  }
0x1ae: {  	v7 =	vld [tilespmem:s18+$0x11300]  }
0x1af: {  	v13 =	vld [tilespmem:s18+$0x13300]  }
0x1b0: {  	v10 =	vld [tilespmem:s18+$0x11310]  }
0x1b1: {  	s30 =	simm.s32 $0x200;
	s31 =	simm.s32 $0x40;
	v11 =	vld [tilespmem:s18+$0x13310]  }
0x1b2: {  	s3 =	sand.u32 $0x40, s31;
	s2 =	sand.u32 $0x1C00, s30;
	v14 =	vld [tilespmem:s18+$0x11320];
	v5 =	vsub.f32 v5, v6  }
0x1b3: {  	s4 =	sor.u32 s3, s2;
	v12 =	vld [tilespmem:s18+$0x13320]  }
0x1b4: {  	v8 =	vld [tilespmem:s4+$0x11330];
	v7 =	vsub.f32 v7, v13;
	v15 =	vmul.f32 v5, v4  }
0x1b5: {  	v5 =	vld [tilespmem:s4+$0x13330]  }
0x1b6: {  	v9 =	vld [tilespmem:s4+$0x11300];
	v16 =	vsub.f32 v10, v11;
	v7 =	vmul.f32 v7, v4;
	v15 =	vadd.f32 v15, v6  }
0x1b7: {  	v6 =	vld [tilespmem:s4+$0x13300]  }
0x1b8: {  	v10 =	vld [tilespmem:s4+$0x11310];
	v14 =	vsub.f32 v14, v12;
	[tilespmem:s18+$0x15330] =	vst v15;
	v15 =	vadd.f32 v7, v13;
	v13 =	vmul.f32 v16, v4  }
0x1b9: {  	s19 =	simm.s32 $0x400;
	s20 =	simm.s32 $0x80;
	s3 =	simm.s32 $0x4;
	v7 =	vld [tilespmem:s4+$0x13310]  }
.LBB2_18:
0x1ba: {  	s2 =	sand.u32 $0x40, s20;
	s29 =	sand.u32 $0x1C00, s19;
	v16 =	vld [tilespmem:s4+$0x11320];
	v17 =	vsub.f32 v8, v5;
	[tilespmem:s18+$0x15300] =	vst v15;
	v11 =	vadd.f32 v13, v11;
	v13 =	vmul.f32 v14, v4  }
0x1bb: {  	s3 =	sadd.s32 $0x4, s3;
	v14 =	vmov v5;
	s2 =	sor.u32 s2, s29;
	v18 =	vld [tilespmem:s4+$0x13320]  }
0x1bc: {  	p0 =	slt.u32 s3, $0x3C;
	v8 =	vld [tilespmem:s2+$0x11330];
	v15 =	vsub.f32 v9, v6;
	v17 =	vmul.f32 v17, v4;
	[tilespmem:s18+$0x15310] =	vst v11;
	v20 =	vadd.f32 v13, v12  }
.Ltmp8:
0x1bd: {  	v12 =	vmov v6;
	v5 =	vld [tilespmem:s2+$0x13330];
	(pc) =	sbr.rel @p0 .LBB2_18-.Ltmp8, $4  }
0x1be: {  	v9 =	vld [tilespmem:s2+$0x11300];
	v13 =	vmul.f32 v15, v4;
	v19 =	vsub.f32 v10, v7;
	v17 =	vadd.f32 v17, v14;
	[tilespmem:s18+$0x15320] =	vst v20;
	s18 =	smov.u32 s4;
	s4 =	smov.u32 s2  }
0x1bf: {  	v11 =	vmov v7;
	v6 =	vld [tilespmem:s4+$0x13300]  }
0x1c0: {  	v10 =	vld [tilespmem:s4+$0x11310];
	v15 =	vadd.f32 v13, v12;
	v13 =	vmul.f32 v19, v4;
	v14 =	vsub.f32 v16, v18;
	[tilespmem:s18+$0x15330] =	vst v17  }
0x1c1: {  	s19 =	sadd.s32 $0x200, s19;
	s20 =	sadd.s32 $0x40, s20;
	v12 =	vmov v18;
	v7 =	vld [tilespmem:s4+$0x13310]  }
0x1c2: {  	v16 =	vld [tilespmem:s4+$0x11320];
	[tilespmem:s18+$0x15300] =	vst v15  }
0x1c3: {  	v15 =	vld [tilespmem:s4+$0x13320];
	_ =	sdelay $0x1  }
0x1c4: {  	v8 =	vsub.f32 v8, v5  }
0x1c5: {  	v14 =	vmul.f32 v14, v4;
	v9 =	vsub.f32 v9, v6  }
0x1c6: {  	v11 =	vadd.f32 v13, v11;
	v8 =	vmul.f32 v8, v4;
	v10 =	vsub.f32 v10, v7  }
0x1c7: {  	v12 =	vadd.f32 v14, v12;
	v9 =	vmul.f32 v9, v4;
	v63 =	vsub.f32 v16, v15  }
0x1c8: {  	[tilespmem:s18+$0x15310] =	vst v11;
	v5 =	vadd.f32 v8, v5;
	v8 =	vmul.f32 v10, v4  }
0x1c9: {  	p0 =	por $0x0, $0x0;
	s2 =	simm.s32 $0x1;
	[tilespmem:s18+$0x15320] =	vst v12;
	v6 =	vadd.f32 v9, v6;
	v4 =	vmul.f32 v63, v4  }
0x1ca: {  	s2 =	simm.s32 @!p0 $0x0;
	[tilespmem:s4+$0x15330] =	vst v5;
	v5 =	vadd.f32 v8, v7  }
0x1cb: {  	s2 =	sshll.u32 s2, $0x6;
	[tilespmem:s4+$0x15300] =	vst v6;
	v4 =	vadd.f32 v4, v15  }
0x1cc: {  	s2 =	sadd.s32 $0x0, s2;
	[tilespmem:s4+$0x15310] =	vst v5  }
0x1cd: {  	s3 =	sor.u32 $0x200, s2;
	[tilespmem:s4+$0x15320] =	vst v4  }
0x1ce: {  	v5 =	vld [tilespmem:s3+$0x11180]  }
0x1cf: {  	v6 =	vld [tilespmem:s3+$0x13180];
	_ =	sdelay $0x1  }
0x1d0: {  	v4 =	vld [tilespmem:$0x171C0];
	_ =	sdelay $0x2  }
0x1d1: {  	v5 =	vsub.f32 v5, v6;
	_ =	sdelay $0x1  }
0x1d2: {  	v5 =	vmul.f32 v5, v4;
	_ =	sdelay $0x1  }
0x1d3: {  	v5 =	vadd.f32 v5, v6;
	_ =	sdelay $0x1  }
0x1d4: {  	s30 =	sor.u32 $0x210, s2;
	[tilespmem:s3+$0x15180] =	vst v5  }
0x1d5: {  	v5 =	vld [tilespmem:s30+$0x11180]  }
0x1d6: {  	v6 =	vld [tilespmem:s30+$0x13180];
	_ =	sdelay $0x4  }
0x1d7: {  	v5 =	vsub.f32 v5, v6;
	_ =	sdelay $0x1  }
0x1d8: {  	v5 =	vmul.f32 v5, v4;
	_ =	sdelay $0x1  }
0x1d9: {  	v5 =	vadd.f32 v5, v6;
	_ =	sdelay $0x1  }
0x1da: {  	s31 =	sor.u32 $0x220, s2;
	[tilespmem:s30+$0x15180] =	vst v5  }
0x1db: {  	v5 =	vld [tilespmem:s31+$0x11180]  }
0x1dc: {  	v6 =	vld [tilespmem:s31+$0x13180];
	_ =	sdelay $0x4  }
0x1dd: {  	v5 =	vsub.f32 v5, v6;
	_ =	sdelay $0x1  }
0x1de: {  	v5 =	vmul.f32 v5, v4;
	_ =	sdelay $0x1  }
0x1df: {  	v5 =	vadd.f32 v5, v6;
	_ =	sdelay $0x1  }
0x1e0: {  	s19 =	sor.u32 $0x230, s2;
	[tilespmem:s31+$0x15180] =	vst v5  }
0x1e1: {  	v6 =	vld [tilespmem:s19+$0x11180]  }
0x1e2: {  	v5 =	vld [tilespmem:s19+$0x13180];
	_ =	sdelay $0x4  }
0x1e3: {  	s18 =	simm.s32 $0x0;
	s4 =	simm.s32 $0x0;
	v6 =	vsub.f32 v6, v5  }
.LBB2_20:
0x1e4: {  	s18 =	sadd.s32 $0x4, s18  }
0x1e5: {  	s4 =	sadd.s32 $0x200, s4;
	p0 =	por !p0, !p0;
	s2 =	simm.s32 $0x1;
	v6 =	vmul.f32 v6, v4  }
0x1e6: {  	s2 =	simm.s32 @!p0 $0x0;
	p1 =	slt.u32 s18, $0x3C  }
0x1e7: {  	s2 =	sshll.u32 s2, $0x6;
	v5 =	vadd.f32 v6, v5  }
0x1e8: {  	s3 =	sadd.s32 s2, s4  }
0x1e9: {  	s2 =	sor.u32 $0x200, s3;
	[tilespmem:s19+$0x15180] =	vst v5  }
0x1ea: {  	v5 =	vld [tilespmem:s2+$0x11180]  }
0x1eb: {  	v6 =	vld [tilespmem:s2+$0x13180];
	_ =	sdelay $0x4  }
0x1ec: {  	v5 =	vsub.f32 v5, v6;
	_ =	sdelay $0x1  }
0x1ed: {  	v5 =	vmul.f32 v5, v4;
	_ =	sdelay $0x1  }
0x1ee: {  	v5 =	vadd.f32 v5, v6;
	_ =	sdelay $0x1  }
0x1ef: {  	[tilespmem:s2+$0x15180] =	vst v5;
	s2 =	sor.u32 $0x210, s3  }
0x1f0: {  	v5 =	vld [tilespmem:s2+$0x11180]  }
0x1f1: {  	v6 =	vld [tilespmem:s2+$0x13180];
	_ =	sdelay $0x4  }
0x1f2: {  	v5 =	vsub.f32 v5, v6;
	_ =	sdelay $0x1  }
0x1f3: {  	v5 =	vmul.f32 v5, v4;
	_ =	sdelay $0x1  }
0x1f4: {  	v5 =	vadd.f32 v5, v6;
	_ =	sdelay $0x1  }
0x1f5: {  	[tilespmem:s2+$0x15180] =	vst v5;
	s2 =	sor.u32 $0x220, s3  }
0x1f6: {  	v5 =	vld [tilespmem:s2+$0x11180]  }
0x1f7: {  	v6 =	vld [tilespmem:s2+$0x13180];
	_ =	sdelay $0x4  }
0x1f8: {  	v5 =	vsub.f32 v5, v6;
	_ =	sdelay $0x1  }
0x1f9: {  	v5 =	vmul.f32 v5, v4;
	_ =	sdelay $0x1  }
0x1fa: {  	v5 =	vadd.f32 v5, v6;
	_ =	sdelay $0x1  }
0x1fb: {  	s19 =	sor.u32 $0x230, s3;
	[tilespmem:s2+$0x15180] =	vst v5  }
0x1fc: {  	v6 =	vld [tilespmem:s19+$0x11180]  }
0x1fd: {  	v5 =	vld [tilespmem:s19+$0x13180]  }
.Ltmp9:
0x1fe: {  	(pc) =	sbr.rel @p1 .LBB2_20-.Ltmp9, $2  }
0x1ff: {  	_ =	sdelay $0x2  }
0x200: {  	v6 =	vsub.f32 v6, v5  }
0x201: {  	_ = 	snop  }
0x202: {  	p0 =	por $0x0, $0x0;
	s2 =	simm.s32 $0x1;
	v4 =	vmul.f32 v6, v4  }
0x203: {  	s2 =	simm.s32 @!p0 $0x0  }
0x204: {  	s2 =	sshll.u32 s2, $0x6;
	v4 =	vadd.f32 v4, v5  }
0x205: {  	s2 =	sadd.s32 $0x0, s2  }
0x206: {  	s3 =	sor.u32 $0x280, s2;
	[tilespmem:s19+$0x15180] =	vst v4  }
0x207: {  	v5 =	vld [tilespmem:s3+$0x11180]  }
0x208: {  	v6 =	vld [tilespmem:s3+$0x13180];
	_ =	sdelay $0x1  }
0x209: {  	v4 =	vld [tilespmem:$0x171D0];
	_ =	sdelay $0x2  }
0x20a: {  	v5 =	vsub.f32 v5, v6;
	_ =	sdelay $0x1  }
0x20b: {  	v5 =	vmul.f32 v5, v4;
	_ =	sdelay $0x1  }
0x20c: {  	v5 =	vadd.f32 v5, v6;
	_ =	sdelay $0x1  }
0x20d: {  	s30 =	sor.u32 $0x290, s2;
	[tilespmem:s3+$0x15180] =	vst v5  }
0x20e: {  	v5 =	vld [tilespmem:s30+$0x11180]  }
0x20f: {  	v6 =	vld [tilespmem:s30+$0x13180];
	_ =	sdelay $0x4  }
0x210: {  	v5 =	vsub.f32 v5, v6;
	_ =	sdelay $0x1  }
0x211: {  	v5 =	vmul.f32 v5, v4;
	_ =	sdelay $0x1  }
0x212: {  	v5 =	vadd.f32 v5, v6;
	_ =	sdelay $0x1  }
0x213: {  	s31 =	sor.u32 $0x2A0, s2;
	[tilespmem:s30+$0x15180] =	vst v5  }
0x214: {  	v5 =	vld [tilespmem:s31+$0x11180]  }
0x215: {  	v6 =	vld [tilespmem:s31+$0x13180];
	_ =	sdelay $0x4  }
0x216: {  	v5 =	vsub.f32 v5, v6;
	_ =	sdelay $0x1  }
0x217: {  	v5 =	vmul.f32 v5, v4;
	_ =	sdelay $0x1  }
0x218: {  	v5 =	vadd.f32 v5, v6;
	_ =	sdelay $0x1  }
0x219: {  	s19 =	sor.u32 $0x2B0, s2;
	[tilespmem:s31+$0x15180] =	vst v5  }
0x21a: {  	v6 =	vld [tilespmem:s19+$0x11180]  }
0x21b: {  	v5 =	vld [tilespmem:s19+$0x13180];
	_ =	sdelay $0x4  }
0x21c: {  	s4 =	simm.s32 $0x0;
	s18 =	simm.s32 $0x0;
	v6 =	vsub.f32 v6, v5  }
.LBB2_22:
0x21d: {  	s18 =	sadd.s32 $0x4, s18  }
0x21e: {  	s4 =	sadd.s32 $0x200, s4;
	p0 =	por !p0, !p0;
	s2 =	simm.s32 $0x1;
	v6 =	vmul.f32 v6, v4  }
0x21f: {  	s2 =	simm.s32 @!p0 $0x0;
	p1 =	slt.u32 s18, $0x3C  }
0x220: {  	s2 =	sshll.u32 s2, $0x6;
	v5 =	vadd.f32 v6, v5  }
0x221: {  	s3 =	sadd.s32 s2, s4  }
0x222: {  	s2 =	sor.u32 $0x280, s3;
	[tilespmem:s19+$0x15180] =	vst v5  }
0x223: {  	v5 =	vld [tilespmem:s2+$0x11180]  }
0x224: {  	v6 =	vld [tilespmem:s2+$0x13180];
	_ =	sdelay $0x4  }
0x225: {  	v5 =	vsub.f32 v5, v6;
	_ =	sdelay $0x1  }
0x226: {  	v5 =	vmul.f32 v5, v4;
	_ =	sdelay $0x1  }
0x227: {  	v5 =	vadd.f32 v5, v6;
	_ =	sdelay $0x1  }
0x228: {  	[tilespmem:s2+$0x15180] =	vst v5;
	s2 =	sor.u32 $0x290, s3  }
0x229: {  	v5 =	vld [tilespmem:s2+$0x11180]  }
0x22a: {  	v6 =	vld [tilespmem:s2+$0x13180];
	_ =	sdelay $0x4  }
0x22b: {  	v5 =	vsub.f32 v5, v6;
	_ =	sdelay $0x1  }
0x22c: {  	v5 =	vmul.f32 v5, v4;
	_ =	sdelay $0x1  }
0x22d: {  	v5 =	vadd.f32 v5, v6;
	_ =	sdelay $0x1  }
0x22e: {  	[tilespmem:s2+$0x15180] =	vst v5;
	s2 =	sor.u32 $0x2A0, s3  }
0x22f: {  	v5 =	vld [tilespmem:s2+$0x11180]  }
0x230: {  	v6 =	vld [tilespmem:s2+$0x13180];
	_ =	sdelay $0x4  }
0x231: {  	v5 =	vsub.f32 v5, v6;
	_ =	sdelay $0x1  }
0x232: {  	v5 =	vmul.f32 v5, v4;
	_ =	sdelay $0x1  }
0x233: {  	v5 =	vadd.f32 v5, v6;
	_ =	sdelay $0x1  }
0x234: {  	s19 =	sor.u32 $0x2B0, s3;
	[tilespmem:s2+$0x15180] =	vst v5  }
0x235: {  	v6 =	vld [tilespmem:s19+$0x11180]  }
0x236: {  	v5 =	vld [tilespmem:s19+$0x13180]  }
.Ltmp10:
0x237: {  	(pc) =	sbr.rel @p1 .LBB2_22-.Ltmp10, $2  }
0x238: {  	_ =	sdelay $0x2  }
0x239: {  	v6 =	vsub.f32 v6, v5  }
0x23a: {  	_ = 	snop  }
0x23b: {  	p0 =	por $0x0, $0x0;
	s2 =	simm.s32 $0x1;
	v4 =	vmul.f32 v6, v4  }
0x23c: {  	s2 =	simm.s32 @!p0 $0x0  }
0x23d: {  	s2 =	sshll.u32 s2, $0x6;
	v4 =	vadd.f32 v4, v5  }
0x23e: {  	s2 =	sadd.s32 $0x0, s2  }
0x23f: {  	s3 =	sor.u32 $0x300, s2;
	[tilespmem:s19+$0x15180] =	vst v4  }
0x240: {  	v5 =	vld [tilespmem:s3+$0x11180]  }
0x241: {  	v6 =	vld [tilespmem:s3+$0x13180];
	_ =	sdelay $0x1  }
0x242: {  	v4 =	vld [tilespmem:$0x171E0];
	_ =	sdelay $0x2  }
0x243: {  	v5 =	vsub.f32 v5, v6;
	_ =	sdelay $0x1  }
0x244: {  	v5 =	vmul.f32 v5, v4;
	_ =	sdelay $0x1  }
0x245: {  	v5 =	vadd.f32 v5, v6;
	_ =	sdelay $0x1  }
0x246: {  	s30 =	sor.u32 $0x310, s2;
	[tilespmem:s3+$0x15180] =	vst v5  }
0x247: {  	v5 =	vld [tilespmem:s30+$0x11180]  }
0x248: {  	v6 =	vld [tilespmem:s30+$0x13180];
	_ =	sdelay $0x4  }
0x249: {  	v5 =	vsub.f32 v5, v6;
	_ =	sdelay $0x1  }
0x24a: {  	v5 =	vmul.f32 v5, v4;
	_ =	sdelay $0x1  }
0x24b: {  	v5 =	vadd.f32 v5, v6;
	_ =	sdelay $0x1  }
0x24c: {  	s31 =	sor.u32 $0x320, s2;
	[tilespmem:s30+$0x15180] =	vst v5  }
0x24d: {  	v5 =	vld [tilespmem:s31+$0x11180]  }
0x24e: {  	v6 =	vld [tilespmem:s31+$0x13180];
	_ =	sdelay $0x4  }
0x24f: {  	v5 =	vsub.f32 v5, v6;
	_ =	sdelay $0x1  }
0x250: {  	v5 =	vmul.f32 v5, v4;
	_ =	sdelay $0x1  }
0x251: {  	v5 =	vadd.f32 v5, v6;
	_ =	sdelay $0x1  }
0x252: {  	s19 =	sor.u32 $0x330, s2;
	[tilespmem:s31+$0x15180] =	vst v5  }
0x253: {  	v6 =	vld [tilespmem:s19+$0x11180]  }
0x254: {  	v5 =	vld [tilespmem:s19+$0x13180];
	_ =	sdelay $0x4  }
0x255: {  	s4 =	simm.s32 $0x0;
	s18 =	simm.s32 $0x0;
	v6 =	vsub.f32 v6, v5  }
.LBB2_24:
0x256: {  	s18 =	sadd.s32 $0x4, s18  }
0x257: {  	s4 =	sadd.s32 $0x200, s4;
	p0 =	por !p0, !p0;
	s2 =	simm.s32 $0x1;
	v6 =	vmul.f32 v6, v4  }
0x258: {  	s2 =	simm.s32 @!p0 $0x0;
	p1 =	slt.u32 s18, $0x3C  }
0x259: {  	s2 =	sshll.u32 s2, $0x6;
	v5 =	vadd.f32 v6, v5  }
0x25a: {  	s3 =	sadd.s32 s2, s4  }
0x25b: {  	s2 =	sor.u32 $0x300, s3;
	[tilespmem:s19+$0x15180] =	vst v5  }
0x25c: {  	v5 =	vld [tilespmem:s2+$0x11180]  }
0x25d: {  	v6 =	vld [tilespmem:s2+$0x13180];
	_ =	sdelay $0x4  }
0x25e: {  	v5 =	vsub.f32 v5, v6;
	_ =	sdelay $0x1  }
0x25f: {  	v5 =	vmul.f32 v5, v4;
	_ =	sdelay $0x1  }
0x260: {  	v5 =	vadd.f32 v5, v6;
	_ =	sdelay $0x1  }
0x261: {  	[tilespmem:s2+$0x15180] =	vst v5;
	s2 =	sor.u32 $0x310, s3  }
0x262: {  	v5 =	vld [tilespmem:s2+$0x11180]  }
0x263: {  	v6 =	vld [tilespmem:s2+$0x13180];
	_ =	sdelay $0x4  }
0x264: {  	v5 =	vsub.f32 v5, v6;
	_ =	sdelay $0x1  }
0x265: {  	v5 =	vmul.f32 v5, v4;
	_ =	sdelay $0x1  }
0x266: {  	v5 =	vadd.f32 v5, v6;
	_ =	sdelay $0x1  }
0x267: {  	[tilespmem:s2+$0x15180] =	vst v5;
	s2 =	sor.u32 $0x320, s3  }
0x268: {  	v5 =	vld [tilespmem:s2+$0x11180]  }
0x269: {  	v6 =	vld [tilespmem:s2+$0x13180];
	_ =	sdelay $0x4  }
0x26a: {  	v5 =	vsub.f32 v5, v6;
	_ =	sdelay $0x1  }
0x26b: {  	v5 =	vmul.f32 v5, v4;
	_ =	sdelay $0x1  }
0x26c: {  	v5 =	vadd.f32 v5, v6;
	_ =	sdelay $0x1  }
0x26d: {  	s19 =	sor.u32 $0x330, s3;
	[tilespmem:s2+$0x15180] =	vst v5  }
0x26e: {  	v6 =	vld [tilespmem:s19+$0x11180]  }
0x26f: {  	v5 =	vld [tilespmem:s19+$0x13180]  }
.Ltmp11:
0x270: {  	(pc) =	sbr.rel @p1 .LBB2_24-.Ltmp11, $2  }
0x271: {  	_ =	sdelay $0x2  }
0x272: {  	v6 =	vsub.f32 v6, v5  }
0x273: {  	_ = 	snop  }
0x274: {  	v4 =	vmul.f32 v6, v4;
	_ =	sdelay $0x1  }
0x275: {  	s4 =	simm.s32 $0x0;
	v4 =	vadd.f32 v4, v5  }
0x276: {  	s2 =	sor.u32 s4, s4  }
0x277: {  	s3 =	sor.u32 $0x380, s2;
	[tilespmem:s19+$0x15180] =	vst v4  }
0x278: {  	v5 =	vld [tilespmem:s3+$0x11180]  }
0x279: {  	v6 =	vld [tilespmem:s3+$0x13180];
	_ =	sdelay $0x1  }
0x27a: {  	v4 =	vld [tilespmem:$0x171F0];
	_ =	sdelay $0x2  }
0x27b: {  	v5 =	vsub.f32 v5, v6;
	_ =	sdelay $0x1  }
0x27c: {  	v5 =	vmul.f32 v5, v4;
	_ =	sdelay $0x1  }
0x27d: {  	v5 =	vadd.f32 v5, v6;
	_ =	sdelay $0x1  }
0x27e: {  	s30 =	sor.u32 $0x390, s2;
	[tilespmem:s3+$0x15180] =	vst v5  }
0x27f: {  	v5 =	vld [tilespmem:s30+$0x11180]  }
0x280: {  	v6 =	vld [tilespmem:s30+$0x13180];
	_ =	sdelay $0x4  }
0x281: {  	v5 =	vsub.f32 v5, v6;
	_ =	sdelay $0x1  }
0x282: {  	v5 =	vmul.f32 v5, v4;
	_ =	sdelay $0x1  }
0x283: {  	v5 =	vadd.f32 v5, v6;
	_ =	sdelay $0x1  }
0x284: {  	s31 =	sor.u32 $0x3A0, s2;
	[tilespmem:s30+$0x15180] =	vst v5  }
0x285: {  	v5 =	vld [tilespmem:s31+$0x11180]  }
0x286: {  	v6 =	vld [tilespmem:s31+$0x13180];
	_ =	sdelay $0x4  }
0x287: {  	v5 =	vsub.f32 v5, v6;
	_ =	sdelay $0x1  }
0x288: {  	v5 =	vmul.f32 v5, v4;
	_ =	sdelay $0x1  }
0x289: {  	v5 =	vadd.f32 v5, v6;
	_ =	sdelay $0x1  }
0x28a: {  	s20 =	sor.u32 $0x3B0, s2;
	[tilespmem:s31+$0x15180] =	vst v5  }
0x28b: {  	v6 =	vld [tilespmem:s20+$0x11180]  }
0x28c: {  	v5 =	vld [tilespmem:s20+$0x13180];
	_ =	sdelay $0x4  }
0x28d: {  	s18 =	simm.s32 $0x0;
	s19 =	simm.s32 $0x0;
	v6 =	vsub.f32 v6, v5  }
.LBB2_26:
0x28e: {  	_ = 	snop  }
0x28f: {  	s18 =	sadd.s32 $0x4, s18;
	s4 =	sadd.s32 $0x200, s4;
	s19 =	sadd.s32 $0x40, s19;
	v6 =	vmul.f32 v6, v4  }
0x290: {  	p0 =	slt.u32 s18, $0x3C  }
0x291: {  	v5 =	vadd.f32 v6, v5  }
0x292: {  	s3 =	sor.u32 s19, s4  }
0x293: {  	s2 =	sor.u32 $0x380, s3;
	[tilespmem:s20+$0x15180] =	vst v5  }
0x294: {  	v5 =	vld [tilespmem:s2+$0x11180]  }
0x295: {  	v6 =	vld [tilespmem:s2+$0x13180];
	_ =	sdelay $0x4  }
0x296: {  	v5 =	vsub.f32 v5, v6;
	_ =	sdelay $0x1  }
0x297: {  	v5 =	vmul.f32 v5, v4;
	_ =	sdelay $0x1  }
0x298: {  	v5 =	vadd.f32 v5, v6;
	_ =	sdelay $0x1  }
0x299: {  	[tilespmem:s2+$0x15180] =	vst v5;
	s2 =	sor.u32 $0x390, s3  }
0x29a: {  	v5 =	vld [tilespmem:s2+$0x11180]  }
0x29b: {  	v6 =	vld [tilespmem:s2+$0x13180];
	_ =	sdelay $0x4  }
0x29c: {  	v5 =	vsub.f32 v5, v6;
	_ =	sdelay $0x1  }
0x29d: {  	v5 =	vmul.f32 v5, v4;
	_ =	sdelay $0x1  }
0x29e: {  	v5 =	vadd.f32 v5, v6;
	_ =	sdelay $0x1  }
0x29f: {  	[tilespmem:s2+$0x15180] =	vst v5;
	s2 =	sor.u32 $0x3A0, s3  }
0x2a0: {  	v5 =	vld [tilespmem:s2+$0x11180]  }
0x2a1: {  	v6 =	vld [tilespmem:s2+$0x13180];
	_ =	sdelay $0x4  }
0x2a2: {  	v5 =	vsub.f32 v5, v6;
	_ =	sdelay $0x1  }
0x2a3: {  	v5 =	vmul.f32 v5, v4;
	_ =	sdelay $0x1  }
0x2a4: {  	v5 =	vadd.f32 v5, v6;
	_ =	sdelay $0x1  }
0x2a5: {  	s20 =	sor.u32 $0x3B0, s3;
	[tilespmem:s2+$0x15180] =	vst v5  }
0x2a6: {  	v6 =	vld [tilespmem:s20+$0x11180]  }
0x2a7: {  	v5 =	vld [tilespmem:s20+$0x13180]  }
.Ltmp12:
0x2a8: {  	(pc) =	sbr.rel @p0 .LBB2_26-.Ltmp12, $2  }
0x2a9: {  	_ =	sdelay $0x2  }
0x2aa: {  	v6 =	vsub.f32 v6, v5  }
0x2ab: {  	_ = 	snop  }
0x2ac: {  	v4 =	vmul.f32 v6, v4;
	_ =	sdelay $0x1  }
0x2ad: {  	v4 =	vadd.f32 v4, v5;
	_ =	sdelay $0x1  }
0x2ae: {  	s18 =	simm.s32 $0x0;
	s2 =	rddreg [dreg:$0xe];
	s3 =	simm.s32 $0x15180;
	[tilespmem:s20+$0x15180] =	vst v4  }
0x2af: {  	[hbm4b:s2+s18] =	stream.linear.scatter [tilespmem:s3], [sflag:$0x3], $0x2000, $0x38;
	[tilespmem:$0x17200] =	vst v63  }
0x2b0: {  	_ =	swait.ge [sflag:s23], $0x2000  }
0x2b1: {  	s30 =	rddreg [dreg:$0x10]  }
0x2b2: {  	s31 =	rddreg [dreg:$0xf];
	s3 =	sadd.s32 $0x1, s30  }
0x2b3: {  	p0 =	sne.s32 s3, s31  }
.Ltmp13:
0x2b4: {  	_ = 	snop;
	(pc) =	sbr.rel @p0 .LBB2_1-.Ltmp13, $3  }
0x2b5: {  	_ =	sdelay $0x1  }
0x2b6: {  	[sflag:s23] =	ssyncset.done $0x0  }
0x2b7: {  	[sflag:s23] =	ssyncadd.s32 $0xFFFFE000  }
0x2b8: {  	_ =	sfence.sel $0x180000  }
0x2b9: {  	[bflag:$0x0] =	sbarrier.arrive $0xFFFF  }
0x2ba: {  	_ =	strace $0x90000047  }
0x2bb: {  	s0 =	stileid.u32;
	[bflag:$0x2] =	sbarrier.arrive $0xFFFF  }
0x2bc: {  	p0 =	sne.s32 s0, $0x0;
	s0 =	rddreg [dreg:$0x3]  }
0x2bd: {  	s0 =	sadd.s32 @!p0 $0x100000, s0  }
0x2be: {  	[sflag:s0] =	ssyncadd.tile.s32 @!p0 $0x1;
	_ =	shalt  }
.Lfunc_end2:
_tile_overlayer_lowered:
.L_overlay_start_2:
0x2bf: {  	(tag) =	ssettag $0x2  }
0x2c0: {  	s0 =	rddreg [dreg:$0x0];
	s2 =	stileid.u32  }
0x2c1: {  	s1 =	rddreg [dreg:$0x1];
	p0 =	sne.s32 s2, $0x0  }
0x2c2: {  	s3 =	rddreg [dreg:$0x2];
	[bflag:$0x3] =	sbarrier.arrive $0xFFFF;
	s2 =	simm.s32 @!p0 $0x1C03  }
0x2c3: {  	[timem:s3], [sflag:s2] =	dma.local @!p0 [hbm:s0], s1  }
0x2c4: {  	s0 =	simm.s32 @!p0 $0x3  }
0x2c5: {  	_ =	swait.ge @!p0 [sflag:s0], s1  }
0x2c6: {  	s1 =	ssub.s32 @!p0 $0x0, s1;
	[sflag:s0] =	ssyncset.done @!p0 $0x0  }
0x2c7: {  	[sflag:s0] =	ssyncadd.s32 @!p0 s1  }
0x2c8: {  	[bflag:$0x3] =	sbarrier.arrive $0xFFFF  }
0x2c9: {  	_ =	shalt  }

// kernel: sparse-core-data-format-call.cloned.1.call-start
scs
called_computation_lowered:
.L_overlay_start_0:
0x0: {  	s2 =	sld [smem:$0x3FD9]  }
0x1: {  	s3 =	sld [smem:$0x3FFE];
	_ =	sdelay $0x1  }
0x2: {  	s1 =	srdreg.scid  }
0x3: {  	s0 =	sand.u32 $0x1, s1  }
0x4: {  	s15 =	sshll.u32 s0, $0xA;
	s2 =	sadd.s32 s3, s2  }
0x5: {  	s2 =	sadd.s32 s2, s15  }
0x6: {  	[smem:$0x3FC6] =	sst s2  }
0x7: {  	_ = 	snop  }
0x8: {  	s2 =	sld [smem:$0x3FD0];
	_ =	sdelay $0x2  }
0x9: {  	s16 =	simm.s32 $0xA;
	s4 =	simm.s32 $0x10  }
0xa: {  	[smem:s4], [sflag:s16] =	dma.local [hbm:s2], $0x1  }
0xb: {  	_ =	swait.eq [sflag:s16], $0x1  }
0xc: {  	[sflag:s16] =	ssyncset.done $0x0  }
0xd: {  	[sflag:s16] =	ssyncadd.s32 $0xFFFFFFFF  }
0xe: {  	s17 =	sld [smem:$0x10];
	(tm) =	ssettm $0x1  }
0xf: {  	s18 =	sld [smem:$0x3FFB];
	_ =	sdelay $0x3  }
0x10: {  	_ =	strace s18  }
0x11: {  	s3 =	sld [smem:$0x3FFC];
	_ =	sdelay $0x3  }
0x12: {  	_ =	strace s3  }
0x13: {  	s3 =	sld [smem:$0x3FFD];
	_ =	sdelay $0x3  }
0x14: {  	_ =	strace s3  }
0x15: {  	_ =	strace $0x8FFFFFFF  }
0x16: {  	s19 =	sld [smem:$0x3FDB];
	_ =	sdelay $0x1  }
0x17: {  	s20 =	simm.s32 $_scs_section_size  }
0x18: {  	s5 =	simm.s32 $_size__tile_overlayer_lowered;
	s6 =	simm.s32 $_tile_overlayer_lowered  }
0x19: {  	s23 =	simm.s32 $0x1BFF;
	s22 =	sshll.u32 s6, $0x1;
	s3 =	sadd.s32 s20, s19  }
0x1a: {  	s7 =	simm.s32 $0x0;
	s21 =	sshll.u32 s5, $0x1;
	s5 =	sadd.s32 s22, s3  }
0x1b: {  	[timem:s7], [sflag:s23] =	dma.local [hbm:s5], s21  }
0x1c: {  	_ =	swait.ge [sflag:s23], s21  }
0x1d: {  	s4 =	ssub.s32 $0x0, s21;
	[sflag:s23] =	ssyncset.done $0x0  }
0x1e: {  	[sflag:s23] =	ssyncadd.s32 s4;
	_ =	sdelay $0x1  }
0x1f: {  	s24 =	simm.s32 $0x1B8B  }
0x20: {  	_ =	swait.ge [sflag:s24], $0x1  }
0x21: {  	[sflag:s24] =	ssyncset.done $0x0  }
0x22: {  	s26 =	simm.s32 $0x1B8E;
	s25 =	sld [smem:$0x3FFE];
	[sflag:s24] =	ssyncadd.s32 $0xFFFFFFFF  }
0x23: {  	s27 =	simm.s32 $execute0_lowered;
	[smem:$0x3FD2] =	sst s26  }
0x24: {  	s5 =	sshll.u32 s27, $0x1;
	_ =	strace $0x80000049;
	[dreg:$0x1] =	wrdreg $0xFFFFFFFF  }
0x25: {  	s28 =	simm.s32 $_size_execute0_lowered;
	s3 =	sadd.s32 s3, s5;
	[dreg:$0x0] =	wrdreg $0x0  }
0x26: {  	s5 =	sshll.u32 s28, $0x1;
	[dreg:$0x2] =	wrdreg s3  }
0x27: {  	[dreg:$0x3] =	wrdreg s5  }
0x28: {  	[dreg:$0x4] =	wrdreg $0xC0  }
0x29: {  	_ =	task [dreg:s7], $0x5FFFF  }
0x2a: {  	[dreg:$0x1] =	wrdreg $0xFFFFFFFF  }
0x2b: {  	[dreg:$0x0] =	wrdreg $0x60  }
0x2c: {  	[dreg:$0x2] =	wrdreg s25  }
0x2d: {  	[dreg:$0x3] =	wrdreg s17  }
0x2e: {  	[dreg:$0x4] =	wrdreg $0x9  }
0x2f: {  	_ =	task.clear_ibuf [dreg:s7], $0x5FFFF;
	_ =	strace $0x90000049  }
0x30: {  	s29 =	simm.s32 $0x9;
	_ =	strace $0x8000004B  }
0x31: {  	_ =	swait.ge [sflag:s29], $0x1  }
0x32: {  	[sflag:s29] =	ssyncadd.s32 $0xFFFFFFFF  }
0x33: {  	_ =	strace $0x9000004B  }
0x34: {  	_ =	sfence  }
0x35: {  	s30 =	sld [smem:$0x0];
	_ =	sdelay $0x2  }
0x36: {  	s31 =	sshll.u32 s1, $0xD;
	s1 =	sshrl.u32 s1, $0x2  }
0x37: {  	s3 =	sand.u32 $0x4000, s31;
	s1 =	sadd.s32 s1, s30  }
0x38: {  	s0 =	sor.u32 s3, s0;
	s1 =	sshll.u32 s1, $0x11  }
0x39: {  	s0 =	sor.u32 s1, s0  }
0x3a: {  	s0 =	sadd.s32 $0x8F2B, s0  }
0x3b: {  	[sflag:s0] =	ssyncadd.remote.s32 $0x1  }
0x3c: {  	_ =	sfence.sel $0xFFFF  }
0x3d: {  	[dreg:$0x0] =	wrdreg $0xFFFFFFFF;
	(pc) =	sbr.abs _section_cstart, $3  }
0x3e: {  	[dreg:$0x1] =	wrdreg $0xFFFFFFFF  }
0x3f: {  	_ =	task.clear_ibuf [dreg:s7], $0x2FFFF;
	_ =	strace $0x9FFFFFFF  }
0x40: {  	(tm) =	ssettm $0x7FFFFFFF  }
0x41: {  	_ =	shalt  }
tec
execute0_lowered:
.L_overlay_start_1:
0x0: {  	(tag) =	ssettag $0x1  }
0x1: {  	s0 =	stileid.u32;
	s4 =	rddreg [dreg:$0x0]  }
0x2: {  	_ =	strace $0x8000004A;
	s6 =	srdreg.scid;
	s31 =	simm.s32 $0x2  }
0x3: {  	s19 =	simm.s32 $0x0;
	p0 =	por $0x0, $0x0;
	s9 =	simm.s32 $0x800  }
0x4: {  	s21 =	simm.s32 $0x0;
	s22 =	simm.s32 $0x0;
	s20 =	simm.s32 $0x0  }
0x5: {  	s10 =	simm.s32 $0x0;
	s12 =	simm.s32 $0x0;
	s1 =	sshll.u32 s0, $0x7  }
0x6: {  	s13 =	simm.s32 $0x0;
	s14 =	simm.s32 $0x0;
	s3 =	sand.u32 $0x80, s1  }
0x7: {  	s16 =	simm.s32 $0x0;
	s18 =	simm.s32 $0x0;
	s5 =	ssub.s32 $0x100, s3  }
0x8: {  	s6 =	sshll.u32 s6, $0x4;
	s4 =	sadd.s32 $0x4C6E00, s4;
	s7 =	sshrl.u32 s5, $0x7  }
.Ltmp0:
0x9: {  	s5 =	sshrl.u32 s5, $0x8;
	s7 =	sand.u32 $0x1, s7;
	(pc) =	sbr.rel .LBB1_1-.Ltmp0, $4  }
0xa: {  	s6 =	sand.u32 $0x10, s6;
	s1 =	simm.s32 $0x0;
	s7 =	sadd.s32 s5, s7  }
0xb: {  	s8 =	sor.u32 s0, s6;
	s5 =	simm.s32 $0x1;
	s6 =	smul.u32 $0x54, s7  }
0xc: {  	s17 =	smov.u32 s3;
	s7 =	sshrl.u32 s8, $0x1;
	[sflag:s5] =	ssyncpa.u1 $0x0  }
0xd: {  	[sflag:s31] =	ssyncpa.u1 $0x0;
	s15 =	smov.u32 s7;
	s8 =	sor.u32 $0x1, s6  }
.LBB1_4:
0xe: {  	v5 =	vld [tilespmem:s24+$0xFFFFFFD0]  }
0xf: {  	s27 =	sshra.s32 s27, $0x2;
	v58 =	vld [tilespmem:s24+$0xFFFFFFE0]  }
0x10: {  	s31 =	sshll.u32 s10, $0x8;
	p1 =	sgt.s32 s12, $0x2;
	s28 =	smov.u32 s12;
	v59 =	vld [tilespmem:s24+$0xFFFFFFF0]  }
0x11: {  	s29 =	sshra.s32 s12, $0x1F;
	s30 =	sshll.u32 s13, $0x3;
	s2 =	sshra.s32 s13, $0x1F;
	v60 =	vld [tilespmem:s24+$0x0]  }
0x12: {  	s11 =	smov.u32 s1;
	v61 =	vld [tilespmem:s24+$0x10];
	s26 =	sadd.s32 s27, s26;
	s28 =	simm.s32 @!p1 $0x2  }
0x13: {  	v62 =	vld [tilespmem:s24+$0x20];
	s29 =	sand.u32 s29, s12;
	s27 =	sand.u32 $0xFFFFF800, s31;
	s30 =	sand.u32 $0xFFFFFC00, s30  }
0x14: {  	v63 =	vld [tilespmem:s24+$0xFFFFFFC0];
	s24 =	smul.u32 $0x188000, s12;
	s28 =	ssub.s32 s28, s29;
	s27 =	sadd.s32 s30, s27  }
0x15: {  	s29 =	sshll.u32 s10, $0x7;
	s30 =	smov.u32 s13;
	s0 =	sadd.s32 $0xFFFFFFFE, s28  }
0x16: {  	s31 =	sand.u32 $0x300, s29;
	s28 =	ssub.s32 $0x3, s28;
	s29 =	sand.u32 $0x80, s29  }
0x17: {  	p1 =	sgt.s32 s0, $0x0;
	s27 =	sor.u32 s31, s27;
	s0 =	sshra.s32 s1, $0x1F  }
0x18: {  	s31 =	sand.u32 s2, s13;
	s2 =	sshra.s32 s10, $0x1F;
	s28 =	simm.s32 @p1 $0x0  }
0x19: {  	p1 =	sgt.s32 s13, $0x80;
	s27 =	sshrl.u32 s27, $0x8;
	s0 =	sand.u32 s0, s1  }
0x1a: {  	s2 =	sand.u32 s2, s10;
	s30 =	simm.s32 @!p1 $0x80;
	p1 =	sgt.s32 s1, $0xDF  }
0x1b: {  	s11 =	simm.s32 @!p1 $0xDF;
	s30 =	ssub.s32 s30, s31;
	p1 =	sgt.s32 s10, $0x60  }
0x1c: {  	[tilespmem:s25+$0x2040 ss:$0x81] =	vst.msk $0xffff, v4;
	s0 =	ssub.s32 s11, s0;
	s11 =	smov.u32 s10;
	s31 =	sadd.s32 $0xFFFFFF80, s30  }
0x1d: {  	[tilespmem:s25+$0x2850 ss:$0x81] =	vst.msk $0xffff, v3;
	s30 =	ssub.s32 $0x100, s30;
	s11 =	simm.s32 @!p1 $0x60;
	p1 =	sgt.s32 s31, $0x7F  }
0x1e: {  	[tilespmem:s25+$0x3060 ss:$0x81] =	vst.msk $0xffff, v2;
	s31 =	sadd.s32 $0xFFFFFF21, s0;
	s0 =	ssub.s32 $0xE0, s0;
	s30 =	simm.s32 @p1 $0x0  }
0x1f: {  	[tilespmem:s25+$0x0 ss:$0x81] =	vst.msk $0xffff, v1;
	p1 =	sgt.s32 s31, $0x0;
	s31 =	smulhi.u32 $0x124924A, s27;
	s2 =	ssub.s32 s11, s2  }
0x20: {  	[tilespmem:s26+$0x3870 ss:$0x81] =	vst.msk $0xffff, v0;
	s25 =	smul.u32 s30, s28;
	s30 =	sand.u32 $0x78, s13;
	s0 =	simm.s32 @p1 $0x0  }
0x21: {  	[tilespmem:s26+$0x810 ss:$0x81] =	vst.msk $0xffff, v5;
	s28 =	smul.u32 $0xE0, s31;
	s31 =	sadd.s32 $0xFFFFFFA0, s2;
	s2 =	ssub.s32 $0xE0, s2  }
0x22: {  	[tilespmem:s26+$0x1020 ss:$0x81] =	vst.msk $0xffff, v58;
	s29 =	sor.u32 s30, s29;
	s0 =	smul.u32 s0, s25;
	p1 =	sgt.s32 s31, $0x7F  }
0x23: {  	[tilespmem:s26+$0x1830 ss:$0x81] =	vst.msk $0xffff, v59;
	s30 =	smul.u32 $0x1C00, s1;
	s31 =	rddreg [dreg:$0x1];
	s2 =	simm.s32 @p1 $0x0  }
0x24: {  	[tilespmem:s26+$0x2040 ss:$0x81] =	vst.msk $0xffff, v60;
	s27 =	ssub.s32 s27, s28;
	s0 =	smul.u32 s2, s0;
	s2 =	sadd.s32 s31, s24  }
0x25: {  	[tilespmem:s26+$0x2850 ss:$0x81] =	vst.msk $0xffff, v61;
	s28 =	sshrl.u32 s29, $0x3;
	s29 =	sand.u32 $0x7, s13;
	s2 =	sadd.s32 s30, s2  }
0x26: {  	[tilespmem:s26+$0x3060 ss:$0x81] =	vst.msk $0xffff, v62;
	s31 =	sshll.u32 s29, $0x12;
	s30 =	sshll.u32 s27, $0x5;
	s2 =	sadd.s32 s28, s2  }
0x27: {  	[tilespmem:s26+$0x0 ss:$0x81] =	vst.msk $0xffff, v63;
	s11 =	sor.u32 $0x400, s31;
	s0 =	sand.u32 $0x3FFFFFFF, s0;
	s2 =	sadd.s32 s30, s2  }
0x28: {  	[hbm4b:s2+s11] =	stream.strided.scatter [tilespmem:s23], [sflag:$0x2], s0, s9, s11, $0x20;
	[tilespmem:$0x10100] =	vst v63  }
.LBB1_5:
0x29: {  	p1 =	slt.u32 s18, $0x2;
	s0 =	smov.u32 s22  }
0x2a: {  	s11 =	smov.u32 s21;
	s23 =	sadd.s32 $0x80, s14;
	s24 =	smov.u32 s15  }
0x2b: {  	s25 =	smov.u32 s17;
	p0 =	por !p0, !p0;
	p2 =	sgt.s32 @!p1 s22, $0x2  }
0x2c: {  	s2 =	sshra.s32 @!p1 s22, $0x1F;
	p4 =	sgt.s32 @!p1 s19, $0x60;
	p2 =	por !p2, p1  }
0x2d: {  	s2 =	sand.u32 @!p1 s2, s22;
	s0 =	simm.s32 @p2 $0x2;
	p2 =	sgt.s32 @!p1 s21, $0xDF  }
0x2e: {  	s22 =	sshra.s32 @!p1 s21, $0x1F;
	s0 =	ssub.s32 @!p1 s0, s2;
	p2 =	por !p2, p1  }
0x2f: {  	s2 =	sadd.s32 @!p1 $0xFFFFFFFE, s0;
	s11 =	simm.s32 @p2 $0xDF;
	s0 =	ssub.s32 @!p1 $0x3, s0  }
0x30: {  	p3 =	sgt.s32 @!p1 s2, $0x0;
	s2 =	sand.u32 @!p1 s22, s21;
	s21 =	sshra.s32 @!p1 s20, $0x1F  }
0x31: {  	s22 =	smov.u32 s12;
	p2 =	por !p3, p1;
	s2 =	ssub.s32 @!p1 s11, s2  }
0x32: {  	p3 =	sgt.s32 @!p1 s20, $0x80;
	s0 =	simm.s32 @!p2 $0x0;
	s11 =	sadd.s32 @!p1 $0xFFFFFF21, s2  }
0x33: {  	p3 =	por !p3, p1;
	p2 =	sgt.s32 @!p1 s11, $0x0;
	s11 =	smov.u32 s20  }
0x34: {  	s2 =	ssub.s32 @!p1 $0xE0, s2;
	s20 =	sand.u32 @!p1 s21, s20;
	s11 =	simm.s32 @p3 $0x80  }
0x35: {  	s21 =	smov.u32 s19;
	s11 =	ssub.s32 @!p1 s11, s20;
	s20 =	sshra.s32 @!p1 s19, $0x1F  }
0x36: {  	p2 =	por !p2, p1;
	s19 =	sand.u32 @!p1 s20, s19;
	s20 =	sadd.s32 @!p1 $0xFFFFFF80, s11  }
0x37: {  	p3 =	por !p4, p1;
	s2 =	simm.s32 @!p2 $0x0;
	p2 =	sgt.s32 @!p1 s20, $0x7F  }
0x38: {  	s21 =	simm.s32 @p3 $0x60;
	s11 =	ssub.s32 @!p1 $0x100, s11;
	p2 =	por !p2, p1  }
0x39: {  	s12 =	smov.u32 s16;
	s19 =	ssub.s32 @!p1 s21, s19;
	s11 =	simm.s32 @!p2 $0x0  }
0x3a: {  	p2 =	sgt.s32 s23, $0xDF;
	s0 =	smul.u32 @!p1 s11, s0;
	s11 =	sadd.s32 $0x10, s15  }
0x3b: {  	s21 =	smov.u32 s1;
	s1 =	smov.u32 s15;
	s24 =	smov.u32 @p2 s11  }
0x3c: {  	s0 =	smul.u32 @!p1 s2, s0;
	p4 =	sgt.s32 s24, $0xDF;
	s2 =	simm.s32 $0x1  }
0x3d: {  	s20 =	sadd.s32 @!p1 $0xFFFFFFA0, s19;
	s19 =	ssub.s32 @!p1 $0xE0, s19;
	s2 =	simm.s32 @!p4 $0x0  }
0x3e: {  	p3 =	sgt.s32 @!p1 s20, $0x7F;
	s20 =	smov.u32 s13;
	s2 =	sadd.s32 s2, s16  }
0x3f: {  	s23 =	simm.s32 @p2 $0x0;
	s11 =	sadd.s32 $0x100, s17;
	p2 =	sgt.s32 s2, $0x2  }
0x40: {  	s13 =	smov.u32 s17;
	p3 =	por !p3, p1;
	s25 =	smov.u32 @p2 s11  }
0x41: {  	s19 =	simm.s32 @!p3 $0x0;
	s2 =	simm.s32 @p2 $0x0;
	p2 =	sgt.s32 s25, $0xFF  }
0x42: {  	s0 =	smul.u32 @!p1 s19, s0;
	s25 =	smov.u32 @p2 s3;
	p2 =	sne.s32 s18, s8  }
.Ltmp1:
0x43: {  	s24 =	smov.u32 @p4 s7;
	s19 =	smov.u32 s10;
	(pc) =	sbr.rel @!p2 .LBB1_6-.Ltmp1, $4  }
0x44: {  	s10 =	smov.u32 s14;
	s0 =	sand.u32 @!p1 $0x3FFFFFFF, s0;
	s11 =	simm.s32 @!p1 $0x2  }
0x45: {  	s14 =	smov.u32 s23;
	s15 =	smov.u32 s24;
	_ =	swait.ge @!p1 [sflag:s11], s0  }
0x46: {  	s0 =	ssub.s32 @!p1 $0x0, s0;
	s16 =	smov.u32 s2;
	[sflag:s11] =	ssyncset.done @!p1 $0x0  }
0x47: {  	s18 =	sadd.s32 $0x1, s18;
	[sflag:s11] =	ssyncadd.s32 @!p1 s0;
	s17 =	smov.u32 s25  }
.LBB1_1:
0x48: {  	p1 =	sge.u32 s18, s6  }
0x49: {  	s23 =	sshll.u32 @!p1 s15, $0x8;
	s24 =	sshll.u32 @!p1 s14, $0x3  }
0x4a: {  	s25 =	sshll.u32 @!p1 s15, $0x7;
	s23 =	sand.u32 @!p1 $0xFFFFF800, s23;
	s24 =	sand.u32 @!p1 $0xFFFFFC00, s24  }
0x4b: {  	s23 =	sadd.s32 @!p1 s23, s24;
	s24 =	sand.u32 @!p1 $0x300, s25  }
0x4c: {  	s23 =	sor.u32 @!p1 s24, s23  }
0x4d: {  	s23 =	sshrl.u32 @!p1 s23, $0x8  }
0x4e: {  	s24 =	smulhi.u32 @!p1 $0x124924A, s23  }
0x4f: {  	s31 =	sadd.s32 $0xFFFFFFFF, s18;
	s26 =	sxor.u32 @!p1 $0xFFFFFFFF, s18;
	s28 =	smul.u32 @!p1 $0x5400, s17  }
0x50: {  	s27 =	sand.u32 @!p1 $0x78, s14;
	s25 =	sand.u32 @!p1 $0x80, s25;
	s24 =	smul.u32 @!p1 $0xE0, s24  }
0x51: {  	s26 =	sshll.u32 @!p1 s26, $0xE;
	s25 =	sor.u32 @!p1 s27, s25;
	s27 =	smul.u32 @!p1 $0x1C00, s16  }
0x52: {  	s23 =	ssub.s32 @!p1 s23, s24;
	s24 =	sand.u32 @!p1 $0x4000, s26;
	s26 =	sadd.s32 @!p1 s4, s28  }
0x53: {  	s25 =	sshrl.u32 @!p1 s25, $0x3;
	s26 =	sadd.s32 @!p1 s27, s26;
	s27 =	sand.u32 @!p1 $0x7, s14  }
0x54: {  	s23 =	sshll.u32 @!p1 s23, $0x5;
	s25 =	sadd.s32 @!p1 s25, s26;
	s26 =	sshll.u32 @!p1 s27, $0x12  }
0x55: {  	s23 =	sadd.s32 @!p1 s23, s25;
	s25 =	sor.u32 @!p1 $0x80, s26;
	s26 =	simm.s32 @!p1 $0x2A000  }
0x56: {  	[tilespmem:s24], [sflag:$0x1] =	stream.strided.gather @!p1 [hbm4b:s23+s25], $0x4000, s26, s25, $0x38;
	[tilespmem:$0x10100] =	vst v63  }
0x57: {  	p1 =	sge.u32 s31, s6  }
.Ltmp2:
0x58: {  	_ = 	snop;
	(pc) =	sbr.rel @p1 .LBB1_5-.Ltmp2, $1  }
0x59: {  	_ =	sdelay $0x3  }
0x5a: {  	s23 =	simm.s32 $0x1  }
0x5b: {  	_ =	swait.ge [sflag:s5], $0x4000;
	s23 =	simm.s32 @!p0 $0x0  }
0x5c: {  	[sflag:s5] =	ssyncset.done $0x0;
	s24 =	sshll.u32 s23, $0xE  }
0x5d: {  	[sflag:s5] =	ssyncadd.s32 $0xFFFFC000;
	s24 =	sor.u32 $0x40, s24  }
0x5e: {  	s23 =	smul.u32 $0x10200, s23;
	v0 =	vld [tilespmem:s24+$0x30]  }
0x5f: {  	v1 =	vld [tilespmem:s24+$0xFFFFFFD0]  }
0x60: {  	s23 =	sshrl.u32 s23, $0x2;
	v5 =	vld [tilespmem:s24+$0xFFFFFFE0]  }
0x61: {  	v6 =	vld [tilespmem:s24+$0xFFFFFFF0];
	s26 =	sor.u32 $0x8000, s23  }
0x62: {  	s31 =	sand.u32 $0x1, s18;
	v4 =	vld [tilespmem:s24+$0x0];
	s25 =	sadd.s32 $0x0, s26  }
0x63: {  	v3 =	vld [tilespmem:s24+$0x10];
	s23 =	smul.u32 $0x10200, s31;
	[tilespmem:s25+$0x3870 ss:$0x81] =	vst.msk $0xffff, v0  }
0x64: {  	v2 =	vld [tilespmem:s24+$0x20];
	[tilespmem:s25+$0x810 ss:$0x81] =	vst.msk $0xffff, v1  }
0x65: {  	s23 =	sshrl.u32 s23, $0x2;
	v1 =	vld [tilespmem:s24+$0xFFFFFFC0];
	[tilespmem:s25+$0x1020 ss:$0x81] =	vst.msk $0xffff, v5;
	s24 =	sadd.s32 $0x80, s24  }
0x66: {  	s27 =	simm.s32 $0x4;
	s28 =	simm.s32 $0x8;
	s23 =	sor.u32 $0x8000, s23;
	[tilespmem:s25+$0x1830 ss:$0x81] =	vst.msk $0xffff, v6;
	v0 =	vld [tilespmem:s24+$0x30]  }
.LBB1_3:
0x67: {  	p1 =	sne.s32 s28, $0x1FC;
	v5 =	vld [tilespmem:s24+$0xFFFFFFD0];
	[tilespmem:s25+$0x2040 ss:$0x81] =	vst.msk $0xffff, v4  }
0x68: {  	v6 =	vld [tilespmem:s24+$0xFFFFFFE0];
	[tilespmem:s25+$0x2850 ss:$0x81] =	vst.msk $0xffff, v3  }
0x69: {  	s29 =	sshra.s32 s27, $0x2;
	s27 =	smov.u32 s28;
	v7 =	vld [tilespmem:s24+$0xFFFFFFF0];
	[tilespmem:s25+$0x3060 ss:$0x81] =	vst.msk $0xffff, v2  }
.Ltmp3:
0x6a: {  	v4 =	vld [tilespmem:s24+$0x0];
	[tilespmem:s25+$0x0 ss:$0x81] =	vst.msk $0xffff, v1;
	s25 =	sadd.s32 s29, s26;
	(pc) =	sbr.rel @p1 .LBB1_3-.Ltmp3, $4  }
0x6b: {  	v3 =	vld [tilespmem:s24+$0x10];
	[tilespmem:s25+$0x3870 ss:$0x81] =	vst.msk $0xffff, v0  }
0x6c: {  	[tilespmem:s25+$0x810 ss:$0x81] =	vst.msk $0xffff, v5;
	v2 =	vld [tilespmem:s24+$0x20]  }
0x6d: {  	v1 =	vld [tilespmem:s24+$0xFFFFFFC0];
	[tilespmem:s25+$0x1020 ss:$0x81] =	vst.msk $0xffff, v6;
	s24 =	sadd.s32 $0x80, s24  }
0x6e: {  	s28 =	sadd.s32 $0x4, s28;
	v0 =	vld [tilespmem:s24+$0x30];
	[tilespmem:s25+$0x1830 ss:$0x81] =	vst.msk $0xffff, v7  }
.Ltmp4:
0x6f: {  	_ = 	snop;
	(pc) =	sbr.rel .LBB1_4-.Ltmp4, $1  }
0x70: {  	_ =	sdelay $0x3  }
.LBB1_6:
0x71: {  	_ =	sfence.sel $0x180000  }
0x72: {  	s0 =	simm.s32 $0x1;
	[bflag:$0x0] =	sbarrier.arrive $0xFFFF  }
0x73: {  	s30 =	simm.s32 $0x2;
	[sflag:s0] =	ssyncpa.u1 $0x1  }
0x74: {  	[sflag:s30] =	ssyncpa.u1 $0x1  }
0x75: {  	_ =	strace $0x9000004A  }
0x76: {  	s31 =	stileid.u32;
	[bflag:$0x2] =	sbarrier.arrive $0xFFFF  }
0x77: {  	p0 =	sne.s32 s31, $0x0;
	s0 =	rddreg [dreg:$0x2]  }
0x78: {  	s0 =	sadd.s32 @!p0 $0x100000, s0  }
0x79: {  	[sflag:s0] =	ssyncadd.tile.s32 @!p0 $0x1;
	_ =	shalt  }
.Lfunc_end1:
_tile_overlayer_lowered:
.L_overlay_start_2:
0x7a: {  	(tag) =	ssettag $0x2  }
0x7b: {  	s0 =	rddreg [dreg:$0x0];
	s2 =	stileid.u32  }
0x7c: {  	s1 =	rddreg [dreg:$0x1];
	p0 =	sne.s32 s2, $0x0  }
0x7d: {  	s3 =	rddreg [dreg:$0x2];
	[bflag:$0x3] =	sbarrier.arrive $0xFFFF;
	s2 =	simm.s32 @!p0 $0x1C01  }
0x7e: {  	[timem:s3], [sflag:s2] =	dma.local @!p0 [hbm:s0], s1  }
0x7f: {  	s0 =	simm.s32 @!p0 $0x1  }
0x80: {  	_ =	swait.ge @!p0 [sflag:s0], s1  }
0x81: {  	s1 =	ssub.s32 @!p0 $0x0, s1;
	[sflag:s0] =	ssyncset.done @!p0 $0x0  }
0x82: {  	[sflag:s0] =	ssyncadd.s32 @!p0 s1  }
0x83: {  	[bflag:$0x3] =	sbarrier.arrive $0xFFFF  }
0x84: {  	_ =	shalt  }

</sc_bundles>
